<compile_context>
chip_gen: v7x
topology: tpu7x:2x2x1
jax: 0.10.2.dev20260603
libtpu: 0.0.44.dev20260713+nightly
codegen_flags: <defaults>
</compile_context>

<pallas_src>
import functools

import jax
import jax.numpy as jnp
from jax import lax
from jax.experimental import pallas as pl
from jax.experimental.pallas import tpu as pltpu
from jax.experimental.pallas import tpu_sc as plsc

_ROWS = 320000
_COLS = 128

_NC = 2
_NS = 16
_NW = _NC * _NS
_SC_ROWS = 81920
_CH = 256
_SC_BASE = _ROWS - _SC_ROWS

_TC_ROWS = _ROWS - _SC_ROWS
_TC_NBLK = 8
_TC_BLOCK = _TC_ROWS // _TC_NBLK


def _tc_sum_kernel(x_ref, o_ref):
    i = pl.program_id(0)

    @pl.when(i == 0)
    def _init():
        o_ref[...] = jnp.zeros_like(o_ref)

    o_ref[...] += jnp.sum(x_ref[...], axis=0, keepdims=True)


def _tc_partial(x):
    return pl.pallas_call(
        _tc_sum_kernel,
        grid=(_TC_NBLK,),
        in_specs=[pl.BlockSpec((_TC_BLOCK, _COLS), lambda i: (i, 0))],
        out_specs=pl.BlockSpec((1, _COLS), lambda i: (0, 0)),
        out_shape=jax.ShapeDtypeStruct((1, _COLS), jnp.float32),
        compiler_params=pltpu.CompilerParams(skip_device_barrier=True),
    )(x)


_ROWS_PER_W = _SC_ROWS // _NW
_NCHUNK = _ROWS_PER_W // _CH


@functools.partial(
    pl.kernel,
    mesh=plsc.VectorSubcoreMesh(
        core_axis_name="c", subcore_axis_name="s", num_cores=_NC
    ),
    out_type=jax.ShapeDtypeStruct((_NW, _COLS), jnp.float32),
    scratch_types=[
        pltpu.VMEM((_CH, _COLS), jnp.float32),
        pltpu.VMEM((_CH, _COLS), jnp.float32),
        pltpu.VMEM((_COLS,), jnp.float32),
        pltpu.SemaphoreType.DMA,
        pltpu.SemaphoreType.DMA,
    ],
)
def _sc_partial_kernel(x_hbm, out_hbm, buf0, buf1, acc_v, sem0, sem1):
    wid = lax.axis_index("s") * _NC + lax.axis_index("c")
    base = _SC_BASE + wid * _ROWS_PER_W

    bufs = (buf0, buf1)
    sems = (sem0, sem1)

    copies = [None, None]
    copies[0] = pltpu.async_copy(x_hbm.at[pl.ds(base, _CH)], buf0, sem0)

    accs = tuple(jnp.zeros((16,), jnp.float32) for _ in range(8))
    for k in range(_NCHUNK):
        cur = k % 2
        nxt = (k + 1) % 2
        if k + 1 < _NCHUNK:
            copies[nxt] = pltpu.async_copy(
                x_hbm.at[pl.ds(base + (k + 1) * _CH, _CH)], bufs[nxt], sems[nxt]
            )
        copies[cur].wait()
        buf = bufs[cur]

        def row_body(q, a):
            r = q * 4
            out = []
            for j in range(8):
                s01 = buf[r, pl.ds(j * 16, 16)] + buf[r + 1, pl.ds(j * 16, 16)]
                s23 = buf[r + 2, pl.ds(j * 16, 16)] + buf[r + 3, pl.ds(j * 16, 16)]
                out.append(a[j] + (s01 + s23))
            return tuple(out)

        accs = lax.fori_loop(0, _CH // 4, row_body, accs)

    for j in range(8):
        acc_v[pl.ds(j * 16, 16)] = accs[j]
    pltpu.sync_copy(acc_v, out_hbm.at[wid])


def kernel(x):
    sc_part = _sc_partial_kernel(x)
    tc_part = _tc_partial(x)
    return tc_part + jnp.sum(sc_part, axis=0, keepdims=True)

# --- scband reference (transcript-rebuilt; emitter-appended) ---
"""Pipeline reference for scband-equivariant-vec-to-scaler-40450001993742 (READ-ONLY COPY).

The authoritative reference and input builder live on the scoring server;
editing this copy changes nothing except your own understanding.
"""

import jax, jax.numpy as jnp
import numpy as np

MEAN = 0.0
REDUCE_OP = "sum"

def setup_inputs(seed: int = 0) -> dict:
    key = jax.random.key(seed)
    x = jax.random.normal(key, (320000, 128), dtype=jnp.float32)
    return {"x": x}

def reference(x):
    # batch = torch.zeros(x.shape[0]) -> every row goes to segment 0
    batch = jnp.zeros(x.shape[0], dtype=jnp.int32)
    # scatter(x, batch, dim=0, reduce='sum') -> segment_sum with 1 segment
    y = jax.ops.segment_sum(x, batch, num_segments=1)
    return y + MEAN

if __name__ == "__main__":
    import jax
    _d = setup_inputs()
    print(jax.jit(kernel)(*tuple(_d.values())))

</pallas_src>

<mosaic_0001>
#map = affine_map<(d0, d1) -> (0, 0)>
module attributes {stable_mosaic.version = 14 : i64} {
  func.func @_sc_partial_kernel(%arg0: i32, %arg1: i32, %arg2: memref<320000x128xf32, #tpu.memory_space<hbm>>, %arg3: memref<32x128xf32, #tpu.memory_space<hbm>>, %arg4: memref<256x128xf32, #tpu.memory_space<vmem>>, %arg5: memref<256x128xf32, #tpu.memory_space<vmem>>, %arg6: memref<128xf32, #tpu.memory_space<vmem>>, %arg7: memref<!tpu.dma_semaphore, #tpu.memory_space<semaphore_mem>>, %arg8: memref<!tpu.dma_semaphore, #tpu.memory_space<semaphore_mem>>) attributes {dimension_semantics = [#tpu.dimension_semantics<core_parallel>, #tpu.dimension_semantics<subcore_parallel>], iteration_bounds = array<i64: 2, 16>, scalar_prefetch = 0 : i64, scratch_operands = 5 : i64, tpu.core_type = #tpu.core_type<sc_vector_subcore>, window_params = [{transform_indices = #map}, {transform_indices = #map}]} {
    %mul3A = arith.constant 2 : i32
    %mul3A_0 = arith.muli %arg1, %mul3A : i32
    %add3A = arith.addi %mul3A_0, %arg0 : i32
    %mul3A_1 = arith.constant 2560 : i32
    %mul3A_2 = arith.muli %add3A, %mul3A_1 : i32
    %add3A_3 = arith.constant 238080 : i32
    %add3A_4 = arith.addi %add3A_3, %mul3A_2 : i32
    %dma_start3A = arith.constant 0 : i32
    %dma_start3A_5 = tpu.memref_slice %arg2[%add3A_4, %dma_start3A] : memref<320000x128xf32, #tpu.memory_space<hbm>> -> memref<256x128xf32, #tpu.memory_space<hbm>>
    %dma_start3A_6 = arith.constant 0 : i32
    %dma_start3A_7 = tpu.memref_slice %arg2[%add3A_4, %dma_start3A_6] : memref<320000x128xf32, #tpu.memory_space<hbm>> -> memref<256x128xf32, #tpu.memory_space<hbm>>
    tpu.enqueue_dma source(%dma_start3A_7 : memref<256x128xf32, #tpu.memory_space<hbm>>) target(%arg4 : memref<256x128xf32, #tpu.memory_space<vmem>>) target_semaphore(%arg7 : memref<!tpu.dma_semaphore, #tpu.memory_space<semaphore_mem>>)
    %broadcast_in_dim3A = arith.constant 0.000000e+00 : f32
    %broadcast_in_dim3A_8 = vector.broadcast %broadcast_in_dim3A : f32 to vector<16xf32>
    %broadcast_in_dim3A_9 = arith.constant 0.000000e+00 : f32
    %broadcast_in_dim3A_10 = vector.broadcast %broadcast_in_dim3A_9 : f32 to vector<16xf32>
    %broadcast_in_dim3A_11 = arith.constant 0.000000e+00 : f32
    %broadcast_in_dim3A_12 = vector.broadcast %broadcast_in_dim3A_11 : f32 to vector<16xf32>
    %broadcast_in_dim3A_13 = arith.constant 0.000000e+00 : f32
    %broadcast_in_dim3A_14 = vector.broadcast %broadcast_in_dim3A_13 : f32 to vector<16xf32>
    %broadcast_in_dim3A_15 = arith.constant 0.000000e+00 : f32
    %broadcast_in_dim3A_16 = vector.broadcast %broadcast_in_dim3A_15 : f32 to vector<16xf32>
    %broadcast_in_dim3A_17 = arith.constant 0.000000e+00 : f32
    %broadcast_in_dim3A_18 = vector.broadcast %broadcast_in_dim3A_17 : f32 to vector<16xf32>
    %broadcast_in_dim3A_19 = arith.constant 0.000000e+00 : f32
    %broadcast_in_dim3A_20 = vector.broadcast %broadcast_in_dim3A_19 : f32 to vector<16xf32>
    %broadcast_in_dim3A_21 = arith.constant 0.000000e+00 : f32
    %broadcast_in_dim3A_22 = vector.broadcast %broadcast_in_dim3A_21 : f32 to vector<16xf32>
    %add3A_23 = arith.constant 256 : i32
    %add3A_24 = arith.addi %add3A_4, %add3A_23 : i32
    %dma_start3A_25 = arith.constant 0 : i32
    %dma_start3A_26 = tpu.memref_slice %arg2[%add3A_24, %dma_start3A_25] : memref<320000x128xf32, #tpu.memory_space<hbm>> -> memref<256x128xf32, #tpu.memory_space<hbm>>
    %dma_start3A_27 = arith.constant 0 : i32
    %dma_start3A_28 = tpu.memref_slice %arg2[%add3A_24, %dma_start3A_27] : memref<320000x128xf32, #tpu.memory_space<hbm>> -> memref<256x128xf32, #tpu.memory_space<hbm>>
    tpu.enqueue_dma source(%dma_start3A_28 : memref<256x128xf32, #tpu.memory_space<hbm>>) target(%arg5 : memref<256x128xf32, #tpu.memory_space<vmem>>) target_semaphore(%arg8 : memref<!tpu.dma_semaphore, #tpu.memory_space<semaphore_mem>>)
    %dma_wait3A = arith.constant 0 : i32
    %dma_wait3A_29 = tpu.memref_slice %arg2[%add3A_4, %dma_wait3A] : memref<320000x128xf32, #tpu.memory_space<hbm>> -> memref<256x128xf32, #tpu.memory_space<hbm>>
    %dma_wait3A_30 = arith.constant 0 : i32
    %dma_wait3A_31 = tpu.memref_slice %arg2[%add3A_4, %dma_wait3A_30] : memref<320000x128xf32, #tpu.memory_space<hbm>> -> memref<256x128xf32, #tpu.memory_space<hbm>>
    tpu.wait_dma2 semaphore(%arg7 : memref<!tpu.dma_semaphore, #tpu.memory_space<semaphore_mem>>) src(%dma_wait3A_31 : memref<256x128xf32, #tpu.memory_space<hbm>>) dst(%arg4 : memref<256x128xf32, #tpu.memory_space<vmem>>)
    %scan3A = arith.constant 0 : i32
    %scan3A_32 = arith.constant 64 : i32
    %scan3A_33 = arith.addi %scan3A, %scan3A_32 : i32
    %scan3A_34 = arith.constant 1 : i32
    %scan3A_35:8 = scf.for %scan3A_206 = %scan3A to %scan3A_33 step %scan3A_34 iter_args(%scan3A_207 = %broadcast_in_dim3A_8, %scan3A_208 = %broadcast_in_dim3A_10, %scan3A_209 = %broadcast_in_dim3A_12, %scan3A_210 = %broadcast_in_dim3A_14, %scan3A_211 = %broadcast_in_dim3A_16, %scan3A_212 = %broadcast_in_dim3A_18, %scan3A_213 = %broadcast_in_dim3A_20, %scan3A_214 = %broadcast_in_dim3A_22) -> (vector<16xf32>, vector<16xf32>, vector<16xf32>, vector<16xf32>, vector<16xf32>, vector<16xf32>, vector<16xf32>, vector<16xf32>)  : i32 {
      %mul3A_215 = arith.constant 4 : i32
      %mul3A_216 = arith.muli %scan3A_206, %mul3A_215 : i32
      %get3A = arith.index_cast %mul3A_216 : i32 to index
      %get3A_217 = arith.constant 0 : index
      %get3A_218 = tpu.vector_load %arg4[%get3A, %get3A_217] {strides = array<i32>} : memref<256x128xf32, #tpu.memory_space<vmem>>, vector<1x16xf32>,
      %get3A_219 = vector.shape_cast %get3A_218 : vector<1x16xf32> to vector<16xf32>
      %add3A_220 = arith.constant 1 : i32
      %add3A_221 = arith.addi %mul3A_216, %add3A_220 : i32
      %get3A_222 = arith.index_cast %add3A_221 : i32 to index
      %get3A_223 = arith.constant 0 : index
      %get3A_224 = tpu.vector_load %arg4[%get3A_222, %get3A_223] {strides = array<i32>} : memref<256x128xf32, #tpu.memory_space<vmem>>, vector<1x16xf32>,
      %get3A_225 = vector.shape_cast %get3A_224 : vector<1x16xf32> to vector<16xf32>
      %add3A_226 = arith.addf %get3A_219, %get3A_225 : vector<16xf32>
      %add3A_227 = arith.constant 2 : i32
      %add3A_228 = arith.addi %mul3A_216, %add3A_227 : i32
      %get3A_229 = arith.index_cast %add3A_228 : i32 to index
      %get3A_230 = arith.constant 0 : index
      %get3A_231 = tpu.vector_load %arg4[%get3A_229, %get3A_230] {strides = array<i32>} : memref<256x128xf32, #tpu.memory_space<vmem>>, vector<1x16xf32>,
      %get3A_232 = vector.shape_cast %get3A_231 : vector<1x16xf32> to vector<16xf32>
      %add3A_233 = arith.constant 3 : i32
      %add3A_234 = arith.addi %mul3A_216, %add3A_233 : i32
      %get3A_235 = arith.index_cast %add3A_234 : i32 to index
      %get3A_236 = arith.constant 0 : index
      %get3A_237 = tpu.vector_load %arg4[%get3A_235, %get3A_236] {strides = array<i32>} : memref<256x128xf32, #tpu.memory_space<vmem>>, vector<1x16xf32>,
      %get3A_238 = vector.shape_cast %get3A_237 : vector<1x16xf32> to vector<16xf32>
      %add3A_239 = arith.addf %get3A_232, %get3A_238 : vector<16xf32>
      %add3A_240 = arith.addf %add3A_226, %add3A_239 : vector<16xf32>
      %add3A_241 = arith.addf %scan3A_207, %add3A_240 : vector<16xf32>
      %get3A_242 = arith.index_cast %mul3A_216 : i32 to index
      %get3A_243 = arith.constant 16 : index
      %get3A_244 = tpu.vector_load %arg4[%get3A_242, %get3A_243] {strides = array<i32>} : memref<256x128xf32, #tpu.memory_space<vmem>>, vector<1x16xf32>,
      %get3A_245 = vector.shape_cast %get3A_244 : vector<1x16xf32> to vector<16xf32>
      %add3A_246 = arith.constant 1 : i32
      %add3A_247 = arith.addi %mul3A_216, %add3A_246 : i32
      %get3A_248 = arith.index_cast %add3A_247 : i32 to index
      %get3A_249 = arith.constant 16 : index
      %get3A_250 = tpu.vector_load %arg4[%get3A_248, %get3A_249] {strides = array<i32>} : memref<256x128xf32, #tpu.memory_space<vmem>>, vector<1x16xf32>,
      %get3A_251 = vector.shape_cast %get3A_250 : vector<1x16xf32> to vector<16xf32>
      %add3A_252 = arith.addf %get3A_245, %get3A_251 : vector<16xf32>
      %add3A_253 = arith.constant 2 : i32
      %add3A_254 = arith.addi %mul3A_216, %add3A_253 : i32
      %get3A_255 = arith.index_cast %add3A_254 : i32 to index
      %get3A_256 = arith.constant 16 : index
      %get3A_257 = tpu.vector_load %arg4[%get3A_255, %get3A_256] {strides = array<i32>} : memref<256x128xf32, #tpu.memory_space<vmem>>, vector<1x16xf32>,
      %get3A_258 = vector.shape_cast %get3A_257 : vector<1x16xf32> to vector<16xf32>
      %add3A_259 = arith.constant 3 : i32
      %add3A_260 = arith.addi %mul3A_216, %add3A_259 : i32
      %get3A_261 = arith.index_cast %add3A_260 : i32 to index
      %get3A_262 = arith.constant 16 : index
      %get3A_263 = tpu.vector_load %arg4[%get3A_261, %get3A_262] {strides = array<i32>} : memref<256x128xf32, #tpu.memory_space<vmem>>, vector<1x16xf32>,
      %get3A_264 = vector.shape_cast %get3A_263 : vector<1x16xf32> to vector<16xf32>
      %add3A_265 = arith.addf %get3A_258, %get3A_264 : vector<16xf32>
      %add3A_266 = arith.addf %add3A_252, %add3A_265 : vector<16xf32>
      %add3A_267 = arith.addf %scan3A_208, %add3A_266 : vector<16xf32>
      %get3A_268 = arith.index_cast %mul3A_216 : i32 to index
      %get3A_269 = arith.constant 32 : index
      %get3A_270 = tpu.vector_load %arg4[%get3A_268, %get3A_269] {strides = array<i32>} : memref<256x128xf32, #tpu.memory_space<vmem>>, vector<1x16xf32>,
      %get3A_271 = vector.shape_cast %get3A_270 : vector<1x16xf32> to vector<16xf32>
      %add3A_272 = arith.constant 1 : i32
      %add3A_273 = arith.addi %mul3A_216, %add3A_272 : i32
      %get3A_274 = arith.index_cast %add3A_273 : i32 to index
      %get3A_275 = arith.constant 32 : index
      %get3A_276 = tpu.vector_load %arg4[%get3A_274, %get3A_275] {strides = array<i32>} : memref<256x128xf32, #tpu.memory_space<vmem>>, vector<1x16xf32>,
      %get3A_277 = vector.shape_cast %get3A_276 : vector<1x16xf32> to vector<16xf32>
      %add3A_278 = arith.addf %get3A_271, %get3A_277 : vector<16xf32>
      %add3A_279 = arith.constant 2 : i32
      %add3A_280 = arith.addi %mul3A_216, %add3A_279 : i32
      %get3A_281 = arith.index_cast %add3A_280 : i32 to index
      %get3A_282 = arith.constant 32 : index
      %get3A_283 = tpu.vector_load %arg4[%get3A_281, %get3A_282] {strides = array<i32>} : memref<256x128xf32, #tpu.memory_space<vmem>>, vector<1x16xf32>,
      %get3A_284 = vector.shape_cast %get3A_283 : vector<1x16xf32> to vector<16xf32>
      %add3A_285 = arith.constant 3 : i32
      %add3A_286 = arith.addi %mul3A_216, %add3A_285 : i32
      %get3A_287 = arith.index_cast %add3A_286 : i32 to index
      %get3A_288 = arith.constant 32 : index
      %get3A_289 = tpu.vector_load %arg4[%get3A_287, %get3A_288] {strides = array<i32>} : memref<256x128xf32, #tpu.memory_space<vmem>>, vector<1x16xf32>,
      %get3A_290 = vector.shape_cast %get3A_289 : vector<1x16xf32> to vector<16xf32>
      %add3A_291 = arith.addf %get3A_284, %get3A_290 : vector<16xf32>
      %add3A_292 = arith.addf %add3A_278, %add3A_291 : vector<16xf32>
      %add3A_293 = arith.addf %scan3A_209, %add3A_292 : vector<16xf32>
      %get3A_294 = arith.index_cast %mul3A_216 : i32 to index
      %get3A_295 = arith.constant 48 : index
      %get3A_296 = tpu.vector_load %arg4[%get3A_294, %get3A_295] {strides = array<i32>} : memref<256x128xf32, #tpu.memory_space<vmem>>, vector<1x16xf32>,
      %get3A_297 = vector.shape_cast %get3A_296 : vector<1x16xf32> to vector<16xf32>
      %add3A_298 = arith.constant 1 : i32
      %add3A_299 = arith.addi %mul3A_216, %add3A_298 : i32
      %get3A_300 = arith.index_cast %add3A_299 : i32 to index
      %get3A_301 = arith.constant 48 : index
      %get3A_302 = tpu.vector_load %arg4[%get3A_300, %get3A_301] {strides = array<i32>} : memref<256x128xf32, #tpu.memory_space<vmem>>, vector<1x16xf32>,
      %get3A_303 = vector.shape_cast %get3A_302 : vector<1x16xf32> to vector<16xf32>
      %add3A_304 = arith.addf %get3A_297, %get3A_303 : vector<16xf32>
      %add3A_305 = arith.constant 2 : i32
      %add3A_306 = arith.addi %mul3A_216, %add3A_305 : i32
      %get3A_307 = arith.index_cast %add3A_306 : i32 to index
      %get3A_308 = arith.constant 48 : index
      %get3A_309 = tpu.vector_load %arg4[%get3A_307, %get3A_308] {strides = array<i32>} : memref<256x128xf32, #tpu.memory_space<vmem>>, vector<1x16xf32>,
      %get3A_310 = vector.shape_cast %get3A_309 : vector<1x16xf32> to vector<16xf32>
      %add3A_311 = arith.constant 3 : i32
      %add3A_312 = arith.addi %mul3A_216, %add3A_311 : i32
      %get3A_313 = arith.index_cast %add3A_312 : i32 to index
      %get3A_314 = arith.constant 48 : index
      %get3A_315 = tpu.vector_load %arg4[%get3A_313, %get3A_314] {strides = array<i32>} : memref<256x128xf32, #tpu.memory_space<vmem>>, vector<1x16xf32>,
      %get3A_316 = vector.shape_cast %get3A_315 : vector<1x16xf32> to vector<16xf32>
      %add3A_317 = arith.addf %get3A_310, %get3A_316 : vector<16xf32>
      %add3A_318 = arith.addf %add3A_304, %add3A_317 : vector<16xf32>
      %add3A_319 = arith.addf %scan3A_210, %add3A_318 : vector<16xf32>
      %get3A_320 = arith.index_cast %mul3A_216 : i32 to index
      %get3A_321 = arith.constant 64 : index
      %get3A_322 = tpu.vector_load %arg4[%get3A_320, %get3A_321] {strides = array<i32>} : memref<256x128xf32, #tpu.memory_space<vmem>>, vector<1x16xf32>,
      %get3A_323 = vector.shape_cast %get3A_322 : vector<1x16xf32> to vector<16xf32>
      %add3A_324 = arith.constant 1 : i32
      %add3A_325 = arith.addi %mul3A_216, %add3A_324 : i32
      %get3A_326 = arith.index_cast %add3A_325 : i32 to index
      %get3A_327 = arith.constant 64 : index
      %get3A_328 = tpu.vector_load %arg4[%get3A_326, %get3A_327] {strides = array<i32>} : memref<256x128xf32, #tpu.memory_space<vmem>>, vector<1x16xf32>,
      %get3A_329 = vector.shape_cast %get3A_328 : vector<1x16xf32> to vector<16xf32>
      %add3A_330 = arith.addf %get3A_323, %get3A_329 : vector<16xf32>
      %add3A_331 = arith.constant 2 : i32
      %add3A_332 = arith.addi %mul3A_216, %add3A_331 : i32
      %get3A_333 = arith.index_cast %add3A_332 : i32 to index
      %get3A_334 = arith.constant 64 : index
      %get3A_335 = tpu.vector_load %arg4[%get3A_333, %get3A_334] {strides = array<i32>} : memref<256x128xf32, #tpu.memory_space<vmem>>, vector<1x16xf32>,
      %get3A_336 = vector.shape_cast %get3A_335 : vector<1x16xf32> to vector<16xf32>
      %add3A_337 = arith.constant 3 : i32
      %add3A_338 = arith.addi %mul3A_216, %add3A_337 : i32
      %get3A_339 = arith.index_cast %add3A_338 : i32 to index
      %get3A_340 = arith.constant 64 : index
      %get3A_341 = tpu.vector_load %arg4[%get3A_339, %get3A_340] {strides = array<i32>} : memref<256x128xf32, #tpu.memory_space<vmem>>, vector<1x16xf32>,
      %get3A_342 = vector.shape_cast %get3A_341 : vector<1x16xf32> to vector<16xf32>
      %add3A_343 = arith.addf %get3A_336, %get3A_342 : vector<16xf32>
      %add3A_344 = arith.addf %add3A_330, %add3A_343 : vector<16xf32>
      %add3A_345 = arith.addf %scan3A_211, %add3A_344 : vector<16xf32>
      %get3A_346 = arith.index_cast %mul3A_216 : i32 to index
      %get3A_347 = arith.constant 80 : index
      %get3A_348 = tpu.vector_load %arg4[%get3A_346, %get3A_347] {strides = array<i32>} : memref<256x128xf32, #tpu.memory_space<vmem>>, vector<1x16xf32>,
      %get3A_349 = vector.shape_cast %get3A_348 : vector<1x16xf32> to vector<16xf32>
      %add3A_350 = arith.constant 1 : i32
      %add3A_351 = arith.addi %mul3A_216, %add3A_350 : i32
      %get3A_352 = arith.index_cast %add3A_351 : i32 to index
      %get3A_353 = arith.constant 80 : index
      %get3A_354 = tpu.vector_load %arg4[%get3A_352, %get3A_353] {strides = array<i32>} : memref<256x128xf32, #tpu.memory_space<vmem>>, vector<1x16xf32>,
      %get3A_355 = vector.shape_cast %get3A_354 : vector<1x16xf32> to vector<16xf32>
      %add3A_356 = arith.addf %get3A_349, %get3A_355 : vector<16xf32>
      %add3A_357 = arith.constant 2 : i32
      %add3A_358 = arith.addi %mul3A_216, %add3A_357 : i32
      %get3A_359 = arith.index_cast %add3A_358 : i32 to index
      %get3A_360 = arith.constant 80 : index
      %get3A_361 = tpu.vector_load %arg4[%get3A_359, %get3A_360] {strides = array<i32>} : memref<256x128xf32, #tpu.memory_space<vmem>>, vector<1x16xf32>,
      %get3A_362 = vector.shape_cast %get3A_361 : vector<1x16xf32> to vector<16xf32>
      %add3A_363 = arith.constant 3 : i32
      %add3A_364 = arith.addi %mul3A_216, %add3A_363 : i32
      %get3A_365 = arith.index_cast %add3A_364 : i32 to index
      %get3A_366 = arith.constant 80 : index
      %get3A_367 = tpu.vector_load %arg4[%get3A_365, %get3A_366] {strides = array<i32>} : memref<256x128xf32, #tpu.memory_space<vmem>>, vector<1x16xf32>,
      %get3A_368 = vector.shape_cast %get3A_367 : vector<1x16xf32> to vector<16xf32>
      %add3A_369 = arith.addf %get3A_362, %get3A_368 : vector<16xf32>
      %add3A_370 = arith.addf %add3A_356, %add3A_369 : vector<16xf32>
      %add3A_371 = arith.addf %scan3A_212, %add3A_370 : vector<16xf32>
      %get3A_372 = arith.index_cast %mul3A_216 : i32 to index
      %get3A_373 = arith.constant 96 : index
      %get3A_374 = tpu.vector_load %arg4[%get3A_372, %get3A_373] {strides = array<i32>} : memref<256x128xf32, #tpu.memory_space<vmem>>, vector<1x16xf32>,
      %get3A_375 = vector.shape_cast %get3A_374 : vector<1x16xf32> to vector<16xf32>
      %add3A_376 = arith.constant 1 : i32
      %add3A_377 = arith.addi %mul3A_216, %add3A_376 : i32
      %get3A_378 = arith.index_cast %add3A_377 : i32 to index
      %get3A_379 = arith.constant 96 : index
      %get3A_380 = tpu.vector_load %arg4[%get3A_378, %get3A_379] {strides = array<i32>} : memref<256x128xf32, #tpu.memory_space<vmem>>, vector<1x16xf32>,
      %get3A_381 = vector.shape_cast %get3A_380 : vector<1x16xf32> to vector<16xf32>
      %add3A_382 = arith.addf %get3A_375, %get3A_381 : vector<16xf32>
      %add3A_383 = arith.constant 2 : i32
      %add3A_384 = arith.addi %mul3A_216, %add3A_383 : i32
      %get3A_385 = arith.index_cast %add3A_384 : i32 to index
      %get3A_386 = arith.constant 96 : index
      %get3A_387 = tpu.vector_load %arg4[%get3A_385, %get3A_386] {strides = array<i32>} : memref<256x128xf32, #tpu.memory_space<vmem>>, vector<1x16xf32>,
      %get3A_388 = vector.shape_cast %get3A_387 : vector<1x16xf32> to vector<16xf32>
      %add3A_389 = arith.constant 3 : i32
      %add3A_390 = arith.addi %mul3A_216, %add3A_389 : i32
      %get3A_391 = arith.index_cast %add3A_390 : i32 to index
      %get3A_392 = arith.constant 96 : index
      %get3A_393 = tpu.vector_load %arg4[%get3A_391, %get3A_392] {strides = array<i32>} : memref<256x128xf32, #tpu.memory_space<vmem>>, vector<1x16xf32>,
      %get3A_394 = vector.shape_cast %get3A_393 : vector<1x16xf32> to vector<16xf32>
      %add3A_395 = arith.addf %get3A_388, %get3A_394 : vector<16xf32>
      %add3A_396 = arith.addf %add3A_382, %add3A_395 : vector<16xf32>
      %add3A_397 = arith.addf %scan3A_213, %add3A_396 : vector<16xf32>
      %get3A_398 = arith.index_cast %mul3A_216 : i32 to index
      %get3A_399 = arith.constant 112 : index
      %get3A_400 = tpu.vector_load %arg4[%get3A_398, %get3A_399] {strides = array<i32>} : memref<256x128xf32, #tpu.memory_space<vmem>>, vector<1x16xf32>,
      %get3A_401 = vector.shape_cast %get3A_400 : vector<1x16xf32> to vector<16xf32>
      %add3A_402 = arith.constant 1 : i32
      %add3A_403 = arith.addi %mul3A_216, %add3A_402 : i32
      %get3A_404 = arith.index_cast %add3A_403 : i32 to index
      %get3A_405 = arith.constant 112 : index
      %get3A_406 = tpu.vector_load %arg4[%get3A_404, %get3A_405] {strides = array<i32>} : memref<256x128xf32, #tpu.memory_space<vmem>>, vector<1x16xf32>,
      %get3A_407 = vector.shape_cast %get3A_406 : vector<1x16xf32> to vector<16xf32>
      %add3A_408 = arith.addf %get3A_401, %get3A_407 : vector<16xf32>
      %add3A_409 = arith.constant 2 : i32
      %add3A_410 = arith.addi %mul3A_216, %add3A_409 : i32
      %get3A_411 = arith.index_cast %add3A_410 : i32 to index
      %get3A_412 = arith.constant 112 : index
      %get3A_413 = tpu.vector_load %arg4[%get3A_411, %get3A_412] {strides = array<i32>} : memref<256x128xf32, #tpu.memory_space<vmem>>, vector<1x16xf32>,
      %get3A_414 = vector.shape_cast %get3A_413 : vector<1x16xf32> to vector<16xf32>
      %add3A_415 = arith.constant 3 : i32
      %add3A_416 = arith.addi %mul3A_216, %add3A_415 : i32
      %get3A_417 = arith.index_cast %add3A_416 : i32 to index
      %get3A_418 = arith.constant 112 : index
      %get3A_419 = tpu.vector_load %arg4[%get3A_417, %get3A_418] {strides = array<i32>} : memref<256x128xf32, #tpu.memory_space<vmem>>, vector<1x16xf32>,
      %get3A_420 = vector.shape_cast %get3A_419 : vector<1x16xf32> to vector<16xf32>
      %add3A_421 = arith.addf %get3A_414, %get3A_420 : vector<16xf32>
      %add3A_422 = arith.addf %add3A_408, %add3A_421 : vector<16xf32>
      %add3A_423 = arith.addf %scan3A_214, %add3A_422 : vector<16xf32>
      scf.yield %add3A_241, %add3A_267, %add3A_293, %add3A_319, %add3A_345, %add3A_371, %add3A_397, %add3A_423 : vector<16xf32>, vector<16xf32>, vector<16xf32>, vector<16xf32>, vector<16xf32>, vector<16xf32>, vector<16xf32>, vector<16xf32>
    }
    %scan3A_36 = arith.constant 64 : i32
    %add3A_37 = arith.constant 512 : i32
    %add3A_38 = arith.addi %add3A_4, %add3A_37 : i32
    %dma_start3A_39 = arith.constant 0 : i32
    %dma_start3A_40 = tpu.memref_slice %arg2[%add3A_38, %dma_start3A_39] : memref<320000x128xf32, #tpu.memory_space<hbm>> -> memref<256x128xf32, #tpu.memory_space<hbm>>
    %dma_start3A_41 = arith.constant 0 : i32
    %dma_start3A_42 = tpu.memref_slice %arg2[%add3A_38, %dma_start3A_41] : memref<320000x128xf32, #tpu.memory_space<hbm>> -> memref<256x128xf32, #tpu.memory_space<hbm>>
    tpu.enqueue_dma source(%dma_start3A_42 : memref<256x128xf32, #tpu.memory_space<hbm>>) target(%arg4 : memref<256x128xf32, #tpu.memory_space<vmem>>) target_semaphore(%arg7 : memref<!tpu.dma_semaphore, #tpu.memory_space<semaphore_mem>>)
    %dma_wait3A_43 = arith.constant 0 : i32
    %dma_wait3A_44 = tpu.memref_slice %arg2[%add3A_24, %dma_wait3A_43] : memref<320000x128xf32, #tpu.memory_space<hbm>> -> memref<256x128xf32, #tpu.memory_space<hbm>>
    %dma_wait3A_45 = arith.constant 0 : i32
    %dma_wait3A_46 = tpu.memref_slice %arg2[%add3A_24, %dma_wait3A_45] : memref<320000x128xf32, #tpu.memory_space<hbm>> -> memref<256x128xf32, #tpu.memory_space<hbm>>
    tpu.wait_dma2 semaphore(%arg8 : memref<!tpu.dma_semaphore, #tpu.memory_space<semaphore_mem>>) src(%dma_wait3A_46 : memref<256x128xf32, #tpu.memory_space<hbm>>) dst(%arg5 : memref<256x128xf32, #tpu.memory_space<vmem>>)
    %scan3A_47 = arith.constant 0 : i32
    %scan3A_48 = arith.constant 64 : i32
    %scan3A_49 = arith.addi %scan3A_47, %scan3A_48 : i32
    %scan3A_50 = arith.constant 1 : i32
    %scan3A_51:8 = scf.for %scan3A_206 = %scan3A_47 to %scan3A_49 step %scan3A_50 iter_args(%scan3A_207 = %scan3A_35#0, %scan3A_208 = %scan3A_35#1, %scan3A_209 = %scan3A_35#2, %scan3A_210 = %scan3A_35#3, %scan3A_211 = %scan3A_35#4, %scan3A_212 = %scan3A_35#5, %scan3A_213 = %scan3A_35#6, %scan3A_214 = %scan3A_35#7) -> (vector<16xf32>, vector<16xf32>, vector<16xf32>, vector<16xf32>, vector<16xf32>, vector<16xf32>, vector<16xf32>, vector<16xf32>)  : i32 {
      %mul3A_215 = arith.constant 4 : i32
      %mul3A_216 = arith.muli %scan3A_206, %mul3A_215 : i32
      %get3A = arith.index_cast %mul3A_216 : i32 to index
      %get3A_217 = arith.constant 0 : index
      %get3A_218 = tpu.vector_load %arg5[%get3A, %get3A_217] {strides = array<i32>} : memref<256x128xf32, #tpu.memory_space<vmem>>, vector<1x16xf32>,
      %get3A_219 = vector.shape_cast %get3A_218 : vector<1x16xf32> to vector<16xf32>
      %add3A_220 = arith.constant 1 : i32
      %add3A_221 = arith.addi %mul3A_216, %add3A_220 : i32
      %get3A_222 = arith.index_cast %add3A_221 : i32 to index
      %get3A_223 = arith.constant 0 : index
      %get3A_224 = tpu.vector_load %arg5[%get3A_222, %get3A_223] {strides = array<i32>} : memref<256x128xf32, #tpu.memory_space<vmem>>, vector<1x16xf32>,
      %get3A_225 = vector.shape_cast %get3A_224 : vector<1x16xf32> to vector<16xf32>
      %add3A_226 = arith.addf %get3A_219, %get3A_225 : vector<16xf32>
      %add3A_227 = arith.constant 2 : i32
      %add3A_228 = arith.addi %mul3A_216, %add3A_227 : i32
      %get3A_229 = arith.index_cast %add3A_228 : i32 to index
      %get3A_230 = arith.constant 0 : index
      %get3A_231 = tpu.vector_load %arg5[%get3A_229, %get3A_230] {strides = array<i32>} : memref<256x128xf32, #tpu.memory_space<vmem>>, vector<1x16xf32>,
      %get3A_232 = vector.shape_cast %get3A_231 : vector<1x16xf32> to vector<16xf32>
      %add3A_233 = arith.constant 3 : i32
      %add3A_234 = arith.addi %mul3A_216, %add3A_233 : i32
      %get3A_235 = arith.index_cast %add3A_234 : i32 to index
      %get3A_236 = arith.constant 0 : index
      %get3A_237 = tpu.vector_load %arg5[%get3A_235, %get3A_236] {strides = array<i32>} : memref<256x128xf32, #tpu.memory_space<vmem>>, vector<1x16xf32>,
      %get3A_238 = vector.shape_cast %get3A_237 : vector<1x16xf32> to vector<16xf32>
      %add3A_239 = arith.addf %get3A_232, %get3A_238 : vector<16xf32>
      %add3A_240 = arith.addf %add3A_226, %add3A_239 : vector<16xf32>
      %add3A_241 = arith.addf %scan3A_207, %add3A_240 : vector<16xf32>
      %get3A_242 = arith.index_cast %mul3A_216 : i32 to index
      %get3A_243 = arith.constant 16 : index
      %get3A_244 = tpu.vector_load %arg5[%get3A_242, %get3A_243] {strides = array<i32>} : memref<256x128xf32, #tpu.memory_space<vmem>>, vector<1x16xf32>,
      %get3A_245 = vector.shape_cast %get3A_244 : vector<1x16xf32> to vector<16xf32>
      %add3A_246 = arith.constant 1 : i32
      %add3A_247 = arith.addi %mul3A_216, %add3A_246 : i32
      %get3A_248 = arith.index_cast %add3A_247 : i32 to index
      %get3A_249 = arith.constant 16 : index
      %get3A_250 = tpu.vector_load %arg5[%get3A_248, %get3A_249] {strides = array<i32>} : memref<256x128xf32, #tpu.memory_space<vmem>>, vector<1x16xf32>,
      %get3A_251 = vector.shape_cast %get3A_250 : vector<1x16xf32> to vector<16xf32>
      %add3A_252 = arith.addf %get3A_245, %get3A_251 : vector<16xf32>
      %add3A_253 = arith.constant 2 : i32
      %add3A_254 = arith.addi %mul3A_216, %add3A_253 : i32
      %get3A_255 = arith.index_cast %add3A_254 : i32 to index
      %get3A_256 = arith.constant 16 : index
      %get3A_257 = tpu.vector_load %arg5[%get3A_255, %get3A_256] {strides = array<i32>} : memref<256x128xf32, #tpu.memory_space<vmem>>, vector<1x16xf32>,
      %get3A_258 = vector.shape_cast %get3A_257 : vector<1x16xf32> to vector<16xf32>
      %add3A_259 = arith.constant 3 : i32
      %add3A_260 = arith.addi %mul3A_216, %add3A_259 : i32
      %get3A_261 = arith.index_cast %add3A_260 : i32 to index
      %get3A_262 = arith.constant 16 : index
      %get3A_263 = tpu.vector_load %arg5[%get3A_261, %get3A_262] {strides = array<i32>} : memref<256x128xf32, #tpu.memory_space<vmem>>, vector<1x16xf32>,
      %get3A_264 = vector.shape_cast %get3A_263 : vector<1x16xf32> to vector<16xf32>
      %add3A_265 = arith.addf %get3A_258, %get3A_264 : vector<16xf32>
      %add3A_266 = arith.addf %add3A_252, %add3A_265 : vector<16xf32>
      %add3A_267 = arith.addf %scan3A_208, %add3A_266 : vector<16xf32>
      %get3A_268 = arith.index_cast %mul3A_216 : i32 to index
      %get3A_269 = arith.constant 32 : index
      %get3A_270 = tpu.vector_load %arg5[%get3A_268, %get3A_269] {strides = array<i32>} : memref<256x128xf32, #tpu.memory_space<vmem>>, vector<1x16xf32>,
      %get3A_271 = vector.shape_cast %get3A_270 : vector<1x16xf32> to vector<16xf32>
      %add3A_272 = arith.constant 1 : i32
      %add3A_273 = arith.addi %mul3A_216, %add3A_272 : i32
      %get3A_274 = arith.index_cast %add3A_273 : i32 to index
      %get3A_275 = arith.constant 32 : index
      %get3A_276 = tpu.vector_load %arg5[%get3A_274, %get3A_275] {strides = array<i32>} : memref<256x128xf32, #tpu.memory_space<vmem>>, vector<1x16xf32>,
      %get3A_277 = vector.shape_cast %get3A_276 : vector<1x16xf32> to vector<16xf32>
      %add3A_278 = arith.addf %get3A_271, %get3A_277 : vector<16xf32>
      %add3A_279 = arith.constant 2 : i32
      %add3A_280 = arith.addi %mul3A_216, %add3A_279 : i32
      %get3A_281 = arith.index_cast %add3A_280 : i32 to index
      %get3A_282 = arith.constant 32 : index
      %get3A_283 = tpu.vector_load %arg5[%get3A_281, %get3A_282] {strides = array<i32>} : memref<256x128xf32, #tpu.memory_space<vmem>>, vector<1x16xf32>,
      %get3A_284 = vector.shape_cast %get3A_283 : vector<1x16xf32> to vector<16xf32>
      %add3A_285 = arith.constant 3 : i32
      %add3A_286 = arith.addi %mul3A_216, %add3A_285 : i32
      %get3A_287 = arith.index_cast %add3A_286 : i32 to index
      %get3A_288 = arith.constant 32 : index
      %get3A_289 = tpu.vector_load %arg5[%get3A_287, %get3A_288] {strides = array<i32>} : memref<256x128xf32, #tpu.memory_space<vmem>>, vector<1x16xf32>,
      %get3A_290 = vector.shape_cast %get3A_289 : vector<1x16xf32> to vector<16xf32>
      %add3A_291 = arith.addf %get3A_284, %get3A_290 : vector<16xf32>
      %add3A_292 = arith.addf %add3A_278, %add3A_291 : vector<16xf32>
      %add3A_293 = arith.addf %scan3A_209, %add3A_292 : vector<16xf32>
      %get3A_294 = arith.index_cast %mul3A_216 : i32 to index
      %get3A_295 = arith.constant 48 : index
      %get3A_296 = tpu.vector_load %arg5[%get3A_294, %get3A_295] {strides = array<i32>} : memref<256x128xf32, #tpu.memory_space<vmem>>, vector<1x16xf32>,
      %get3A_297 = vector.shape_cast %get3A_296 : vector<1x16xf32> to vector<16xf32>
      %add3A_298 = arith.constant 1 : i32
      %add3A_299 = arith.addi %mul3A_216, %add3A_298 : i32
      %get3A_300 = arith.index_cast %add3A_299 : i32 to index
      %get3A_301 = arith.constant 48 : index
      %get3A_302 = tpu.vector_load %arg5[%get3A_300, %get3A_301] {strides = array<i32>} : memref<256x128xf32, #tpu.memory_space<vmem>>, vector<1x16xf32>,
      %get3A_303 = vector.shape_cast %get3A_302 : vector<1x16xf32> to vector<16xf32>
      %add3A_304 = arith.addf %get3A_297, %get3A_303 : vector<16xf32>
      %add3A_305 = arith.constant 2 : i32
      %add3A_306 = arith.addi %mul3A_216, %add3A_305 : i32
      %get3A_307 = arith.index_cast %add3A_306 : i32 to index
      %get3A_308 = arith.constant 48 : index
      %get3A_309 = tpu.vector_load %arg5[%get3A_307, %get3A_308] {strides = array<i32>} : memref<256x128xf32, #tpu.memory_space<vmem>>, vector<1x16xf32>,
      %get3A_310 = vector.shape_cast %get3A_309 : vector<1x16xf32> to vector<16xf32>
      %add3A_311 = arith.constant 3 : i32
      %add3A_312 = arith.addi %mul3A_216, %add3A_311 : i32
      %get3A_313 = arith.index_cast %add3A_312 : i32 to index
      %get3A_314 = arith.constant 48 : index
      %get3A_315 = tpu.vector_load %arg5[%get3A_313, %get3A_314] {strides = array<i32>} : memref<256x128xf32, #tpu.memory_space<vmem>>, vector<1x16xf32>,
      %get3A_316 = vector.shape_cast %get3A_315 : vector<1x16xf32> to vector<16xf32>
      %add3A_317 = arith.addf %get3A_310, %get3A_316 : vector<16xf32>
      %add3A_318 = arith.addf %add3A_304, %add3A_317 : vector<16xf32>
      %add3A_319 = arith.addf %scan3A_210, %add3A_318 : vector<16xf32>
      %get3A_320 = arith.index_cast %mul3A_216 : i32 to index
      %get3A_321 = arith.constant 64 : index
      %get3A_322 = tpu.vector_load %arg5[%get3A_320, %get3A_321] {strides = array<i32>} : memref<256x128xf32, #tpu.memory_space<vmem>>, vector<1x16xf32>,
      %get3A_323 = vector.shape_cast %get3A_322 : vector<1x16xf32> to vector<16xf32>
      %add3A_324 = arith.constant 1 : i32
      %add3A_325 = arith.addi %mul3A_216, %add3A_324 : i32
      %get3A_326 = arith.index_cast %add3A_325 : i32 to index
      %get3A_327 = arith.constant 64 : index
      %get3A_328 = tpu.vector_load %arg5[%get3A_326, %get3A_327] {strides = array<i32>} : memref<256x128xf32, #tpu.memory_space<vmem>>, vector<1x16xf32>,
      %get3A_329 = vector.shape_cast %get3A_328 : vector<1x16xf32> to vector<16xf32>
      %add3A_330 = arith.addf %get3A_323, %get3A_329 : vector<16xf32>
      %add3A_331 = arith.constant 2 : i32
      %add3A_332 = arith.addi %mul3A_216, %add3A_331 : i32
      %get3A_333 = arith.index_cast %add3A_332 : i32 to index
      %get3A_334 = arith.constant 64 : index
      %get3A_335 = tpu.vector_load %arg5[%get3A_333, %get3A_334] {strides = array<i32>} : memref<256x128xf32, #tpu.memory_space<vmem>>, vector<1x16xf32>,
      %get3A_336 = vector.shape_cast %get3A_335 : vector<1x16xf32> to vector<16xf32>
      %add3A_337 = arith.constant 3 : i32
      %add3A_338 = arith.addi %mul3A_216, %add3A_337 : i32
      %get3A_339 = arith.index_cast %add3A_338 : i32 to index
      %get3A_340 = arith.constant 64 : index
      %get3A_341 = tpu.vector_load %arg5[%get3A_339, %get3A_340] {strides = array<i32>} : memref<256x128xf32, #tpu.memory_space<vmem>>, vector<1x16xf32>,
      %get3A_342 = vector.shape_cast %get3A_341 : vector<1x16xf32> to vector<16xf32>
      %add3A_343 = arith.addf %get3A_336, %get3A_342 : vector<16xf32>
      %add3A_344 = arith.addf %add3A_330, %add3A_343 : vector<16xf32>
      %add3A_345 = arith.addf %scan3A_211, %add3A_344 : vector<16xf32>
      %get3A_346 = arith.index_cast %mul3A_216 : i32 to index
      %get3A_347 = arith.constant 80 : index
      %get3A_348 = tpu.vector_load %arg5[%get3A_346, %get3A_347] {strides = array<i32>} : memref<256x128xf32, #tpu.memory_space<vmem>>, vector<1x16xf32>,
      %get3A_349 = vector.shape_cast %get3A_348 : vector<1x16xf32> to vector<16xf32>
      %add3A_350 = arith.constant 1 : i32
      %add3A_351 = arith.addi %mul3A_216, %add3A_350 : i32
      %get3A_352 = arith.index_cast %add3A_351 : i32 to index
      %get3A_353 = arith.constant 80 : index
      %get3A_354 = tpu.vector_load %arg5[%get3A_352, %get3A_353] {strides = array<i32>} : memref<256x128xf32, #tpu.memory_space<vmem>>, vector<1x16xf32>,
      %get3A_355 = vector.shape_cast %get3A_354 : vector<1x16xf32> to vector<16xf32>
      %add3A_356 = arith.addf %get3A_349, %get3A_355 : vector<16xf32>
      %add3A_357 = arith.constant 2 : i32
      %add3A_358 = arith.addi %mul3A_216, %add3A_357 : i32
      %get3A_359 = arith.index_cast %add3A_358 : i32 to index
      %get3A_360 = arith.constant 80 : index
      %get3A_361 = tpu.vector_load %arg5[%get3A_359, %get3A_360] {strides = array<i32>} : memref<256x128xf32, #tpu.memory_space<vmem>>, vector<1x16xf32>,
      %get3A_362 = vector.shape_cast %get3A_361 : vector<1x16xf32> to vector<16xf32>
      %add3A_363 = arith.constant 3 : i32
      %add3A_364 = arith.addi %mul3A_216, %add3A_363 : i32
      %get3A_365 = arith.index_cast %add3A_364 : i32 to index
      %get3A_366 = arith.constant 80 : index
      %get3A_367 = tpu.vector_load %arg5[%get3A_365, %get3A_366] {strides = array<i32>} : memref<256x128xf32, #tpu.memory_space<vmem>>, vector<1x16xf32>,
      %get3A_368 = vector.shape_cast %get3A_367 : vector<1x16xf32> to vector<16xf32>
      %add3A_369 = arith.addf %get3A_362, %get3A_368 : vector<16xf32>
      %add3A_370 = arith.addf %add3A_356, %add3A_369 : vector<16xf32>
      %add3A_371 = arith.addf %scan3A_212, %add3A_370 : vector<16xf32>
      %get3A_372 = arith.index_cast %mul3A_216 : i32 to index
      %get3A_373 = arith.constant 96 : index
      %get3A_374 = tpu.vector_load %arg5[%get3A_372, %get3A_373] {strides = array<i32>} : memref<256x128xf32, #tpu.memory_space<vmem>>, vector<1x16xf32>,
      %get3A_375 = vector.shape_cast %get3A_374 : vector<1x16xf32> to vector<16xf32>
      %add3A_376 = arith.constant 1 : i32
      %add3A_377 = arith.addi %mul3A_216, %add3A_376 : i32
      %get3A_378 = arith.index_cast %add3A_377 : i32 to index
      %get3A_379 = arith.constant 96 : index
      %get3A_380 = tpu.vector_load %arg5[%get3A_378, %get3A_379] {strides = array<i32>} : memref<256x128xf32, #tpu.memory_space<vmem>>, vector<1x16xf32>,
      %get3A_381 = vector.shape_cast %get3A_380 : vector<1x16xf32> to vector<16xf32>
      %add3A_382 = arith.addf %get3A_375, %get3A_381 : vector<16xf32>
      %add3A_383 = arith.constant 2 : i32
      %add3A_384 = arith.addi %mul3A_216, %add3A_383 : i32
      %get3A_385 = arith.index_cast %add3A_384 : i32 to index
      %get3A_386 = arith.constant 96 : index
      %get3A_387 = tpu.vector_load %arg5[%get3A_385, %get3A_386] {strides = array<i32>} : memref<256x128xf32, #tpu.memory_space<vmem>>, vector<1x16xf32>,
      %get3A_388 = vector.shape_cast %get3A_387 : vector<1x16xf32> to vector<16xf32>
      %add3A_389 = arith.constant 3 : i32
      %add3A_390 = arith.addi %mul3A_216, %add3A_389 : i32
      %get3A_391 = arith.index_cast %add3A_390 : i32 to index
      %get3A_392 = arith.constant 96 : index
      %get3A_393 = tpu.vector_load %arg5[%get3A_391, %get3A_392] {strides = array<i32>} : memref<256x128xf32, #tpu.memory_space<vmem>>, vector<1x16xf32>,
      %get3A_394 = vector.shape_cast %get3A_393 : vector<1x16xf32> to vector<16xf32>
      %add3A_395 = arith.addf %get3A_388, %get3A_394 : vector<16xf32>
      %add3A_396 = arith.addf %add3A_382, %add3A_395 : vector<16xf32>
      %add3A_397 = arith.addf %scan3A_213, %add3A_396 : vector<16xf32>
      %get3A_398 = arith.index_cast %mul3A_216 : i32 to index
      %get3A_399 = arith.constant 112 : index
      %get3A_400 = tpu.vector_load %arg5[%get3A_398, %get3A_399] {strides = array<i32>} : memref<256x128xf32, #tpu.memory_space<vmem>>, vector<1x16xf32>,
      %get3A_401 = vector.shape_cast %get3A_400 : vector<1x16xf32> to vector<16xf32>
      %add3A_402 = arith.constant 1 : i32
      %add3A_403 = arith.addi %mul3A_216, %add3A_402 : i32
      %get3A_404 = arith.index_cast %add3A_403 : i32 to index
      %get3A_405 = arith.constant 112 : index
      %get3A_406 = tpu.vector_load %arg5[%get3A_404, %get3A_405] {strides = array<i32>} : memref<256x128xf32, #tpu.memory_space<vmem>>, vector<1x16xf32>,
      %get3A_407 = vector.shape_cast %get3A_406 : vector<1x16xf32> to vector<16xf32>
      %add3A_408 = arith.addf %get3A_401, %get3A_407 : vector<16xf32>
      %add3A_409 = arith.constant 2 : i32
      %add3A_410 = arith.addi %mul3A_216, %add3A_409 : i32
      %get3A_411 = arith.index_cast %add3A_410 : i32 to index
      %get3A_412 = arith.constant 112 : index
      %get3A_413 = tpu.vector_load %arg5[%get3A_411, %get3A_412] {strides = array<i32>} : memref<256x128xf32, #tpu.memory_space<vmem>>, vector<1x16xf32>,
      %get3A_414 = vector.shape_cast %get3A_413 : vector<1x16xf32> to vector<16xf32>
      %add3A_415 = arith.constant 3 : i32
      %add3A_416 = arith.addi %mul3A_216, %add3A_415 : i32
      %get3A_417 = arith.index_cast %add3A_416 : i32 to index
      %get3A_418 = arith.constant 112 : index
      %get3A_419 = tpu.vector_load %arg5[%get3A_417, %get3A_418] {strides = array<i32>} : memref<256x128xf32, #tpu.memory_space<vmem>>, vector<1x16xf32>,
      %get3A_420 = vector.shape_cast %get3A_419 : vector<1x16xf32> to vector<16xf32>
      %add3A_421 = arith.addf %get3A_414, %get3A_420 : vector<16xf32>
      %add3A_422 = arith.addf %add3A_408, %add3A_421 : vector<16xf32>
      %add3A_423 = arith.addf %scan3A_214, %add3A_422 : vector<16xf32>
      scf.yield %add3A_241, %add3A_267, %add3A_293, %add3A_319, %add3A_345, %add3A_371, %add3A_397, %add3A_423 : vector<16xf32>, vector<16xf32>, vector<16xf32>, vector<16xf32>, vector<16xf32>, vector<16xf32>, vector<16xf32>, vector<16xf32>
    }
    %scan3A_52 = arith.constant 64 : i32
    %add3A_53 = arith.constant 768 : i32
    %add3A_54 = arith.addi %add3A_4, %add3A_53 : i32
    %dma_start3A_55 = arith.constant 0 : i32
    %dma_start3A_56 = tpu.memref_slice %arg2[%add3A_54, %dma_start3A_55] : memref<320000x128xf32, #tpu.memory_space<hbm>> -> memref<256x128xf32, #tpu.memory_space<hbm>>
    %dma_start3A_57 = arith.constant 0 : i32
    %dma_start3A_58 = tpu.memref_slice %arg2[%add3A_54, %dma_start3A_57] : memref<320000x128xf32, #tpu.memory_space<hbm>> -> memref<256x128xf32, #tpu.memory_space<hbm>>
    tpu.enqueue_dma source(%dma_start3A_58 : memref<256x128xf32, #tpu.memory_space<hbm>>) target(%arg5 : memref<256x128xf32, #tpu.memory_space<vmem>>) target_semaphore(%arg8 : memref<!tpu.dma_semaphore, #tpu.memory_space<semaphore_mem>>)
    %dma_wait3A_59 = arith.constant 0 : i32
    %dma_wait3A_60 = tpu.memref_slice %arg2[%add3A_38, %dma_wait3A_59] : memref<320000x128xf32, #tpu.memory_space<hbm>> -> memref<256x128xf32, #tpu.memory_space<hbm>>
    %dma_wait3A_61 = arith.constant 0 : i32
    %dma_wait3A_62 = tpu.memref_slice %arg2[%add3A_38, %dma_wait3A_61] : memref<320000x128xf32, #tpu.memory_space<hbm>> -> memref<256x128xf32, #tpu.memory_space<hbm>>
    tpu.wait_dma2 semaphore(%arg7 : memref<!tpu.dma_semaphore, #tpu.memory_space<semaphore_mem>>) src(%dma_wait3A_62 : memref<256x128xf32, #tpu.memory_space<hbm>>) dst(%arg4 : memref<256x128xf32, #tpu.memory_space<vmem>>)
    %scan3A_63 = arith.constant 0 : i32
    %scan3A_64 = arith.constant 64 : i32
    %scan3A_65 = arith.addi %scan3A_63, %scan3A_64 : i32
    %scan3A_66 = arith.constant 1 : i32
    %scan3A_67:8 = scf.for %scan3A_206 = %scan3A_63 to %scan3A_65 step %scan3A_66 iter_args(%scan3A_207 = %scan3A_51#0, %scan3A_208 = %scan3A_51#1, %scan3A_209 = %scan3A_51#2, %scan3A_210 = %scan3A_51#3, %scan3A_211 = %scan3A_51#4, %scan3A_212 = %scan3A_51#5, %scan3A_213 = %scan3A_51#6, %scan3A_214 = %scan3A_51#7) -> (vector<16xf32>, vector<16xf32>, vector<16xf32>, vector<16xf32>, vector<16xf32>, vector<16xf32>, vector<16xf32>, vector<16xf32>)  : i32 {
      %mul3A_215 = arith.constant 4 : i32
      %mul3A_216 = arith.muli %scan3A_206, %mul3A_215 : i32
      %get3A = arith.index_cast %mul3A_216 : i32 to index
      %get3A_217 = arith.constant 0 : index
      %get3A_218 = tpu.vector_load %arg4[%get3A, %get3A_217] {strides = array<i32>} : memref<256x128xf32, #tpu.memory_space<vmem>>, vector<1x16xf32>,
      %get3A_219 = vector.shape_cast %get3A_218 : vector<1x16xf32> to vector<16xf32>
      %add3A_220 = arith.constant 1 : i32
      %add3A_221 = arith.addi %mul3A_216, %add3A_220 : i32
      %get3A_222 = arith.index_cast %add3A_221 : i32 to index
      %get3A_223 = arith.constant 0 : index
      %get3A_224 = tpu.vector_load %arg4[%get3A_222, %get3A_223] {strides = array<i32>} : memref<256x128xf32, #tpu.memory_space<vmem>>, vector<1x16xf32>,
      %get3A_225 = vector.shape_cast %get3A_224 : vector<1x16xf32> to vector<16xf32>
      %add3A_226 = arith.addf %get3A_219, %get3A_225 : vector<16xf32>
      %add3A_227 = arith.constant 2 : i32
      %add3A_228 = arith.addi %mul3A_216, %add3A_227 : i32
      %get3A_229 = arith.index_cast %add3A_228 : i32 to index
      %get3A_230 = arith.constant 0 : index
      %get3A_231 = tpu.vector_load %arg4[%get3A_229, %get3A_230] {strides = array<i32>} : memref<256x128xf32, #tpu.memory_space<vmem>>, vector<1x16xf32>,
      %get3A_232 = vector.shape_cast %get3A_231 : vector<1x16xf32> to vector<16xf32>
      %add3A_233 = arith.constant 3 : i32
      %add3A_234 = arith.addi %mul3A_216, %add3A_233 : i32
      %get3A_235 = arith.index_cast %add3A_234 : i32 to index
      %get3A_236 = arith.constant 0 : index
      %get3A_237 = tpu.vector_load %arg4[%get3A_235, %get3A_236] {strides = array<i32>} : memref<256x128xf32, #tpu.memory_space<vmem>>, vector<1x16xf32>,
      %get3A_238 = vector.shape_cast %get3A_237 : vector<1x16xf32> to vector<16xf32>
      %add3A_239 = arith.addf %get3A_232, %get3A_238 : vector<16xf32>
      %add3A_240 = arith.addf %add3A_226, %add3A_239 : vector<16xf32>
      %add3A_241 = arith.addf %scan3A_207, %add3A_240 : vector<16xf32>
      %get3A_242 = arith.index_cast %mul3A_216 : i32 to index
      %get3A_243 = arith.constant 16 : index
      %get3A_244 = tpu.vector_load %arg4[%get3A_242, %get3A_243] {strides = array<i32>} : memref<256x128xf32, #tpu.memory_space<vmem>>, vector<1x16xf32>,
      %get3A_245 = vector.shape_cast %get3A_244 : vector<1x16xf32> to vector<16xf32>
      %add3A_246 = arith.constant 1 : i32
      %add3A_247 = arith.addi %mul3A_216, %add3A_246 : i32
      %get3A_248 = arith.index_cast %add3A_247 : i32 to index
      %get3A_249 = arith.constant 16 : index
      %get3A_250 = tpu.vector_load %arg4[%get3A_248, %get3A_249] {strides = array<i32>} : memref<256x128xf32, #tpu.memory_space<vmem>>, vector<1x16xf32>,
      %get3A_251 = vector.shape_cast %get3A_250 : vector<1x16xf32> to vector<16xf32>
      %add3A_252 = arith.addf %get3A_245, %get3A_251 : vector<16xf32>
      %add3A_253 = arith.constant 2 : i32
      %add3A_254 = arith.addi %mul3A_216, %add3A_253 : i32
      %get3A_255 = arith.index_cast %add3A_254 : i32 to index
      %get3A_256 = arith.constant 16 : index
      %get3A_257 = tpu.vector_load %arg4[%get3A_255, %get3A_256] {strides = array<i32>} : memref<256x128xf32, #tpu.memory_space<vmem>>, vector<1x16xf32>,
      %get3A_258 = vector.shape_cast %get3A_257 : vector<1x16xf32> to vector<16xf32>
      %add3A_259 = arith.constant 3 : i32
      %add3A_260 = arith.addi %mul3A_216, %add3A_259 : i32
      %get3A_261 = arith.index_cast %add3A_260 : i32 to index
      %get3A_262 = arith.constant 16 : index
      %get3A_263 = tpu.vector_load %arg4[%get3A_261, %get3A_262] {strides = array<i32>} : memref<256x128xf32, #tpu.memory_space<vmem>>, vector<1x16xf32>,
      %get3A_264 = vector.shape_cast %get3A_263 : vector<1x16xf32> to vector<16xf32>
      %add3A_265 = arith.addf %get3A_258, %get3A_264 : vector<16xf32>
      %add3A_266 = arith.addf %add3A_252, %add3A_265 : vector<16xf32>
      %add3A_267 = arith.addf %scan3A_208, %add3A_266 : vector<16xf32>
      %get3A_268 = arith.index_cast %mul3A_216 : i32 to index
      %get3A_269 = arith.constant 32 : index
      %get3A_270 = tpu.vector_load %arg4[%get3A_268, %get3A_269] {strides = array<i32>} : memref<256x128xf32, #tpu.memory_space<vmem>>, vector<1x16xf32>,
      %get3A_271 = vector.shape_cast %get3A_270 : vector<1x16xf32> to vector<16xf32>
      %add3A_272 = arith.constant 1 : i32
      %add3A_273 = arith.addi %mul3A_216, %add3A_272 : i32
      %get3A_274 = arith.index_cast %add3A_273 : i32 to index
      %get3A_275 = arith.constant 32 : index
      %get3A_276 = tpu.vector_load %arg4[%get3A_274, %get3A_275] {strides = array<i32>} : memref<256x128xf32, #tpu.memory_space<vmem>>, vector<1x16xf32>,
      %get3A_277 = vector.shape_cast %get3A_276 : vector<1x16xf32> to vector<16xf32>
      %add3A_278 = arith.addf %get3A_271, %get3A_277 : vector<16xf32>
      %add3A_279 = arith.constant 2 : i32
      %add3A_280 = arith.addi %mul3A_216, %add3A_279 : i32
      %get3A_281 = arith.index_cast %add3A_280 : i32 to index
      %get3A_282 = arith.constant 32 : index
      %get3A_283 = tpu.vector_load %arg4[%get3A_281, %get3A_282] {strides = array<i32>} : memref<256x128xf32, #tpu.memory_space<vmem>>, vector<1x16xf32>,
      %get3A_284 = vector.shape_cast %get3A_283 : vector<1x16xf32> to vector<16xf32>
      %add3A_285 = arith.constant 3 : i32
      %add3A_286 = arith.addi %mul3A_216, %add3A_285 : i32
      %get3A_287 = arith.index_cast %add3A_286 : i32 to index
      %get3A_288 = arith.constant 32 : index
      %get3A_289 = tpu.vector_load %arg4[%get3A_287, %get3A_288] {strides = array<i32>} : memref<256x128xf32, #tpu.memory_space<vmem>>, vector<1x16xf32>,
      %get3A_290 = vector.shape_cast %get3A_289 : vector<1x16xf32> to vector<16xf32>
      %add3A_291 = arith.addf %get3A_284, %get3A_290 : vector<16xf32>
      %add3A_292 = arith.addf %add3A_278, %add3A_291 : vector<16xf32>
      %add3A_293 = arith.addf %scan3A_209, %add3A_292 : vector<16xf32>
      %get3A_294 = arith.index_cast %mul3A_216 : i32 to index
      %get3A_295 = arith.constant 48 : index
      %get3A_296 = tpu.vector_load %arg4[%get3A_294, %get3A_295] {strides = array<i32>} : memref<256x128xf32, #tpu.memory_space<vmem>>, vector<1x16xf32>,
      %get3A_297 = vector.shape_cast %get3A_296 : vector<1x16xf32> to vector<16xf32>
      %add3A_298 = arith.constant 1 : i32
      %add3A_299 = arith.addi %mul3A_216, %add3A_298 : i32
      %get3A_300 = arith.index_cast %add3A_299 : i32 to index
      %get3A_301 = arith.constant 48 : index
      %get3A_302 = tpu.vector_load %arg4[%get3A_300, %get3A_301] {strides = array<i32>} : memref<256x128xf32, #tpu.memory_space<vmem>>, vector<1x16xf32>,
      %get3A_303 = vector.shape_cast %get3A_302 : vector<1x16xf32> to vector<16xf32>
      %add3A_304 = arith.addf %get3A_297, %get3A_303 : vector<16xf32>
      %add3A_305 = arith.constant 2 : i32
      %add3A_306 = arith.addi %mul3A_216, %add3A_305 : i32
      %get3A_307 = arith.index_cast %add3A_306 : i32 to index
      %get3A_308 = arith.constant 48 : index
      %get3A_309 = tpu.vector_load %arg4[%get3A_307, %get3A_308] {strides = array<i32>} : memref<256x128xf32, #tpu.memory_space<vmem>>, vector<1x16xf32>,
      %get3A_310 = vector.shape_cast %get3A_309 : vector<1x16xf32> to vector<16xf32>
      %add3A_311 = arith.constant 3 : i32
      %add3A_312 = arith.addi %mul3A_216, %add3A_311 : i32
      %get3A_313 = arith.index_cast %add3A_312 : i32 to index
      %get3A_314 = arith.constant 48 : index
      %get3A_315 = tpu.vector_load %arg4[%get3A_313, %get3A_314] {strides = array<i32>} : memref<256x128xf32, #tpu.memory_space<vmem>>, vector<1x16xf32>,
      %get3A_316 = vector.shape_cast %get3A_315 : vector<1x16xf32> to vector<16xf32>
      %add3A_317 = arith.addf %get3A_310, %get3A_316 : vector<16xf32>
      %add3A_318 = arith.addf %add3A_304, %add3A_317 : vector<16xf32>
      %add3A_319 = arith.addf %scan3A_210, %add3A_318 : vector<16xf32>
      %get3A_320 = arith.index_cast %mul3A_216 : i32 to index
      %get3A_321 = arith.constant 64 : index
      %get3A_322 = tpu.vector_load %arg4[%get3A_320, %get3A_321] {strides = array<i32>} : memref<256x128xf32, #tpu.memory_space<vmem>>, vector<1x16xf32>,
      %get3A_323 = vector.shape_cast %get3A_322 : vector<1x16xf32> to vector<16xf32>
      %add3A_324 = arith.constant 1 : i32
      %add3A_325 = arith.addi %mul3A_216, %add3A_324 : i32
      %get3A_326 = arith.index_cast %add3A_325 : i32 to index
      %get3A_327 = arith.constant 64 : index
      %get3A_328 = tpu.vector_load %arg4[%get3A_326, %get3A_327] {strides = array<i32>} : memref<256x128xf32, #tpu.memory_space<vmem>>, vector<1x16xf32>,
      %get3A_329 = vector.shape_cast %get3A_328 : vector<1x16xf32> to vector<16xf32>
      %add3A_330 = arith.addf %get3A_323, %get3A_329 : vector<16xf32>
      %add3A_331 = arith.constant 2 : i32
      %add3A_332 = arith.addi %mul3A_216, %add3A_331 : i32
      %get3A_333 = arith.index_cast %add3A_332 : i32 to index
      %get3A_334 = arith.constant 64 : index
      %get3A_335 = tpu.vector_load %arg4[%get3A_333, %get3A_334] {strides = array<i32>} : memref<256x128xf32, #tpu.memory_space<vmem>>, vector<1x16xf32>,
      %get3A_336 = vector.shape_cast %get3A_335 : vector<1x16xf32> to vector<16xf32>
      %add3A_337 = arith.constant 3 : i32
      %add3A_338 = arith.addi %mul3A_216, %add3A_337 : i32
      %get3A_339 = arith.index_cast %add3A_338 : i32 to index
      %get3A_340 = arith.constant 64 : index
      %get3A_341 = tpu.vector_load %arg4[%get3A_339, %get3A_340] {strides = array<i32>} : memref<256x128xf32, #tpu.memory_space<vmem>>, vector<1x16xf32>,
      %get3A_342 = vector.shape_cast %get3A_341 : vector<1x16xf32> to vector<16xf32>
      %add3A_343 = arith.addf %get3A_336, %get3A_342 : vector<16xf32>
      %add3A_344 = arith.addf %add3A_330, %add3A_343 : vector<16xf32>
      %add3A_345 = arith.addf %scan3A_211, %add3A_344 : vector<16xf32>
      %get3A_346 = arith.index_cast %mul3A_216 : i32 to index
      %get3A_347 = arith.constant 80 : index
      %get3A_348 = tpu.vector_load %arg4[%get3A_346, %get3A_347] {strides = array<i32>} : memref<256x128xf32, #tpu.memory_space<vmem>>, vector<1x16xf32>,
      %get3A_349 = vector.shape_cast %get3A_348 : vector<1x16xf32> to vector<16xf32>
      %add3A_350 = arith.constant 1 : i32
      %add3A_351 = arith.addi %mul3A_216, %add3A_350 : i32
      %get3A_352 = arith.index_cast %add3A_351 : i32 to index
      %get3A_353 = arith.constant 80 : index
      %get3A_354 = tpu.vector_load %arg4[%get3A_352, %get3A_353] {strides = array<i32>} : memref<256x128xf32, #tpu.memory_space<vmem>>, vector<1x16xf32>,
      %get3A_355 = vector.shape_cast %get3A_354 : vector<1x16xf32> to vector<16xf32>
      %add3A_356 = arith.addf %get3A_349, %get3A_355 : vector<16xf32>
      %add3A_357 = arith.constant 2 : i32
      %add3A_358 = arith.addi %mul3A_216, %add3A_357 : i32
      %get3A_359 = arith.index_cast %add3A_358 : i32 to index
      %get3A_360 = arith.constant 80 : index
      %get3A_361 = tpu.vector_load %arg4[%get3A_359, %get3A_360] {strides = array<i32>} : memref<256x128xf32, #tpu.memory_space<vmem>>, vector<1x16xf32>,
      %get3A_362 = vector.shape_cast %get3A_361 : vector<1x16xf32> to vector<16xf32>
      %add3A_363 = arith.constant 3 : i32
      %add3A_364 = arith.addi %mul3A_216, %add3A_363 : i32
      %get3A_365 = arith.index_cast %add3A_364 : i32 to index
      %get3A_366 = arith.constant 80 : index
      %get3A_367 = tpu.vector_load %arg4[%get3A_365, %get3A_366] {strides = array<i32>} : memref<256x128xf32, #tpu.memory_space<vmem>>, vector<1x16xf32>,
      %get3A_368 = vector.shape_cast %get3A_367 : vector<1x16xf32> to vector<16xf32>
      %add3A_369 = arith.addf %get3A_362, %get3A_368 : vector<16xf32>
      %add3A_370 = arith.addf %add3A_356, %add3A_369 : vector<16xf32>
      %add3A_371 = arith.addf %scan3A_212, %add3A_370 : vector<16xf32>
      %get3A_372 = arith.index_cast %mul3A_216 : i32 to index
      %get3A_373 = arith.constant 96 : index
      %get3A_374 = tpu.vector_load %arg4[%get3A_372, %get3A_373] {strides = array<i32>} : memref<256x128xf32, #tpu.memory_space<vmem>>, vector<1x16xf32>,
      %get3A_375 = vector.shape_cast %get3A_374 : vector<1x16xf32> to vector<16xf32>
      %add3A_376 = arith.constant 1 : i32
      %add3A_377 = arith.addi %mul3A_216, %add3A_376 : i32
      %get3A_378 = arith.index_cast %add3A_377 : i32 to index
      %get3A_379 = arith.constant 96 : index
      %get3A_380 = tpu.vector_load %arg4[%get3A_378, %get3A_379] {strides = array<i32>} : memref<256x128xf32, #tpu.memory_space<vmem>>, vector<1x16xf32>,
      %get3A_381 = vector.shape_cast %get3A_380 : vector<1x16xf32> to vector<16xf32>
      %add3A_382 = arith.addf %get3A_375, %get3A_381 : vector<16xf32>
      %add3A_383 = arith.constant 2 : i32
      %add3A_384 = arith.addi %mul3A_216, %add3A_383 : i32
      %get3A_385 = arith.index_cast %add3A_384 : i32 to index
      %get3A_386 = arith.constant 96 : index
      %get3A_387 = tpu.vector_load %arg4[%get3A_385, %get3A_386] {strides = array<i32>} : memref<256x128xf32, #tpu.memory_space<vmem>>, vector<1x16xf32>,
      %get3A_388 = vector.shape_cast %get3A_387 : vector<1x16xf32> to vector<16xf32>
      %add3A_389 = arith.constant 3 : i32
      %add3A_390 = arith.addi %mul3A_216, %add3A_389 : i32
      %get3A_391 = arith.index_cast %add3A_390 : i32 to index
      %get3A_392 = arith.constant 96 : index
      %get3A_393 = tpu.vector_load %arg4[%get3A_391, %get3A_392] {strides = array<i32>} : memref<256x128xf32, #tpu.memory_space<vmem>>, vector<1x16xf32>,
      %get3A_394 = vector.shape_cast %get3A_393 : vector<1x16xf32> to vector<16xf32>
      %add3A_395 = arith.addf %get3A_388, %get3A_394 : vector<16xf32>
      %add3A_396 = arith.addf %add3A_382, %add3A_395 : vector<16xf32>
      %add3A_397 = arith.addf %scan3A_213, %add3A_396 : vector<16xf32>
      %get3A_398 = arith.index_cast %mul3A_216 : i32 to index
      %get3A_399 = arith.constant 112 : index
      %get3A_400 = tpu.vector_load %arg4[%get3A_398, %get3A_399] {strides = array<i32>} : memref<256x128xf32, #tpu.memory_space<vmem>>, vector<1x16xf32>,
      %get3A_401 = vector.shape_cast %get3A_400 : vector<1x16xf32> to vector<16xf32>
      %add3A_402 = arith.constant 1 : i32
      %add3A_403 = arith.addi %mul3A_216, %add3A_402 : i32
      %get3A_404 = arith.index_cast %add3A_403 : i32 to index
      %get3A_405 = arith.constant 112 : index
      %get3A_406 = tpu.vector_load %arg4[%get3A_404, %get3A_405] {strides = array<i32>} : memref<256x128xf32, #tpu.memory_space<vmem>>, vector<1x16xf32>,
      %get3A_407 = vector.shape_cast %get3A_406 : vector<1x16xf32> to vector<16xf32>
      %add3A_408 = arith.addf %get3A_401, %get3A_407 : vector<16xf32>
      %add3A_409 = arith.constant 2 : i32
      %add3A_410 = arith.addi %mul3A_216, %add3A_409 : i32
      %get3A_411 = arith.index_cast %add3A_410 : i32 to index
      %get3A_412 = arith.constant 112 : index
      %get3A_413 = tpu.vector_load %arg4[%get3A_411, %get3A_412] {strides = array<i32>} : memref<256x128xf32, #tpu.memory_space<vmem>>, vector<1x16xf32>,
      %get3A_414 = vector.shape_cast %get3A_413 : vector<1x16xf32> to vector<16xf32>
      %add3A_415 = arith.constant 3 : i32
      %add3A_416 = arith.addi %mul3A_216, %add3A_415 : i32
      %get3A_417 = arith.index_cast %add3A_416 : i32 to index
      %get3A_418 = arith.constant 112 : index
      %get3A_419 = tpu.vector_load %arg4[%get3A_417, %get3A_418] {strides = array<i32>} : memref<256x128xf32, #tpu.memory_space<vmem>>, vector<1x16xf32>,
      %get3A_420 = vector.shape_cast %get3A_419 : vector<1x16xf32> to vector<16xf32>
      %add3A_421 = arith.addf %get3A_414, %get3A_420 : vector<16xf32>
      %add3A_422 = arith.addf %add3A_408, %add3A_421 : vector<16xf32>
      %add3A_423 = arith.addf %scan3A_214, %add3A_422 : vector<16xf32>
      scf.yield %add3A_241, %add3A_267, %add3A_293, %add3A_319, %add3A_345, %add3A_371, %add3A_397, %add3A_423 : vector<16xf32>, vector<16xf32>, vector<16xf32>, vector<16xf32>, vector<16xf32>, vector<16xf32>, vector<16xf32>, vector<16xf32>
    }
    %scan3A_68 = arith.constant 64 : i32
    %add3A_69 = arith.constant 1024 : i32
    %add3A_70 = arith.addi %add3A_4, %add3A_69 : i32
    %dma_start3A_71 = arith.constant 0 : i32
    %dma_start3A_72 = tpu.memref_slice %arg2[%add3A_70, %dma_start3A_71] : memref<320000x128xf32, #tpu.memory_space<hbm>> -> memref<256x128xf32, #tpu.memory_space<hbm>>
    %dma_start3A_73 = arith.constant 0 : i32
    %dma_start3A_74 = tpu.memref_slice %arg2[%add3A_70, %dma_start3A_73] : memref<320000x128xf32, #tpu.memory_space<hbm>> -> memref<256x128xf32, #tpu.memory_space<hbm>>
    tpu.enqueue_dma source(%dma_start3A_74 : memref<256x128xf32, #tpu.memory_space<hbm>>) target(%arg4 : memref<256x128xf32, #tpu.memory_space<vmem>>) target_semaphore(%arg7 : memref<!tpu.dma_semaphore, #tpu.memory_space<semaphore_mem>>)
    %dma_wait3A_75 = arith.constant 0 : i32
    %dma_wait3A_76 = tpu.memref_slice %arg2[%add3A_54, %dma_wait3A_75] : memref<320000x128xf32, #tpu.memory_space<hbm>> -> memref<256x128xf32, #tpu.memory_space<hbm>>
    %dma_wait3A_77 = arith.constant 0 : i32
    %dma_wait3A_78 = tpu.memref_slice %arg2[%add3A_54, %dma_wait3A_77] : memref<320000x128xf32, #tpu.memory_space<hbm>> -> memref<256x128xf32, #tpu.memory_space<hbm>>
    tpu.wait_dma2 semaphore(%arg8 : memref<!tpu.dma_semaphore, #tpu.memory_space<semaphore_mem>>) src(%dma_wait3A_78 : memref<256x128xf32, #tpu.memory_space<hbm>>) dst(%arg5 : memref<256x128xf32, #tpu.memory_space<vmem>>)
    %scan3A_79 = arith.constant 0 : i32
    %scan3A_80 = arith.constant 64 : i32
    %scan3A_81 = arith.addi %scan3A_79, %scan3A_80 : i32
    %scan3A_82 = arith.constant 1 : i32
    %scan3A_83:8 = scf.for %scan3A_206 = %scan3A_79 to %scan3A_81 step %scan3A_82 iter_args(%scan3A_207 = %scan3A_67#0, %scan3A_208 = %scan3A_67#1, %scan3A_209 = %scan3A_67#2, %scan3A_210 = %scan3A_67#3, %scan3A_211 = %scan3A_67#4, %scan3A_212 = %scan3A_67#5, %scan3A_213 = %scan3A_67#6, %scan3A_214 = %scan3A_67#7) -> (vector<16xf32>, vector<16xf32>, vector<16xf32>, vector<16xf32>, vector<16xf32>, vector<16xf32>, vector<16xf32>, vector<16xf32>)  : i32 {
      %mul3A_215 = arith.constant 4 : i32
      %mul3A_216 = arith.muli %scan3A_206, %mul3A_215 : i32
      %get3A = arith.index_cast %mul3A_216 : i32 to index
      %get3A_217 = arith.constant 0 : index
      %get3A_218 = tpu.vector_load %arg5[%get3A, %get3A_217] {strides = array<i32>} : memref<256x128xf32, #tpu.memory_space<vmem>>, vector<1x16xf32>,
      %get3A_219 = vector.shape_cast %get3A_218 : vector<1x16xf32> to vector<16xf32>
      %add3A_220 = arith.constant 1 : i32
      %add3A_221 = arith.addi %mul3A_216, %add3A_220 : i32
      %get3A_222 = arith.index_cast %add3A_221 : i32 to index
      %get3A_223 = arith.constant 0 : index
      %get3A_224 = tpu.vector_load %arg5[%get3A_222, %get3A_223] {strides = array<i32>} : memref<256x128xf32, #tpu.memory_space<vmem>>, vector<1x16xf32>,
      %get3A_225 = vector.shape_cast %get3A_224 : vector<1x16xf32> to vector<16xf32>
      %add3A_226 = arith.addf %get3A_219, %get3A_225 : vector<16xf32>
      %add3A_227 = arith.constant 2 : i32
      %add3A_228 = arith.addi %mul3A_216, %add3A_227 : i32
      %get3A_229 = arith.index_cast %add3A_228 : i32 to index
      %get3A_230 = arith.constant 0 : index
      %get3A_231 = tpu.vector_load %arg5[%get3A_229, %get3A_230] {strides = array<i32>} : memref<256x128xf32, #tpu.memory_space<vmem>>, vector<1x16xf32>,
      %get3A_232 = vector.shape_cast %get3A_231 : vector<1x16xf32> to vector<16xf32>
      %add3A_233 = arith.constant 3 : i32
      %add3A_234 = arith.addi %mul3A_216, %add3A_233 : i32
      %get3A_235 = arith.index_cast %add3A_234 : i32 to index
      %get3A_236 = arith.constant 0 : index
      %get3A_237 = tpu.vector_load %arg5[%get3A_235, %get3A_236] {strides = array<i32>} : memref<256x128xf32, #tpu.memory_space<vmem>>, vector<1x16xf32>,
      %get3A_238 = vector.shape_cast %get3A_237 : vector<1x16xf32> to vector<16xf32>
      %add3A_239 = arith.addf %get3A_232, %get3A_238 : vector<16xf32>
      %add3A_240 = arith.addf %add3A_226, %add3A_239 : vector<16xf32>
      %add3A_241 = arith.addf %scan3A_207, %add3A_240 : vector<16xf32>
      %get3A_242 = arith.index_cast %mul3A_216 : i32 to index
      %get3A_243 = arith.constant 16 : index
      %get3A_244 = tpu.vector_load %arg5[%get3A_242, %get3A_243] {strides = array<i32>} : memref<256x128xf32, #tpu.memory_space<vmem>>, vector<1x16xf32>,
      %get3A_245 = vector.shape_cast %get3A_244 : vector<1x16xf32> to vector<16xf32>
      %add3A_246 = arith.constant 1 : i32
      %add3A_247 = arith.addi %mul3A_216, %add3A_246 : i32
      %get3A_248 = arith.index_cast %add3A_247 : i32 to index
      %get3A_249 = arith.constant 16 : index
      %get3A_250 = tpu.vector_load %arg5[%get3A_248, %get3A_249] {strides = array<i32>} : memref<256x128xf32, #tpu.memory_space<vmem>>, vector<1x16xf32>,
      %get3A_251 = vector.shape_cast %get3A_250 : vector<1x16xf32> to vector<16xf32>
      %add3A_252 = arith.addf %get3A_245, %get3A_251 : vector<16xf32>
      %add3A_253 = arith.constant 2 : i32
      %add3A_254 = arith.addi %mul3A_216, %add3A_253 : i32
      %get3A_255 = arith.index_cast %add3A_254 : i32 to index
      %get3A_256 = arith.constant 16 : index
      %get3A_257 = tpu.vector_load %arg5[%get3A_255, %get3A_256] {strides = array<i32>} : memref<256x128xf32, #tpu.memory_space<vmem>>, vector<1x16xf32>,
      %get3A_258 = vector.shape_cast %get3A_257 : vector<1x16xf32> to vector<16xf32>
      %add3A_259 = arith.constant 3 : i32
      %add3A_260 = arith.addi %mul3A_216, %add3A_259 : i32
      %get3A_261 = arith.index_cast %add3A_260 : i32 to index
      %get3A_262 = arith.constant 16 : index
      %get3A_263 = tpu.vector_load %arg5[%get3A_261, %get3A_262] {strides = array<i32>} : memref<256x128xf32, #tpu.memory_space<vmem>>, vector<1x16xf32>,
      %get3A_264 = vector.shape_cast %get3A_263 : vector<1x16xf32> to vector<16xf32>
      %add3A_265 = arith.addf %get3A_258, %get3A_264 : vector<16xf32>
      %add3A_266 = arith.addf %add3A_252, %add3A_265 : vector<16xf32>
      %add3A_267 = arith.addf %scan3A_208, %add3A_266 : vector<16xf32>
      %get3A_268 = arith.index_cast %mul3A_216 : i32 to index
      %get3A_269 = arith.constant 32 : index
      %get3A_270 = tpu.vector_load %arg5[%get3A_268, %get3A_269] {strides = array<i32>} : memref<256x128xf32, #tpu.memory_space<vmem>>, vector<1x16xf32>,
      %get3A_271 = vector.shape_cast %get3A_270 : vector<1x16xf32> to vector<16xf32>
      %add3A_272 = arith.constant 1 : i32
      %add3A_273 = arith.addi %mul3A_216, %add3A_272 : i32
      %get3A_274 = arith.index_cast %add3A_273 : i32 to index
      %get3A_275 = arith.constant 32 : index
      %get3A_276 = tpu.vector_load %arg5[%get3A_274, %get3A_275] {strides = array<i32>} : memref<256x128xf32, #tpu.memory_space<vmem>>, vector<1x16xf32>,
      %get3A_277 = vector.shape_cast %get3A_276 : vector<1x16xf32> to vector<16xf32>
      %add3A_278 = arith.addf %get3A_271, %get3A_277 : vector<16xf32>
      %add3A_279 = arith.constant 2 : i32
      %add3A_280 = arith.addi %mul3A_216, %add3A_279 : i32
      %get3A_281 = arith.index_cast %add3A_280 : i32 to index
      %get3A_282 = arith.constant 32 : index
      %get3A_283 = tpu.vector_load %arg5[%get3A_281, %get3A_282] {strides = array<i32>} : memref<256x128xf32, #tpu.memory_space<vmem>>, vector<1x16xf32>,
      %get3A_284 = vector.shape_cast %get3A_283 : vector<1x16xf32> to vector<16xf32>
      %add3A_285 = arith.constant 3 : i32
      %add3A_286 = arith.addi %mul3A_216, %add3A_285 : i32
      %get3A_287 = arith.index_cast %add3A_286 : i32 to index
      %get3A_288 = arith.constant 32 : index
      %get3A_289 = tpu.vector_load %arg5[%get3A_287, %get3A_288] {strides = array<i32>} : memref<256x128xf32, #tpu.memory_space<vmem>>, vector<1x16xf32>,
      %get3A_290 = vector.shape_cast %get3A_289 : vector<1x16xf32> to vector<16xf32>
      %add3A_291 = arith.addf %get3A_284, %get3A_290 : vector<16xf32>
      %add3A_292 = arith.addf %add3A_278, %add3A_291 : vector<16xf32>
      %add3A_293 = arith.addf %scan3A_209, %add3A_292 : vector<16xf32>
      %get3A_294 = arith.index_cast %mul3A_216 : i32 to index
      %get3A_295 = arith.constant 48 : index
      %get3A_296 = tpu.vector_load %arg5[%get3A_294, %get3A_295] {strides = array<i32>} : memref<256x128xf32, #tpu.memory_space<vmem>>, vector<1x16xf32>,
      %get3A_297 = vector.shape_cast %get3A_296 : vector<1x16xf32> to vector<16xf32>
      %add3A_298 = arith.constant 1 : i32
      %add3A_299 = arith.addi %mul3A_216, %add3A_298 : i32
      %get3A_300 = arith.index_cast %add3A_299 : i32 to index
      %get3A_301 = arith.constant 48 : index
      %get3A_302 = tpu.vector_load %arg5[%get3A_300, %get3A_301] {strides = array<i32>} : memref<256x128xf32, #tpu.memory_space<vmem>>, vector<1x16xf32>,
      %get3A_303 = vector.shape_cast %get3A_302 : vector<1x16xf32> to vector<16xf32>
      %add3A_304 = arith.addf %get3A_297, %get3A_303 : vector<16xf32>
      %add3A_305 = arith.constant 2 : i32
      %add3A_306 = arith.addi %mul3A_216, %add3A_305 : i32
      %get3A_307 = arith.index_cast %add3A_306 : i32 to index
      %get3A_308 = arith.constant 48 : index
      %get3A_309 = tpu.vector_load %arg5[%get3A_307, %get3A_308] {strides = array<i32>} : memref<256x128xf32, #tpu.memory_space<vmem>>, vector<1x16xf32>,
      %get3A_310 = vector.shape_cast %get3A_309 : vector<1x16xf32> to vector<16xf32>
      %add3A_311 = arith.constant 3 : i32
      %add3A_312 = arith.addi %mul3A_216, %add3A_311 : i32
      %get3A_313 = arith.index_cast %add3A_312 : i32 to index
      %get3A_314 = arith.constant 48 : index
      %get3A_315 = tpu.vector_load %arg5[%get3A_313, %get3A_314] {strides = array<i32>} : memref<256x128xf32, #tpu.memory_space<vmem>>, vector<1x16xf32>,
      %get3A_316 = vector.shape_cast %get3A_315 : vector<1x16xf32> to vector<16xf32>
      %add3A_317 = arith.addf %get3A_310, %get3A_316 : vector<16xf32>
      %add3A_318 = arith.addf %add3A_304, %add3A_317 : vector<16xf32>
      %add3A_319 = arith.addf %scan3A_210, %add3A_318 : vector<16xf32>
      %get3A_320 = arith.index_cast %mul3A_216 : i32 to index
      %get3A_321 = arith.constant 64 : index
      %get3A_322 = tpu.vector_load %arg5[%get3A_320, %get3A_321] {strides = array<i32>} : memref<256x128xf32, #tpu.memory_space<vmem>>, vector<1x16xf32>,
      %get3A_323 = vector.shape_cast %get3A_322 : vector<1x16xf32> to vector<16xf32>
      %add3A_324 = arith.constant 1 : i32
      %add3A_325 = arith.addi %mul3A_216, %add3A_324 : i32
      %get3A_326 = arith.index_cast %add3A_325 : i32 to index
      %get3A_327 = arith.constant 64 : index
      %get3A_328 = tpu.vector_load %arg5[%get3A_326, %get3A_327] {strides = array<i32>} : memref<256x128xf32, #tpu.memory_space<vmem>>, vector<1x16xf32>,
      %get3A_329 = vector.shape_cast %get3A_328 : vector<1x16xf32> to vector<16xf32>
      %add3A_330 = arith.addf %get3A_323, %get3A_329 : vector<16xf32>
      %add3A_331 = arith.constant 2 : i32
      %add3A_332 = arith.addi %mul3A_216, %add3A_331 : i32
      %get3A_333 = arith.index_cast %add3A_332 : i32 to index
      %get3A_334 = arith.constant 64 : index
      %get3A_335 = tpu.vector_load %arg5[%get3A_333, %get3A_334] {strides = array<i32>} : memref<256x128xf32, #tpu.memory_space<vmem>>, vector<1x16xf32>,
      %get3A_336 = vector.shape_cast %get3A_335 : vector<1x16xf32> to vector<16xf32>
      %add3A_337 = arith.constant 3 : i32
      %add3A_338 = arith.addi %mul3A_216, %add3A_337 : i32
      %get3A_339 = arith.index_cast %add3A_338 : i32 to index
      %get3A_340 = arith.constant 64 : index
      %get3A_341 = tpu.vector_load %arg5[%get3A_339, %get3A_340] {strides = array<i32>} : memref<256x128xf32, #tpu.memory_space<vmem>>, vector<1x16xf32>,
      %get3A_342 = vector.shape_cast %get3A_341 : vector<1x16xf32> to vector<16xf32>
      %add3A_343 = arith.addf %get3A_336, %get3A_342 : vector<16xf32>
      %add3A_344 = arith.addf %add3A_330, %add3A_343 : vector<16xf32>
      %add3A_345 = arith.addf %scan3A_211, %add3A_344 : vector<16xf32>
      %get3A_346 = arith.index_cast %mul3A_216 : i32 to index
      %get3A_347 = arith.constant 80 : index
      %get3A_348 = tpu.vector_load %arg5[%get3A_346, %get3A_347] {strides = array<i32>} : memref<256x128xf32, #tpu.memory_space<vmem>>, vector<1x16xf32>,
      %get3A_349 = vector.shape_cast %get3A_348 : vector<1x16xf32> to vector<16xf32>
      %add3A_350 = arith.constant 1 : i32
      %add3A_351 = arith.addi %mul3A_216, %add3A_350 : i32
      %get3A_352 = arith.index_cast %add3A_351 : i32 to index
      %get3A_353 = arith.constant 80 : index
      %get3A_354 = tpu.vector_load %arg5[%get3A_352, %get3A_353] {strides = array<i32>} : memref<256x128xf32, #tpu.memory_space<vmem>>, vector<1x16xf32>,
      %get3A_355 = vector.shape_cast %get3A_354 : vector<1x16xf32> to vector<16xf32>
      %add3A_356 = arith.addf %get3A_349, %get3A_355 : vector<16xf32>
      %add3A_357 = arith.constant 2 : i32
      %add3A_358 = arith.addi %mul3A_216, %add3A_357 : i32
      %get3A_359 = arith.index_cast %add3A_358 : i32 to index
      %get3A_360 = arith.constant 80 : index
      %get3A_361 = tpu.vector_load %arg5[%get3A_359, %get3A_360] {strides = array<i32>} : memref<256x128xf32, #tpu.memory_space<vmem>>, vector<1x16xf32>,
      %get3A_362 = vector.shape_cast %get3A_361 : vector<1x16xf32> to vector<16xf32>
      %add3A_363 = arith.constant 3 : i32
      %add3A_364 = arith.addi %mul3A_216, %add3A_363 : i32
      %get3A_365 = arith.index_cast %add3A_364 : i32 to index
      %get3A_366 = arith.constant 80 : index
      %get3A_367 = tpu.vector_load %arg5[%get3A_365, %get3A_366] {strides = array<i32>} : memref<256x128xf32, #tpu.memory_space<vmem>>, vector<1x16xf32>,
      %get3A_368 = vector.shape_cast %get3A_367 : vector<1x16xf32> to vector<16xf32>
      %add3A_369 = arith.addf %get3A_362, %get3A_368 : vector<16xf32>
      %add3A_370 = arith.addf %add3A_356, %add3A_369 : vector<16xf32>
      %add3A_371 = arith.addf %scan3A_212, %add3A_370 : vector<16xf32>
      %get3A_372 = arith.index_cast %mul3A_216 : i32 to index
      %get3A_373 = arith.constant 96 : index
      %get3A_374 = tpu.vector_load %arg5[%get3A_372, %get3A_373] {strides = array<i32>} : memref<256x128xf32, #tpu.memory_space<vmem>>, vector<1x16xf32>,
      %get3A_375 = vector.shape_cast %get3A_374 : vector<1x16xf32> to vector<16xf32>
      %add3A_376 = arith.constant 1 : i32
      %add3A_377 = arith.addi %mul3A_216, %add3A_376 : i32
      %get3A_378 = arith.index_cast %add3A_377 : i32 to index
      %get3A_379 = arith.constant 96 : index
      %get3A_380 = tpu.vector_load %arg5[%get3A_378, %get3A_379] {strides = array<i32>} : memref<256x128xf32, #tpu.memory_space<vmem>>, vector<1x16xf32>,
      %get3A_381 = vector.shape_cast %get3A_380 : vector<1x16xf32> to vector<16xf32>
      %add3A_382 = arith.addf %get3A_375, %get3A_381 : vector<16xf32>
      %add3A_383 = arith.constant 2 : i32
      %add3A_384 = arith.addi %mul3A_216, %add3A_383 : i32
      %get3A_385 = arith.index_cast %add3A_384 : i32 to index
      %get3A_386 = arith.constant 96 : index
      %get3A_387 = tpu.vector_load %arg5[%get3A_385, %get3A_386] {strides = array<i32>} : memref<256x128xf32, #tpu.memory_space<vmem>>, vector<1x16xf32>,
      %get3A_388 = vector.shape_cast %get3A_387 : vector<1x16xf32> to vector<16xf32>
      %add3A_389 = arith.constant 3 : i32
      %add3A_390 = arith.addi %mul3A_216, %add3A_389 : i32
      %get3A_391 = arith.index_cast %add3A_390 : i32 to index
      %get3A_392 = arith.constant 96 : index
      %get3A_393 = tpu.vector_load %arg5[%get3A_391, %get3A_392] {strides = array<i32>} : memref<256x128xf32, #tpu.memory_space<vmem>>, vector<1x16xf32>,
      %get3A_394 = vector.shape_cast %get3A_393 : vector<1x16xf32> to vector<16xf32>
      %add3A_395 = arith.addf %get3A_388, %get3A_394 : vector<16xf32>
      %add3A_396 = arith.addf %add3A_382, %add3A_395 : vector<16xf32>
      %add3A_397 = arith.addf %scan3A_213, %add3A_396 : vector<16xf32>
      %get3A_398 = arith.index_cast %mul3A_216 : i32 to index
      %get3A_399 = arith.constant 112 : index
      %get3A_400 = tpu.vector_load %arg5[%get3A_398, %get3A_399] {strides = array<i32>} : memref<256x128xf32, #tpu.memory_space<vmem>>, vector<1x16xf32>,
      %get3A_401 = vector.shape_cast %get3A_400 : vector<1x16xf32> to vector<16xf32>
      %add3A_402 = arith.constant 1 : i32
      %add3A_403 = arith.addi %mul3A_216, %add3A_402 : i32
      %get3A_404 = arith.index_cast %add3A_403 : i32 to index
      %get3A_405 = arith.constant 112 : index
      %get3A_406 = tpu.vector_load %arg5[%get3A_404, %get3A_405] {strides = array<i32>} : memref<256x128xf32, #tpu.memory_space<vmem>>, vector<1x16xf32>,
      %get3A_407 = vector.shape_cast %get3A_406 : vector<1x16xf32> to vector<16xf32>
      %add3A_408 = arith.addf %get3A_401, %get3A_407 : vector<16xf32>
      %add3A_409 = arith.constant 2 : i32
      %add3A_410 = arith.addi %mul3A_216, %add3A_409 : i32
      %get3A_411 = arith.index_cast %add3A_410 : i32 to index
      %get3A_412 = arith.constant 112 : index
      %get3A_413 = tpu.vector_load %arg5[%get3A_411, %get3A_412] {strides = array<i32>} : memref<256x128xf32, #tpu.memory_space<vmem>>, vector<1x16xf32>,
      %get3A_414 = vector.shape_cast %get3A_413 : vector<1x16xf32> to vector<16xf32>
      %add3A_415 = arith.constant 3 : i32
      %add3A_416 = arith.addi %mul3A_216, %add3A_415 : i32
      %get3A_417 = arith.index_cast %add3A_416 : i32 to index
      %get3A_418 = arith.constant 112 : index
      %get3A_419 = tpu.vector_load %arg5[%get3A_417, %get3A_418] {strides = array<i32>} : memref<256x128xf32, #tpu.memory_space<vmem>>, vector<1x16xf32>,
      %get3A_420 = vector.shape_cast %get3A_419 : vector<1x16xf32> to vector<16xf32>
      %add3A_421 = arith.addf %get3A_414, %get3A_420 : vector<16xf32>
      %add3A_422 = arith.addf %add3A_408, %add3A_421 : vector<16xf32>
      %add3A_423 = arith.addf %scan3A_214, %add3A_422 : vector<16xf32>
      scf.yield %add3A_241, %add3A_267, %add3A_293, %add3A_319, %add3A_345, %add3A_371, %add3A_397, %add3A_423 : vector<16xf32>, vector<16xf32>, vector<16xf32>, vector<16xf32>, vector<16xf32>, vector<16xf32>, vector<16xf32>, vector<16xf32>
    }
    %scan3A_84 = arith.constant 64 : i32
    %add3A_85 = arith.constant 1280 : i32
    %add3A_86 = arith.addi %add3A_4, %add3A_85 : i32
    %dma_start3A_87 = arith.constant 0 : i32
    %dma_start3A_88 = tpu.memref_slice %arg2[%add3A_86, %dma_start3A_87] : memref<320000x128xf32, #tpu.memory_space<hbm>> -> memref<256x128xf32, #tpu.memory_space<hbm>>
    %dma_start3A_89 = arith.constant 0 : i32
    %dma_start3A_90 = tpu.memref_slice %arg2[%add3A_86, %dma_start3A_89] : memref<320000x128xf32, #tpu.memory_space<hbm>> -> memref<256x128xf32, #tpu.memory_space<hbm>>
    tpu.enqueue_dma source(%dma_start3A_90 : memref<256x128xf32, #tpu.memory_space<hbm>>) target(%arg5 : memref<256x128xf32, #tpu.memory_space<vmem>>) target_semaphore(%arg8 : memref<!tpu.dma_semaphore, #tpu.memory_space<semaphore_mem>>)
    %dma_wait3A_91 = arith.constant 0 : i32
    %dma_wait3A_92 = tpu.memref_slice %arg2[%add3A_70, %dma_wait3A_91] : memref<320000x128xf32, #tpu.memory_space<hbm>> -> memref<256x128xf32, #tpu.memory_space<hbm>>
    %dma_wait3A_93 = arith.constant 0 : i32
    %dma_wait3A_94 = tpu.memref_slice %arg2[%add3A_70, %dma_wait3A_93] : memref<320000x128xf32, #tpu.memory_space<hbm>> -> memref<256x128xf32, #tpu.memory_space<hbm>>
    tpu.wait_dma2 semaphore(%arg7 : memref<!tpu.dma_semaphore, #tpu.memory_space<semaphore_mem>>) src(%dma_wait3A_94 : memref<256x128xf32, #tpu.memory_space<hbm>>) dst(%arg4 : memref<256x128xf32, #tpu.memory_space<vmem>>)
    %scan3A_95 = arith.constant 0 : i32
    %scan3A_96 = arith.constant 64 : i32
    %scan3A_97 = arith.addi %scan3A_95, %scan3A_96 : i32
    %scan3A_98 = arith.constant 1 : i32
    %scan3A_99:8 = scf.for %scan3A_206 = %scan3A_95 to %scan3A_97 step %scan3A_98 iter_args(%scan3A_207 = %scan3A_83#0, %scan3A_208 = %scan3A_83#1, %scan3A_209 = %scan3A_83#2, %scan3A_210 = %scan3A_83#3, %scan3A_211 = %scan3A_83#4, %scan3A_212 = %scan3A_83#5, %scan3A_213 = %scan3A_83#6, %scan3A_214 = %scan3A_83#7) -> (vector<16xf32>, vector<16xf32>, vector<16xf32>, vector<16xf32>, vector<16xf32>, vector<16xf32>, vector<16xf32>, vector<16xf32>)  : i32 {
      %mul3A_215 = arith.constant 4 : i32
      %mul3A_216 = arith.muli %scan3A_206, %mul3A_215 : i32
      %get3A = arith.index_cast %mul3A_216 : i32 to index
      %get3A_217 = arith.constant 0 : index
      %get3A_218 = tpu.vector_load %arg4[%get3A, %get3A_217] {strides = array<i32>} : memref<256x128xf32, #tpu.memory_space<vmem>>, vector<1x16xf32>,
      %get3A_219 = vector.shape_cast %get3A_218 : vector<1x16xf32> to vector<16xf32>
      %add3A_220 = arith.constant 1 : i32
      %add3A_221 = arith.addi %mul3A_216, %add3A_220 : i32
      %get3A_222 = arith.index_cast %add3A_221 : i32 to index
      %get3A_223 = arith.constant 0 : index
      %get3A_224 = tpu.vector_load %arg4[%get3A_222, %get3A_223] {strides = array<i32>} : memref<256x128xf32, #tpu.memory_space<vmem>>, vector<1x16xf32>,
      %get3A_225 = vector.shape_cast %get3A_224 : vector<1x16xf32> to vector<16xf32>
      %add3A_226 = arith.addf %get3A_219, %get3A_225 : vector<16xf32>
      %add3A_227 = arith.constant 2 : i32
      %add3A_228 = arith.addi %mul3A_216, %add3A_227 : i32
      %get3A_229 = arith.index_cast %add3A_228 : i32 to index
      %get3A_230 = arith.constant 0 : index
      %get3A_231 = tpu.vector_load %arg4[%get3A_229, %get3A_230] {strides = array<i32>} : memref<256x128xf32, #tpu.memory_space<vmem>>, vector<1x16xf32>,
      %get3A_232 = vector.shape_cast %get3A_231 : vector<1x16xf32> to vector<16xf32>
      %add3A_233 = arith.constant 3 : i32
      %add3A_234 = arith.addi %mul3A_216, %add3A_233 : i32
      %get3A_235 = arith.index_cast %add3A_234 : i32 to index
      %get3A_236 = arith.constant 0 : index
      %get3A_237 = tpu.vector_load %arg4[%get3A_235, %get3A_236] {strides = array<i32>} : memref<256x128xf32, #tpu.memory_space<vmem>>, vector<1x16xf32>,
      %get3A_238 = vector.shape_cast %get3A_237 : vector<1x16xf32> to vector<16xf32>
      %add3A_239 = arith.addf %get3A_232, %get3A_238 : vector<16xf32>
      %add3A_240 = arith.addf %add3A_226, %add3A_239 : vector<16xf32>
      %add3A_241 = arith.addf %scan3A_207, %add3A_240 : vector<16xf32>
      %get3A_242 = arith.index_cast %mul3A_216 : i32 to index
      %get3A_243 = arith.constant 16 : index
      %get3A_244 = tpu.vector_load %arg4[%get3A_242, %get3A_243] {strides = array<i32>} : memref<256x128xf32, #tpu.memory_space<vmem>>, vector<1x16xf32>,
      %get3A_245 = vector.shape_cast %get3A_244 : vector<1x16xf32> to vector<16xf32>
      %add3A_246 = arith.constant 1 : i32
      %add3A_247 = arith.addi %mul3A_216, %add3A_246 : i32
      %get3A_248 = arith.index_cast %add3A_247 : i32 to index
      %get3A_249 = arith.constant 16 : index
      %get3A_250 = tpu.vector_load %arg4[%get3A_248, %get3A_249] {strides = array<i32>} : memref<256x128xf32, #tpu.memory_space<vmem>>, vector<1x16xf32>,
      %get3A_251 = vector.shape_cast %get3A_250 : vector<1x16xf32> to vector<16xf32>
      %add3A_252 = arith.addf %get3A_245, %get3A_251 : vector<16xf32>
      %add3A_253 = arith.constant 2 : i32
      %add3A_254 = arith.addi %mul3A_216, %add3A_253 : i32
      %get3A_255 = arith.index_cast %add3A_254 : i32 to index
      %get3A_256 = arith.constant 16 : index
      %get3A_257 = tpu.vector_load %arg4[%get3A_255, %get3A_256] {strides = array<i32>} : memref<256x128xf32, #tpu.memory_space<vmem>>, vector<1x16xf32>,
      %get3A_258 = vector.shape_cast %get3A_257 : vector<1x16xf32> to vector<16xf32>
      %add3A_259 = arith.constant 3 : i32
      %add3A_260 = arith.addi %mul3A_216, %add3A_259 : i32
      %get3A_261 = arith.index_cast %add3A_260 : i32 to index
      %get3A_262 = arith.constant 16 : index
      %get3A_263 = tpu.vector_load %arg4[%get3A_261, %get3A_262] {strides = array<i32>} : memref<256x128xf32, #tpu.memory_space<vmem>>, vector<1x16xf32>,
      %get3A_264 = vector.shape_cast %get3A_263 : vector<1x16xf32> to vector<16xf32>
      %add3A_265 = arith.addf %get3A_258, %get3A_264 : vector<16xf32>
      %add3A_266 = arith.addf %add3A_252, %add3A_265 : vector<16xf32>
      %add3A_267 = arith.addf %scan3A_208, %add3A_266 : vector<16xf32>
      %get3A_268 = arith.index_cast %mul3A_216 : i32 to index
      %get3A_269 = arith.constant 32 : index
      %get3A_270 = tpu.vector_load %arg4[%get3A_268, %get3A_269] {strides = array<i32>} : memref<256x128xf32, #tpu.memory_space<vmem>>, vector<1x16xf32>,
      %get3A_271 = vector.shape_cast %get3A_270 : vector<1x16xf32> to vector<16xf32>
      %add3A_272 = arith.constant 1 : i32
      %add3A_273 = arith.addi %mul3A_216, %add3A_272 : i32
      %get3A_274 = arith.index_cast %add3A_273 : i32 to index
      %get3A_275 = arith.constant 32 : index
      %get3A_276 = tpu.vector_load %arg4[%get3A_274, %get3A_275] {strides = array<i32>} : memref<256x128xf32, #tpu.memory_space<vmem>>, vector<1x16xf32>,
      %get3A_277 = vector.shape_cast %get3A_276 : vector<1x16xf32> to vector<16xf32>
      %add3A_278 = arith.addf %get3A_271, %get3A_277 : vector<16xf32>
      %add3A_279 = arith.constant 2 : i32
      %add3A_280 = arith.addi %mul3A_216, %add3A_279 : i32
      %get3A_281 = arith.index_cast %add3A_280 : i32 to index
      %get3A_282 = arith.constant 32 : index
      %get3A_283 = tpu.vector_load %arg4[%get3A_281, %get3A_282] {strides = array<i32>} : memref<256x128xf32, #tpu.memory_space<vmem>>, vector<1x16xf32>,
      %get3A_284 = vector.shape_cast %get3A_283 : vector<1x16xf32> to vector<16xf32>
      %add3A_285 = arith.constant 3 : i32
      %add3A_286 = arith.addi %mul3A_216, %add3A_285 : i32
      %get3A_287 = arith.index_cast %add3A_286 : i32 to index
      %get3A_288 = arith.constant 32 : index
      %get3A_289 = tpu.vector_load %arg4[%get3A_287, %get3A_288] {strides = array<i32>} : memref<256x128xf32, #tpu.memory_space<vmem>>, vector<1x16xf32>,
      %get3A_290 = vector.shape_cast %get3A_289 : vector<1x16xf32> to vector<16xf32>
      %add3A_291 = arith.addf %get3A_284, %get3A_290 : vector<16xf32>
      %add3A_292 = arith.addf %add3A_278, %add3A_291 : vector<16xf32>
      %add3A_293 = arith.addf %scan3A_209, %add3A_292 : vector<16xf32>
      %get3A_294 = arith.index_cast %mul3A_216 : i32 to index
      %get3A_295 = arith.constant 48 : index
      %get3A_296 = tpu.vector_load %arg4[%get3A_294, %get3A_295] {strides = array<i32>} : memref<256x128xf32, #tpu.memory_space<vmem>>, vector<1x16xf32>,
      %get3A_297 = vector.shape_cast %get3A_296 : vector<1x16xf32> to vector<16xf32>
      %add3A_298 = arith.constant 1 : i32
      %add3A_299 = arith.addi %mul3A_216, %add3A_298 : i32
      %get3A_300 = arith.index_cast %add3A_299 : i32 to index
      %get3A_301 = arith.constant 48 : index
      %get3A_302 = tpu.vector_load %arg4[%get3A_300, %get3A_301] {strides = array<i32>} : memref<256x128xf32, #tpu.memory_space<vmem>>, vector<1x16xf32>,
      %get3A_303 = vector.shape_cast %get3A_302 : vector<1x16xf32> to vector<16xf32>
      %add3A_304 = arith.addf %get3A_297, %get3A_303 : vector<16xf32>
      %add3A_305 = arith.constant 2 : i32
      %add3A_306 = arith.addi %mul3A_216, %add3A_305 : i32
      %get3A_307 = arith.index_cast %add3A_306 : i32 to index
      %get3A_308 = arith.constant 48 : index
      %get3A_309 = tpu.vector_load %arg4[%get3A_307, %get3A_308] {strides = array<i32>} : memref<256x128xf32, #tpu.memory_space<vmem>>, vector<1x16xf32>,
      %get3A_310 = vector.shape_cast %get3A_309 : vector<1x16xf32> to vector<16xf32>
      %add3A_311 = arith.constant 3 : i32
      %add3A_312 = arith.addi %mul3A_216, %add3A_311 : i32
      %get3A_313 = arith.index_cast %add3A_312 : i32 to index
      %get3A_314 = arith.constant 48 : index
      %get3A_315 = tpu.vector_load %arg4[%get3A_313, %get3A_314] {strides = array<i32>} : memref<256x128xf32, #tpu.memory_space<vmem>>, vector<1x16xf32>,
      %get3A_316 = vector.shape_cast %get3A_315 : vector<1x16xf32> to vector<16xf32>
      %add3A_317 = arith.addf %get3A_310, %get3A_316 : vector<16xf32>
      %add3A_318 = arith.addf %add3A_304, %add3A_317 : vector<16xf32>
      %add3A_319 = arith.addf %scan3A_210, %add3A_318 : vector<16xf32>
      %get3A_320 = arith.index_cast %mul3A_216 : i32 to index
      %get3A_321 = arith.constant 64 : index
      %get3A_322 = tpu.vector_load %arg4[%get3A_320, %get3A_321] {strides = array<i32>} : memref<256x128xf32, #tpu.memory_space<vmem>>, vector<1x16xf32>,
      %get3A_323 = vector.shape_cast %get3A_322 : vector<1x16xf32> to vector<16xf32>
      %add3A_324 = arith.constant 1 : i32
      %add3A_325 = arith.addi %mul3A_216, %add3A_324 : i32
      %get3A_326 = arith.index_cast %add3A_325 : i32 to index
      %get3A_327 = arith.constant 64 : index
      %get3A_328 = tpu.vector_load %arg4[%get3A_326, %get3A_327] {strides = array<i32>} : memref<256x128xf32, #tpu.memory_space<vmem>>, vector<1x16xf32>,
      %get3A_329 = vector.shape_cast %get3A_328 : vector<1x16xf32> to vector<16xf32>
      %add3A_330 = arith.addf %get3A_323, %get3A_329 : vector<16xf32>
      %add3A_331 = arith.constant 2 : i32
      %add3A_332 = arith.addi %mul3A_216, %add3A_331 : i32
      %get3A_333 = arith.index_cast %add3A_332 : i32 to index
      %get3A_334 = arith.constant 64 : index
      %get3A_335 = tpu.vector_load %arg4[%get3A_333, %get3A_334] {strides = array<i32>} : memref<256x128xf32, #tpu.memory_space<vmem>>, vector<1x16xf32>,
      %get3A_336 = vector.shape_cast %get3A_335 : vector<1x16xf32> to vector<16xf32>
      %add3A_337 = arith.constant 3 : i32
      %add3A_338 = arith.addi %mul3A_216, %add3A_337 : i32
      %get3A_339 = arith.index_cast %add3A_338 : i32 to index
      %get3A_340 = arith.constant 64 : index
      %get3A_341 = tpu.vector_load %arg4[%get3A_339, %get3A_340] {strides = array<i32>} : memref<256x128xf32, #tpu.memory_space<vmem>>, vector<1x16xf32>,
      %get3A_342 = vector.shape_cast %get3A_341 : vector<1x16xf32> to vector<16xf32>
      %add3A_343 = arith.addf %get3A_336, %get3A_342 : vector<16xf32>
      %add3A_344 = arith.addf %add3A_330, %add3A_343 : vector<16xf32>
      %add3A_345 = arith.addf %scan3A_211, %add3A_344 : vector<16xf32>
      %get3A_346 = arith.index_cast %mul3A_216 : i32 to index
      %get3A_347 = arith.constant 80 : index
      %get3A_348 = tpu.vector_load %arg4[%get3A_346, %get3A_347] {strides = array<i32>} : memref<256x128xf32, #tpu.memory_space<vmem>>, vector<1x16xf32>,
      %get3A_349 = vector.shape_cast %get3A_348 : vector<1x16xf32> to vector<16xf32>
      %add3A_350 = arith.constant 1 : i32
      %add3A_351 = arith.addi %mul3A_216, %add3A_350 : i32
      %get3A_352 = arith.index_cast %add3A_351 : i32 to index
      %get3A_353 = arith.constant 80 : index
      %get3A_354 = tpu.vector_load %arg4[%get3A_352, %get3A_353] {strides = array<i32>} : memref<256x128xf32, #tpu.memory_space<vmem>>, vector<1x16xf32>,
      %get3A_355 = vector.shape_cast %get3A_354 : vector<1x16xf32> to vector<16xf32>
      %add3A_356 = arith.addf %get3A_349, %get3A_355 : vector<16xf32>
      %add3A_357 = arith.constant 2 : i32
      %add3A_358 = arith.addi %mul3A_216, %add3A_357 : i32
      %get3A_359 = arith.index_cast %add3A_358 : i32 to index
      %get3A_360 = arith.constant 80 : index
      %get3A_361 = tpu.vector_load %arg4[%get3A_359, %get3A_360] {strides = array<i32>} : memref<256x128xf32, #tpu.memory_space<vmem>>, vector<1x16xf32>,
      %get3A_362 = vector.shape_cast %get3A_361 : vector<1x16xf32> to vector<16xf32>
      %add3A_363 = arith.constant 3 : i32
      %add3A_364 = arith.addi %mul3A_216, %add3A_363 : i32
      %get3A_365 = arith.index_cast %add3A_364 : i32 to index
      %get3A_366 = arith.constant 80 : index
      %get3A_367 = tpu.vector_load %arg4[%get3A_365, %get3A_366] {strides = array<i32>} : memref<256x128xf32, #tpu.memory_space<vmem>>, vector<1x16xf32>,
      %get3A_368 = vector.shape_cast %get3A_367 : vector<1x16xf32> to vector<16xf32>
      %add3A_369 = arith.addf %get3A_362, %get3A_368 : vector<16xf32>
      %add3A_370 = arith.addf %add3A_356, %add3A_369 : vector<16xf32>
      %add3A_371 = arith.addf %scan3A_212, %add3A_370 : vector<16xf32>
      %get3A_372 = arith.index_cast %mul3A_216 : i32 to index
      %get3A_373 = arith.constant 96 : index
      %get3A_374 = tpu.vector_load %arg4[%get3A_372, %get3A_373] {strides = array<i32>} : memref<256x128xf32, #tpu.memory_space<vmem>>, vector<1x16xf32>,
      %get3A_375 = vector.shape_cast %get3A_374 : vector<1x16xf32> to vector<16xf32>
      %add3A_376 = arith.constant 1 : i32
      %add3A_377 = arith.addi %mul3A_216, %add3A_376 : i32
      %get3A_378 = arith.index_cast %add3A_377 : i32 to index
      %get3A_379 = arith.constant 96 : index
      %get3A_380 = tpu.vector_load %arg4[%get3A_378, %get3A_379] {strides = array<i32>} : memref<256x128xf32, #tpu.memory_space<vmem>>, vector<1x16xf32>,
      %get3A_381 = vector.shape_cast %get3A_380 : vector<1x16xf32> to vector<16xf32>
      %add3A_382 = arith.addf %get3A_375, %get3A_381 : vector<16xf32>
      %add3A_383 = arith.constant 2 : i32
      %add3A_384 = arith.addi %mul3A_216, %add3A_383 : i32
      %get3A_385 = arith.index_cast %add3A_384 : i32 to index
      %get3A_386 = arith.constant 96 : index
      %get3A_387 = tpu.vector_load %arg4[%get3A_385, %get3A_386] {strides = array<i32>} : memref<256x128xf32, #tpu.memory_space<vmem>>, vector<1x16xf32>,
      %get3A_388 = vector.shape_cast %get3A_387 : vector<1x16xf32> to vector<16xf32>
      %add3A_389 = arith.constant 3 : i32
      %add3A_390 = arith.addi %mul3A_216, %add3A_389 : i32
      %get3A_391 = arith.index_cast %add3A_390 : i32 to index
      %get3A_392 = arith.constant 96 : index
      %get3A_393 = tpu.vector_load %arg4[%get3A_391, %get3A_392] {strides = array<i32>} : memref<256x128xf32, #tpu.memory_space<vmem>>, vector<1x16xf32>,
      %get3A_394 = vector.shape_cast %get3A_393 : vector<1x16xf32> to vector<16xf32>
      %add3A_395 = arith.addf %get3A_388, %get3A_394 : vector<16xf32>
      %add3A_396 = arith.addf %add3A_382, %add3A_395 : vector<16xf32>
      %add3A_397 = arith.addf %scan3A_213, %add3A_396 : vector<16xf32>
      %get3A_398 = arith.index_cast %mul3A_216 : i32 to index
      %get3A_399 = arith.constant 112 : index
      %get3A_400 = tpu.vector_load %arg4[%get3A_398, %get3A_399] {strides = array<i32>} : memref<256x128xf32, #tpu.memory_space<vmem>>, vector<1x16xf32>,
      %get3A_401 = vector.shape_cast %get3A_400 : vector<1x16xf32> to vector<16xf32>
      %add3A_402 = arith.constant 1 : i32
      %add3A_403 = arith.addi %mul3A_216, %add3A_402 : i32
      %get3A_404 = arith.index_cast %add3A_403 : i32 to index
      %get3A_405 = arith.constant 112 : index
      %get3A_406 = tpu.vector_load %arg4[%get3A_404, %get3A_405] {strides = array<i32>} : memref<256x128xf32, #tpu.memory_space<vmem>>, vector<1x16xf32>,
      %get3A_407 = vector.shape_cast %get3A_406 : vector<1x16xf32> to vector<16xf32>
      %add3A_408 = arith.addf %get3A_401, %get3A_407 : vector<16xf32>
      %add3A_409 = arith.constant 2 : i32
      %add3A_410 = arith.addi %mul3A_216, %add3A_409 : i32
      %get3A_411 = arith.index_cast %add3A_410 : i32 to index
      %get3A_412 = arith.constant 112 : index
      %get3A_413 = tpu.vector_load %arg4[%get3A_411, %get3A_412] {strides = array<i32>} : memref<256x128xf32, #tpu.memory_space<vmem>>, vector<1x16xf32>,
      %get3A_414 = vector.shape_cast %get3A_413 : vector<1x16xf32> to vector<16xf32>
      %add3A_415 = arith.constant 3 : i32
      %add3A_416 = arith.addi %mul3A_216, %add3A_415 : i32
      %get3A_417 = arith.index_cast %add3A_416 : i32 to index
      %get3A_418 = arith.constant 112 : index
      %get3A_419 = tpu.vector_load %arg4[%get3A_417, %get3A_418] {strides = array<i32>} : memref<256x128xf32, #tpu.memory_space<vmem>>, vector<1x16xf32>,
      %get3A_420 = vector.shape_cast %get3A_419 : vector<1x16xf32> to vector<16xf32>
      %add3A_421 = arith.addf %get3A_414, %get3A_420 : vector<16xf32>
      %add3A_422 = arith.addf %add3A_408, %add3A_421 : vector<16xf32>
      %add3A_423 = arith.addf %scan3A_214, %add3A_422 : vector<16xf32>
      scf.yield %add3A_241, %add3A_267, %add3A_293, %add3A_319, %add3A_345, %add3A_371, %add3A_397, %add3A_423 : vector<16xf32>, vector<16xf32>, vector<16xf32>, vector<16xf32>, vector<16xf32>, vector<16xf32>, vector<16xf32>, vector<16xf32>
    }
    %scan3A_100 = arith.constant 64 : i32
    %add3A_101 = arith.constant 1536 : i32
    %add3A_102 = arith.addi %add3A_4, %add3A_101 : i32
    %dma_start3A_103 = arith.constant 0 : i32
    %dma_start3A_104 = tpu.memref_slice %arg2[%add3A_102, %dma_start3A_103] : memref<320000x128xf32, #tpu.memory_space<hbm>> -> memref<256x128xf32, #tpu.memory_space<hbm>>
    %dma_start3A_105 = arith.constant 0 : i32
    %dma_start3A_106 = tpu.memref_slice %arg2[%add3A_102, %dma_start3A_105] : memref<320000x128xf32, #tpu.memory_space<hbm>> -> memref<256x128xf32, #tpu.memory_space<hbm>>
    tpu.enqueue_dma source(%dma_start3A_106 : memref<256x128xf32, #tpu.memory_space<hbm>>) target(%arg4 : memref<256x128xf32, #tpu.memory_space<vmem>>) target_semaphore(%arg7 : memref<!tpu.dma_semaphore, #tpu.memory_space<semaphore_mem>>)
    %dma_wait3A_107 = arith.constant 0 : i32
    %dma_wait3A_108 = tpu.memref_slice %arg2[%add3A_86, %dma_wait3A_107] : memref<320000x128xf32, #tpu.memory_space<hbm>> -> memref<256x128xf32, #tpu.memory_space<hbm>>
    %dma_wait3A_109 = arith.constant 0 : i32
    %dma_wait3A_110 = tpu.memref_slice %arg2[%add3A_86, %dma_wait3A_109] : memref<320000x128xf32, #tpu.memory_space<hbm>> -> memref<256x128xf32, #tpu.memory_space<hbm>>
    tpu.wait_dma2 semaphore(%arg8 : memref<!tpu.dma_semaphore, #tpu.memory_space<semaphore_mem>>) src(%dma_wait3A_110 : memref<256x128xf32, #tpu.memory_space<hbm>>) dst(%arg5 : memref<256x128xf32, #tpu.memory_space<vmem>>)
    %scan3A_111 = arith.constant 0 : i32
    %scan3A_112 = arith.constant 64 : i32
    %scan3A_113 = arith.addi %scan3A_111, %scan3A_112 : i32
    %scan3A_114 = arith.constant 1 : i32
    %scan3A_115:8 = scf.for %scan3A_206 = %scan3A_111 to %scan3A_113 step %scan3A_114 iter_args(%scan3A_207 = %scan3A_99#0, %scan3A_208 = %scan3A_99#1, %scan3A_209 = %scan3A_99#2, %scan3A_210 = %scan3A_99#3, %scan3A_211 = %scan3A_99#4, %scan3A_212 = %scan3A_99#5, %scan3A_213 = %scan3A_99#6, %scan3A_214 = %scan3A_99#7) -> (vector<16xf32>, vector<16xf32>, vector<16xf32>, vector<16xf32>, vector<16xf32>, vector<16xf32>, vector<16xf32>, vector<16xf32>)  : i32 {
      %mul3A_215 = arith.constant 4 : i32
      %mul3A_216 = arith.muli %scan3A_206, %mul3A_215 : i32
      %get3A = arith.index_cast %mul3A_216 : i32 to index
      %get3A_217 = arith.constant 0 : index
      %get3A_218 = tpu.vector_load %arg5[%get3A, %get3A_217] {strides = array<i32>} : memref<256x128xf32, #tpu.memory_space<vmem>>, vector<1x16xf32>,
      %get3A_219 = vector.shape_cast %get3A_218 : vector<1x16xf32> to vector<16xf32>
      %add3A_220 = arith.constant 1 : i32
      %add3A_221 = arith.addi %mul3A_216, %add3A_220 : i32
      %get3A_222 = arith.index_cast %add3A_221 : i32 to index
      %get3A_223 = arith.constant 0 : index
      %get3A_224 = tpu.vector_load %arg5[%get3A_222, %get3A_223] {strides = array<i32>} : memref<256x128xf32, #tpu.memory_space<vmem>>, vector<1x16xf32>,
      %get3A_225 = vector.shape_cast %get3A_224 : vector<1x16xf32> to vector<16xf32>
      %add3A_226 = arith.addf %get3A_219, %get3A_225 : vector<16xf32>
      %add3A_227 = arith.constant 2 : i32
      %add3A_228 = arith.addi %mul3A_216, %add3A_227 : i32
      %get3A_229 = arith.index_cast %add3A_228 : i32 to index
      %get3A_230 = arith.constant 0 : index
      %get3A_231 = tpu.vector_load %arg5[%get3A_229, %get3A_230] {strides = array<i32>} : memref<256x128xf32, #tpu.memory_space<vmem>>, vector<1x16xf32>,
      %get3A_232 = vector.shape_cast %get3A_231 : vector<1x16xf32> to vector<16xf32>
      %add3A_233 = arith.constant 3 : i32
      %add3A_234 = arith.addi %mul3A_216, %add3A_233 : i32
      %get3A_235 = arith.index_cast %add3A_234 : i32 to index
      %get3A_236 = arith.constant 0 : index
      %get3A_237 = tpu.vector_load %arg5[%get3A_235, %get3A_236] {strides = array<i32>} : memref<256x128xf32, #tpu.memory_space<vmem>>, vector<1x16xf32>,
      %get3A_238 = vector.shape_cast %get3A_237 : vector<1x16xf32> to vector<16xf32>
      %add3A_239 = arith.addf %get3A_232, %get3A_238 : vector<16xf32>
      %add3A_240 = arith.addf %add3A_226, %add3A_239 : vector<16xf32>
      %add3A_241 = arith.addf %scan3A_207, %add3A_240 : vector<16xf32>
      %get3A_242 = arith.index_cast %mul3A_216 : i32 to index
      %get3A_243 = arith.constant 16 : index
      %get3A_244 = tpu.vector_load %arg5[%get3A_242, %get3A_243] {strides = array<i32>} : memref<256x128xf32, #tpu.memory_space<vmem>>, vector<1x16xf32>,
      %get3A_245 = vector.shape_cast %get3A_244 : vector<1x16xf32> to vector<16xf32>
      %add3A_246 = arith.constant 1 : i32
      %add3A_247 = arith.addi %mul3A_216, %add3A_246 : i32
      %get3A_248 = arith.index_cast %add3A_247 : i32 to index
      %get3A_249 = arith.constant 16 : index
      %get3A_250 = tpu.vector_load %arg5[%get3A_248, %get3A_249] {strides = array<i32>} : memref<256x128xf32, #tpu.memory_space<vmem>>, vector<1x16xf32>,
      %get3A_251 = vector.shape_cast %get3A_250 : vector<1x16xf32> to vector<16xf32>
      %add3A_252 = arith.addf %get3A_245, %get3A_251 : vector<16xf32>
      %add3A_253 = arith.constant 2 : i32
      %add3A_254 = arith.addi %mul3A_216, %add3A_253 : i32
      %get3A_255 = arith.index_cast %add3A_254 : i32 to index
      %get3A_256 = arith.constant 16 : index
      %get3A_257 = tpu.vector_load %arg5[%get3A_255, %get3A_256] {strides = array<i32>} : memref<256x128xf32, #tpu.memory_space<vmem>>, vector<1x16xf32>,
      %get3A_258 = vector.shape_cast %get3A_257 : vector<1x16xf32> to vector<16xf32>
      %add3A_259 = arith.constant 3 : i32
      %add3A_260 = arith.addi %mul3A_216, %add3A_259 : i32
      %get3A_261 = arith.index_cast %add3A_260 : i32 to index
      %get3A_262 = arith.constant 16 : index
      %get3A_263 = tpu.vector_load %arg5[%get3A_261, %get3A_262] {strides = array<i32>} : memref<256x128xf32, #tpu.memory_space<vmem>>, vector<1x16xf32>,
      %get3A_264 = vector.shape_cast %get3A_263 : vector<1x16xf32> to vector<16xf32>
      %add3A_265 = arith.addf %get3A_258, %get3A_264 : vector<16xf32>
      %add3A_266 = arith.addf %add3A_252, %add3A_265 : vector<16xf32>
      %add3A_267 = arith.addf %scan3A_208, %add3A_266 : vector<16xf32>
      %get3A_268 = arith.index_cast %mul3A_216 : i32 to index
      %get3A_269 = arith.constant 32 : index
      %get3A_270 = tpu.vector_load %arg5[%get3A_268, %get3A_269] {strides = array<i32>} : memref<256x128xf32, #tpu.memory_space<vmem>>, vector<1x16xf32>,
      %get3A_271 = vector.shape_cast %get3A_270 : vector<1x16xf32> to vector<16xf32>
      %add3A_272 = arith.constant 1 : i32
      %add3A_273 = arith.addi %mul3A_216, %add3A_272 : i32
      %get3A_274 = arith.index_cast %add3A_273 : i32 to index
      %get3A_275 = arith.constant 32 : index
      %get3A_276 = tpu.vector_load %arg5[%get3A_274, %get3A_275] {strides = array<i32>} : memref<256x128xf32, #tpu.memory_space<vmem>>, vector<1x16xf32>,
      %get3A_277 = vector.shape_cast %get3A_276 : vector<1x16xf32> to vector<16xf32>
      %add3A_278 = arith.addf %get3A_271, %get3A_277 : vector<16xf32>
      %add3A_279 = arith.constant 2 : i32
      %add3A_280 = arith.addi %mul3A_216, %add3A_279 : i32
      %get3A_281 = arith.index_cast %add3A_280 : i32 to index
      %get3A_282 = arith.constant 32 : index
      %get3A_283 = tpu.vector_load %arg5[%get3A_281, %get3A_282] {strides = array<i32>} : memref<256x128xf32, #tpu.memory_space<vmem>>, vector<1x16xf32>,
      %get3A_284 = vector.shape_cast %get3A_283 : vector<1x16xf32> to vector<16xf32>
      %add3A_285 = arith.constant 3 : i32
      %add3A_286 = arith.addi %mul3A_216, %add3A_285 : i32
      %get3A_287 = arith.index_cast %add3A_286 : i32 to index
      %get3A_288 = arith.constant 32 : index
      %get3A_289 = tpu.vector_load %arg5[%get3A_287, %get3A_288] {strides = array<i32>} : memref<256x128xf32, #tpu.memory_space<vmem>>, vector<1x16xf32>,
      %get3A_290 = vector.shape_cast %get3A_289 : vector<1x16xf32> to vector<16xf32>
      %add3A_291 = arith.addf %get3A_284, %get3A_290 : vector<16xf32>
      %add3A_292 = arith.addf %add3A_278, %add3A_291 : vector<16xf32>
      %add3A_293 = arith.addf %scan3A_209, %add3A_292 : vector<16xf32>
      %get3A_294 = arith.index_cast %mul3A_216 : i32 to index
      %get3A_295 = arith.constant 48 : index
      %get3A_296 = tpu.vector_load %arg5[%get3A_294, %get3A_295] {strides = array<i32>} : memref<256x128xf32, #tpu.memory_space<vmem>>, vector<1x16xf32>,
      %get3A_297 = vector.shape_cast %get3A_296 : vector<1x16xf32> to vector<16xf32>
      %add3A_298 = arith.constant 1 : i32
      %add3A_299 = arith.addi %mul3A_216, %add3A_298 : i32
      %get3A_300 = arith.index_cast %add3A_299 : i32 to index
      %get3A_301 = arith.constant 48 : index
      %get3A_302 = tpu.vector_load %arg5[%get3A_300, %get3A_301] {strides = array<i32>} : memref<256x128xf32, #tpu.memory_space<vmem>>, vector<1x16xf32>,
      %get3A_303 = vector.shape_cast %get3A_302 : vector<1x16xf32> to vector<16xf32>
      %add3A_304 = arith.addf %get3A_297, %get3A_303 : vector<16xf32>
      %add3A_305 = arith.constant 2 : i32
      %add3A_306 = arith.addi %mul3A_216, %add3A_305 : i32
      %get3A_307 = arith.index_cast %add3A_306 : i32 to index
      %get3A_308 = arith.constant 48 : index
      %get3A_309 = tpu.vector_load %arg5[%get3A_307, %get3A_308] {strides = array<i32>} : memref<256x128xf32, #tpu.memory_space<vmem>>, vector<1x16xf32>,
      %get3A_310 = vector.shape_cast %get3A_309 : vector<1x16xf32> to vector<16xf32>
      %add3A_311 = arith.constant 3 : i32
      %add3A_312 = arith.addi %mul3A_216, %add3A_311 : i32
      %get3A_313 = arith.index_cast %add3A_312 : i32 to index
      %get3A_314 = arith.constant 48 : index
      %get3A_315 = tpu.vector_load %arg5[%get3A_313, %get3A_314] {strides = array<i32>} : memref<256x128xf32, #tpu.memory_space<vmem>>, vector<1x16xf32>,
      %get3A_316 = vector.shape_cast %get3A_315 : vector<1x16xf32> to vector<16xf32>
      %add3A_317 = arith.addf %get3A_310, %get3A_316 : vector<16xf32>
      %add3A_318 = arith.addf %add3A_304, %add3A_317 : vector<16xf32>
      %add3A_319 = arith.addf %scan3A_210, %add3A_318 : vector<16xf32>
      %get3A_320 = arith.index_cast %mul3A_216 : i32 to index
      %get3A_321 = arith.constant 64 : index
      %get3A_322 = tpu.vector_load %arg5[%get3A_320, %get3A_321] {strides = array<i32>} : memref<256x128xf32, #tpu.memory_space<vmem>>, vector<1x16xf32>,
      %get3A_323 = vector.shape_cast %get3A_322 : vector<1x16xf32> to vector<16xf32>
      %add3A_324 = arith.constant 1 : i32
      %add3A_325 = arith.addi %mul3A_216, %add3A_324 : i32
      %get3A_326 = arith.index_cast %add3A_325 : i32 to index
      %get3A_327 = arith.constant 64 : index
      %get3A_328 = tpu.vector_load %arg5[%get3A_326, %get3A_327] {strides = array<i32>} : memref<256x128xf32, #tpu.memory_space<vmem>>, vector<1x16xf32>,
      %get3A_329 = vector.shape_cast %get3A_328 : vector<1x16xf32> to vector<16xf32>
      %add3A_330 = arith.addf %get3A_323, %get3A_329 : vector<16xf32>
      %add3A_331 = arith.constant 2 : i32
      %add3A_332 = arith.addi %mul3A_216, %add3A_331 : i32
      %get3A_333 = arith.index_cast %add3A_332 : i32 to index
      %get3A_334 = arith.constant 64 : index
      %get3A_335 = tpu.vector_load %arg5[%get3A_333, %get3A_334] {strides = array<i32>} : memref<256x128xf32, #tpu.memory_space<vmem>>, vector<1x16xf32>,
      %get3A_336 = vector.shape_cast %get3A_335 : vector<1x16xf32> to vector<16xf32>
      %add3A_337 = arith.constant 3 : i32
      %add3A_338 = arith.addi %mul3A_216, %add3A_337 : i32
      %get3A_339 = arith.index_cast %add3A_338 : i32 to index
      %get3A_340 = arith.constant 64 : index
      %get3A_341 = tpu.vector_load %arg5[%get3A_339, %get3A_340] {strides = array<i32>} : memref<256x128xf32, #tpu.memory_space<vmem>>, vector<1x16xf32>,
      %get3A_342 = vector.shape_cast %get3A_341 : vector<1x16xf32> to vector<16xf32>
      %add3A_343 = arith.addf %get3A_336, %get3A_342 : vector<16xf32>
      %add3A_344 = arith.addf %add3A_330, %add3A_343 : vector<16xf32>
      %add3A_345 = arith.addf %scan3A_211, %add3A_344 : vector<16xf32>
      %get3A_346 = arith.index_cast %mul3A_216 : i32 to index
      %get3A_347 = arith.constant 80 : index
      %get3A_348 = tpu.vector_load %arg5[%get3A_346, %get3A_347] {strides = array<i32>} : memref<256x128xf32, #tpu.memory_space<vmem>>, vector<1x16xf32>,
      %get3A_349 = vector.shape_cast %get3A_348 : vector<1x16xf32> to vector<16xf32>
      %add3A_350 = arith.constant 1 : i32
      %add3A_351 = arith.addi %mul3A_216, %add3A_350 : i32
      %get3A_352 = arith.index_cast %add3A_351 : i32 to index
      %get3A_353 = arith.constant 80 : index
      %get3A_354 = tpu.vector_load %arg5[%get3A_352, %get3A_353] {strides = array<i32>} : memref<256x128xf32, #tpu.memory_space<vmem>>, vector<1x16xf32>,
      %get3A_355 = vector.shape_cast %get3A_354 : vector<1x16xf32> to vector<16xf32>
      %add3A_356 = arith.addf %get3A_349, %get3A_355 : vector<16xf32>
      %add3A_357 = arith.constant 2 : i32
      %add3A_358 = arith.addi %mul3A_216, %add3A_357 : i32
      %get3A_359 = arith.index_cast %add3A_358 : i32 to index
      %get3A_360 = arith.constant 80 : index
      %get3A_361 = tpu.vector_load %arg5[%get3A_359, %get3A_360] {strides = array<i32>} : memref<256x128xf32, #tpu.memory_space<vmem>>, vector<1x16xf32>,
      %get3A_362 = vector.shape_cast %get3A_361 : vector<1x16xf32> to vector<16xf32>
      %add3A_363 = arith.constant 3 : i32
      %add3A_364 = arith.addi %mul3A_216, %add3A_363 : i32
      %get3A_365 = arith.index_cast %add3A_364 : i32 to index
      %get3A_366 = arith.constant 80 : index
      %get3A_367 = tpu.vector_load %arg5[%get3A_365, %get3A_366] {strides = array<i32>} : memref<256x128xf32, #tpu.memory_space<vmem>>, vector<1x16xf32>,
      %get3A_368 = vector.shape_cast %get3A_367 : vector<1x16xf32> to vector<16xf32>
      %add3A_369 = arith.addf %get3A_362, %get3A_368 : vector<16xf32>
      %add3A_370 = arith.addf %add3A_356, %add3A_369 : vector<16xf32>
      %add3A_371 = arith.addf %scan3A_212, %add3A_370 : vector<16xf32>
      %get3A_372 = arith.index_cast %mul3A_216 : i32 to index
      %get3A_373 = arith.constant 96 : index
      %get3A_374 = tpu.vector_load %arg5[%get3A_372, %get3A_373] {strides = array<i32>} : memref<256x128xf32, #tpu.memory_space<vmem>>, vector<1x16xf32>,
      %get3A_375 = vector.shape_cast %get3A_374 : vector<1x16xf32> to vector<16xf32>
      %add3A_376 = arith.constant 1 : i32
      %add3A_377 = arith.addi %mul3A_216, %add3A_376 : i32
      %get3A_378 = arith.index_cast %add3A_377 : i32 to index
      %get3A_379 = arith.constant 96 : index
      %get3A_380 = tpu.vector_load %arg5[%get3A_378, %get3A_379] {strides = array<i32>} : memref<256x128xf32, #tpu.memory_space<vmem>>, vector<1x16xf32>,
      %get3A_381 = vector.shape_cast %get3A_380 : vector<1x16xf32> to vector<16xf32>
      %add3A_382 = arith.addf %get3A_375, %get3A_381 : vector<16xf32>
      %add3A_383 = arith.constant 2 : i32
      %add3A_384 = arith.addi %mul3A_216, %add3A_383 : i32
      %get3A_385 = arith.index_cast %add3A_384 : i32 to index
      %get3A_386 = arith.constant 96 : index
      %get3A_387 = tpu.vector_load %arg5[%get3A_385, %get3A_386] {strides = array<i32>} : memref<256x128xf32, #tpu.memory_space<vmem>>, vector<1x16xf32>,
      %get3A_388 = vector.shape_cast %get3A_387 : vector<1x16xf32> to vector<16xf32>
      %add3A_389 = arith.constant 3 : i32
      %add3A_390 = arith.addi %mul3A_216, %add3A_389 : i32
      %get3A_391 = arith.index_cast %add3A_390 : i32 to index
      %get3A_392 = arith.constant 96 : index
      %get3A_393 = tpu.vector_load %arg5[%get3A_391, %get3A_392] {strides = array<i32>} : memref<256x128xf32, #tpu.memory_space<vmem>>, vector<1x16xf32>,
      %get3A_394 = vector.shape_cast %get3A_393 : vector<1x16xf32> to vector<16xf32>
      %add3A_395 = arith.addf %get3A_388, %get3A_394 : vector<16xf32>
      %add3A_396 = arith.addf %add3A_382, %add3A_395 : vector<16xf32>
      %add3A_397 = arith.addf %scan3A_213, %add3A_396 : vector<16xf32>
      %get3A_398 = arith.index_cast %mul3A_216 : i32 to index
      %get3A_399 = arith.constant 112 : index
      %get3A_400 = tpu.vector_load %arg5[%get3A_398, %get3A_399] {strides = array<i32>} : memref<256x128xf32, #tpu.memory_space<vmem>>, vector<1x16xf32>,
      %get3A_401 = vector.shape_cast %get3A_400 : vector<1x16xf32> to vector<16xf32>
      %add3A_402 = arith.constant 1 : i32
      %add3A_403 = arith.addi %mul3A_216, %add3A_402 : i32
      %get3A_404 = arith.index_cast %add3A_403 : i32 to index
      %get3A_405 = arith.constant 112 : index
      %get3A_406 = tpu.vector_load %arg5[%get3A_404, %get3A_405] {strides = array<i32>} : memref<256x128xf32, #tpu.memory_space<vmem>>, vector<1x16xf32>,
      %get3A_407 = vector.shape_cast %get3A_406 : vector<1x16xf32> to vector<16xf32>
      %add3A_408 = arith.addf %get3A_401, %get3A_407 : vector<16xf32>
      %add3A_409 = arith.constant 2 : i32
      %add3A_410 = arith.addi %mul3A_216, %add3A_409 : i32
      %get3A_411 = arith.index_cast %add3A_410 : i32 to index
      %get3A_412 = arith.constant 112 : index
      %get3A_413 = tpu.vector_load %arg5[%get3A_411, %get3A_412] {strides = array<i32>} : memref<256x128xf32, #tpu.memory_space<vmem>>, vector<1x16xf32>,
      %get3A_414 = vector.shape_cast %get3A_413 : vector<1x16xf32> to vector<16xf32>
      %add3A_415 = arith.constant 3 : i32
      %add3A_416 = arith.addi %mul3A_216, %add3A_415 : i32
      %get3A_417 = arith.index_cast %add3A_416 : i32 to index
      %get3A_418 = arith.constant 112 : index
      %get3A_419 = tpu.vector_load %arg5[%get3A_417, %get3A_418] {strides = array<i32>} : memref<256x128xf32, #tpu.memory_space<vmem>>, vector<1x16xf32>,
      %get3A_420 = vector.shape_cast %get3A_419 : vector<1x16xf32> to vector<16xf32>
      %add3A_421 = arith.addf %get3A_414, %get3A_420 : vector<16xf32>
      %add3A_422 = arith.addf %add3A_408, %add3A_421 : vector<16xf32>
      %add3A_423 = arith.addf %scan3A_214, %add3A_422 : vector<16xf32>
      scf.yield %add3A_241, %add3A_267, %add3A_293, %add3A_319, %add3A_345, %add3A_371, %add3A_397, %add3A_423 : vector<16xf32>, vector<16xf32>, vector<16xf32>, vector<16xf32>, vector<16xf32>, vector<16xf32>, vector<16xf32>, vector<16xf32>
    }
    %scan3A_116 = arith.constant 64 : i32
    %add3A_117 = arith.constant 1792 : i32
    %add3A_118 = arith.addi %add3A_4, %add3A_117 : i32
    %dma_start3A_119 = arith.constant 0 : i32
    %dma_start3A_120 = tpu.memref_slice %arg2[%add3A_118, %dma_start3A_119] : memref<320000x128xf32, #tpu.memory_space<hbm>> -> memref<256x128xf32, #tpu.memory_space<hbm>>
    %dma_start3A_121 = arith.constant 0 : i32
    %dma_start3A_122 = tpu.memref_slice %arg2[%add3A_118, %dma_start3A_121] : memref<320000x128xf32, #tpu.memory_space<hbm>> -> memref<256x128xf32, #tpu.memory_space<hbm>>
    tpu.enqueue_dma source(%dma_start3A_122 : memref<256x128xf32, #tpu.memory_space<hbm>>) target(%arg5 : memref<256x128xf32, #tpu.memory_space<vmem>>) target_semaphore(%arg8 : memref<!tpu.dma_semaphore, #tpu.memory_space<semaphore_mem>>)
    %dma_wait3A_123 = arith.constant 0 : i32
    %dma_wait3A_124 = tpu.memref_slice %arg2[%add3A_102, %dma_wait3A_123] : memref<320000x128xf32, #tpu.memory_space<hbm>> -> memref<256x128xf32, #tpu.memory_space<hbm>>
    %dma_wait3A_125 = arith.constant 0 : i32
    %dma_wait3A_126 = tpu.memref_slice %arg2[%add3A_102, %dma_wait3A_125] : memref<320000x128xf32, #tpu.memory_space<hbm>> -> memref<256x128xf32, #tpu.memory_space<hbm>>
    tpu.wait_dma2 semaphore(%arg7 : memref<!tpu.dma_semaphore, #tpu.memory_space<semaphore_mem>>) src(%dma_wait3A_126 : memref<256x128xf32, #tpu.memory_space<hbm>>) dst(%arg4 : memref<256x128xf32, #tpu.memory_space<vmem>>)
    %scan3A_127 = arith.constant 0 : i32
    %scan3A_128 = arith.constant 64 : i32
    %scan3A_129 = arith.addi %scan3A_127, %scan3A_128 : i32
    %scan3A_130 = arith.constant 1 : i32
    %scan3A_131:8 = scf.for %scan3A_206 = %scan3A_127 to %scan3A_129 step %scan3A_130 iter_args(%scan3A_207 = %scan3A_115#0, %scan3A_208 = %scan3A_115#1, %scan3A_209 = %scan3A_115#2, %scan3A_210 = %scan3A_115#3, %scan3A_211 = %scan3A_115#4, %scan3A_212 = %scan3A_115#5, %scan3A_213 = %scan3A_115#6, %scan3A_214 = %scan3A_115#7) -> (vector<16xf32>, vector<16xf32>, vector<16xf32>, vector<16xf32>, vector<16xf32>, vector<16xf32>, vector<16xf32>, vector<16xf32>)  : i32 {
      %mul3A_215 = arith.constant 4 : i32
      %mul3A_216 = arith.muli %scan3A_206, %mul3A_215 : i32
      %get3A = arith.index_cast %mul3A_216 : i32 to index
      %get3A_217 = arith.constant 0 : index
      %get3A_218 = tpu.vector_load %arg4[%get3A, %get3A_217] {strides = array<i32>} : memref<256x128xf32, #tpu.memory_space<vmem>>, vector<1x16xf32>,
      %get3A_219 = vector.shape_cast %get3A_218 : vector<1x16xf32> to vector<16xf32>
      %add3A_220 = arith.constant 1 : i32
      %add3A_221 = arith.addi %mul3A_216, %add3A_220 : i32
      %get3A_222 = arith.index_cast %add3A_221 : i32 to index
      %get3A_223 = arith.constant 0 : index
      %get3A_224 = tpu.vector_load %arg4[%get3A_222, %get3A_223] {strides = array<i32>} : memref<256x128xf32, #tpu.memory_space<vmem>>, vector<1x16xf32>,
      %get3A_225 = vector.shape_cast %get3A_224 : vector<1x16xf32> to vector<16xf32>
      %add3A_226 = arith.addf %get3A_219, %get3A_225 : vector<16xf32>
      %add3A_227 = arith.constant 2 : i32
      %add3A_228 = arith.addi %mul3A_216, %add3A_227 : i32
      %get3A_229 = arith.index_cast %add3A_228 : i32 to index
      %get3A_230 = arith.constant 0 : index
      %get3A_231 = tpu.vector_load %arg4[%get3A_229, %get3A_230] {strides = array<i32>} : memref<256x128xf32, #tpu.memory_space<vmem>>, vector<1x16xf32>,
      %get3A_232 = vector.shape_cast %get3A_231 : vector<1x16xf32> to vector<16xf32>
      %add3A_233 = arith.constant 3 : i32
      %add3A_234 = arith.addi %mul3A_216, %add3A_233 : i32
      %get3A_235 = arith.index_cast %add3A_234 : i32 to index
      %get3A_236 = arith.constant 0 : index
      %get3A_237 = tpu.vector_load %arg4[%get3A_235, %get3A_236] {strides = array<i32>} : memref<256x128xf32, #tpu.memory_space<vmem>>, vector<1x16xf32>,
      %get3A_238 = vector.shape_cast %get3A_237 : vector<1x16xf32> to vector<16xf32>
      %add3A_239 = arith.addf %get3A_232, %get3A_238 : vector<16xf32>
      %add3A_240 = arith.addf %add3A_226, %add3A_239 : vector<16xf32>
      %add3A_241 = arith.addf %scan3A_207, %add3A_240 : vector<16xf32>
      %get3A_242 = arith.index_cast %mul3A_216 : i32 to index
      %get3A_243 = arith.constant 16 : index
      %get3A_244 = tpu.vector_load %arg4[%get3A_242, %get3A_243] {strides = array<i32>} : memref<256x128xf32, #tpu.memory_space<vmem>>, vector<1x16xf32>,
      %get3A_245 = vector.shape_cast %get3A_244 : vector<1x16xf32> to vector<16xf32>
      %add3A_246 = arith.constant 1 : i32
      %add3A_247 = arith.addi %mul3A_216, %add3A_246 : i32
      %get3A_248 = arith.index_cast %add3A_247 : i32 to index
      %get3A_249 = arith.constant 16 : index
      %get3A_250 = tpu.vector_load %arg4[%get3A_248, %get3A_249] {strides = array<i32>} : memref<256x128xf32, #tpu.memory_space<vmem>>, vector<1x16xf32>,
      %get3A_251 = vector.shape_cast %get3A_250 : vector<1x16xf32> to vector<16xf32>
      %add3A_252 = arith.addf %get3A_245, %get3A_251 : vector<16xf32>
      %add3A_253 = arith.constant 2 : i32
      %add3A_254 = arith.addi %mul3A_216, %add3A_253 : i32
      %get3A_255 = arith.index_cast %add3A_254 : i32 to index
      %get3A_256 = arith.constant 16 : index
      %get3A_257 = tpu.vector_load %arg4[%get3A_255, %get3A_256] {strides = array<i32>} : memref<256x128xf32, #tpu.memory_space<vmem>>, vector<1x16xf32>,
      %get3A_258 = vector.shape_cast %get3A_257 : vector<1x16xf32> to vector<16xf32>
      %add3A_259 = arith.constant 3 : i32
      %add3A_260 = arith.addi %mul3A_216, %add3A_259 : i32
      %get3A_261 = arith.index_cast %add3A_260 : i32 to index
      %get3A_262 = arith.constant 16 : index
      %get3A_263 = tpu.vector_load %arg4[%get3A_261, %get3A_262] {strides = array<i32>} : memref<256x128xf32, #tpu.memory_space<vmem>>, vector<1x16xf32>,
      %get3A_264 = vector.shape_cast %get3A_263 : vector<1x16xf32> to vector<16xf32>
      %add3A_265 = arith.addf %get3A_258, %get3A_264 : vector<16xf32>
      %add3A_266 = arith.addf %add3A_252, %add3A_265 : vector<16xf32>
      %add3A_267 = arith.addf %scan3A_208, %add3A_266 : vector<16xf32>
      %get3A_268 = arith.index_cast %mul3A_216 : i32 to index
      %get3A_269 = arith.constant 32 : index
      %get3A_270 = tpu.vector_load %arg4[%get3A_268, %get3A_269] {strides = array<i32>} : memref<256x128xf32, #tpu.memory_space<vmem>>, vector<1x16xf32>,
      %get3A_271 = vector.shape_cast %get3A_270 : vector<1x16xf32> to vector<16xf32>
      %add3A_272 = arith.constant 1 : i32
      %add3A_273 = arith.addi %mul3A_216, %add3A_272 : i32
      %get3A_274 = arith.index_cast %add3A_273 : i32 to index
      %get3A_275 = arith.constant 32 : index
      %get3A_276 = tpu.vector_load %arg4[%get3A_274, %get3A_275] {strides = array<i32>} : memref<256x128xf32, #tpu.memory_space<vmem>>, vector<1x16xf32>,
      %get3A_277 = vector.shape_cast %get3A_276 : vector<1x16xf32> to vector<16xf32>
      %add3A_278 = arith.addf %get3A_271, %get3A_277 : vector<16xf32>
      %add3A_279 = arith.constant 2 : i32
      %add3A_280 = arith.addi %mul3A_216, %add3A_279 : i32
      %get3A_281 = arith.index_cast %add3A_280 : i32 to index
      %get3A_282 = arith.constant 32 : index
      %get3A_283 = tpu.vector_load %arg4[%get3A_281, %get3A_282] {strides = array<i32>} : memref<256x128xf32, #tpu.memory_space<vmem>>, vector<1x16xf32>,
      %get3A_284 = vector.shape_cast %get3A_283 : vector<1x16xf32> to vector<16xf32>
      %add3A_285 = arith.constant 3 : i32
      %add3A_286 = arith.addi %mul3A_216, %add3A_285 : i32
      %get3A_287 = arith.index_cast %add3A_286 : i32 to index
      %get3A_288 = arith.constant 32 : index
      %get3A_289 = tpu.vector_load %arg4[%get3A_287, %get3A_288] {strides = array<i32>} : memref<256x128xf32, #tpu.memory_space<vmem>>, vector<1x16xf32>,
      %get3A_290 = vector.shape_cast %get3A_289 : vector<1x16xf32> to vector<16xf32>
      %add3A_291 = arith.addf %get3A_284, %get3A_290 : vector<16xf32>
      %add3A_292 = arith.addf %add3A_278, %add3A_291 : vector<16xf32>
      %add3A_293 = arith.addf %scan3A_209, %add3A_292 : vector<16xf32>
      %get3A_294 = arith.index_cast %mul3A_216 : i32 to index
      %get3A_295 = arith.constant 48 : index
      %get3A_296 = tpu.vector_load %arg4[%get3A_294, %get3A_295] {strides = array<i32>} : memref<256x128xf32, #tpu.memory_space<vmem>>, vector<1x16xf32>,
      %get3A_297 = vector.shape_cast %get3A_296 : vector<1x16xf32> to vector<16xf32>
      %add3A_298 = arith.constant 1 : i32
      %add3A_299 = arith.addi %mul3A_216, %add3A_298 : i32
      %get3A_300 = arith.index_cast %add3A_299 : i32 to index
      %get3A_301 = arith.constant 48 : index
      %get3A_302 = tpu.vector_load %arg4[%get3A_300, %get3A_301] {strides = array<i32>} : memref<256x128xf32, #tpu.memory_space<vmem>>, vector<1x16xf32>,
      %get3A_303 = vector.shape_cast %get3A_302 : vector<1x16xf32> to vector<16xf32>
      %add3A_304 = arith.addf %get3A_297, %get3A_303 : vector<16xf32>
      %add3A_305 = arith.constant 2 : i32
      %add3A_306 = arith.addi %mul3A_216, %add3A_305 : i32
      %get3A_307 = arith.index_cast %add3A_306 : i32 to index
      %get3A_308 = arith.constant 48 : index
      %get3A_309 = tpu.vector_load %arg4[%get3A_307, %get3A_308] {strides = array<i32>} : memref<256x128xf32, #tpu.memory_space<vmem>>, vector<1x16xf32>,
      %get3A_310 = vector.shape_cast %get3A_309 : vector<1x16xf32> to vector<16xf32>
      %add3A_311 = arith.constant 3 : i32
      %add3A_312 = arith.addi %mul3A_216, %add3A_311 : i32
      %get3A_313 = arith.index_cast %add3A_312 : i32 to index
      %get3A_314 = arith.constant 48 : index
      %get3A_315 = tpu.vector_load %arg4[%get3A_313, %get3A_314] {strides = array<i32>} : memref<256x128xf32, #tpu.memory_space<vmem>>, vector<1x16xf32>,
      %get3A_316 = vector.shape_cast %get3A_315 : vector<1x16xf32> to vector<16xf32>
      %add3A_317 = arith.addf %get3A_310, %get3A_316 : vector<16xf32>
      %add3A_318 = arith.addf %add3A_304, %add3A_317 : vector<16xf32>
      %add3A_319 = arith.addf %scan3A_210, %add3A_318 : vector<16xf32>
      %get3A_320 = arith.index_cast %mul3A_216 : i32 to index
      %get3A_321 = arith.constant 64 : index
      %get3A_322 = tpu.vector_load %arg4[%get3A_320, %get3A_321] {strides = array<i32>} : memref<256x128xf32, #tpu.memory_space<vmem>>, vector<1x16xf32>,
      %get3A_323 = vector.shape_cast %get3A_322 : vector<1x16xf32> to vector<16xf32>
      %add3A_324 = arith.constant 1 : i32
      %add3A_325 = arith.addi %mul3A_216, %add3A_324 : i32
      %get3A_326 = arith.index_cast %add3A_325 : i32 to index
      %get3A_327 = arith.constant 64 : index
      %get3A_328 = tpu.vector_load %arg4[%get3A_326, %get3A_327] {strides = array<i32>} : memref<256x128xf32, #tpu.memory_space<vmem>>, vector<1x16xf32>,
      %get3A_329 = vector.shape_cast %get3A_328 : vector<1x16xf32> to vector<16xf32>
      %add3A_330 = arith.addf %get3A_323, %get3A_329 : vector<16xf32>
      %add3A_331 = arith.constant 2 : i32
      %add3A_332 = arith.addi %mul3A_216, %add3A_331 : i32
      %get3A_333 = arith.index_cast %add3A_332 : i32 to index
      %get3A_334 = arith.constant 64 : index
      %get3A_335 = tpu.vector_load %arg4[%get3A_333, %get3A_334] {strides = array<i32>} : memref<256x128xf32, #tpu.memory_space<vmem>>, vector<1x16xf32>,
      %get3A_336 = vector.shape_cast %get3A_335 : vector<1x16xf32> to vector<16xf32>
      %add3A_337 = arith.constant 3 : i32
      %add3A_338 = arith.addi %mul3A_216, %add3A_337 : i32
      %get3A_339 = arith.index_cast %add3A_338 : i32 to index
      %get3A_340 = arith.constant 64 : index
      %get3A_341 = tpu.vector_load %arg4[%get3A_339, %get3A_340] {strides = array<i32>} : memref<256x128xf32, #tpu.memory_space<vmem>>, vector<1x16xf32>,
      %get3A_342 = vector.shape_cast %get3A_341 : vector<1x16xf32> to vector<16xf32>
      %add3A_343 = arith.addf %get3A_336, %get3A_342 : vector<16xf32>
      %add3A_344 = arith.addf %add3A_330, %add3A_343 : vector<16xf32>
      %add3A_345 = arith.addf %scan3A_211, %add3A_344 : vector<16xf32>
      %get3A_346 = arith.index_cast %mul3A_216 : i32 to index
      %get3A_347 = arith.constant 80 : index
      %get3A_348 = tpu.vector_load %arg4[%get3A_346, %get3A_347] {strides = array<i32>} : memref<256x128xf32, #tpu.memory_space<vmem>>, vector<1x16xf32>,
      %get3A_349 = vector.shape_cast %get3A_348 : vector<1x16xf32> to vector<16xf32>
      %add3A_350 = arith.constant 1 : i32
      %add3A_351 = arith.addi %mul3A_216, %add3A_350 : i32
      %get3A_352 = arith.index_cast %add3A_351 : i32 to index
      %get3A_353 = arith.constant 80 : index
      %get3A_354 = tpu.vector_load %arg4[%get3A_352, %get3A_353] {strides = array<i32>} : memref<256x128xf32, #tpu.memory_space<vmem>>, vector<1x16xf32>,
      %get3A_355 = vector.shape_cast %get3A_354 : vector<1x16xf32> to vector<16xf32>
      %add3A_356 = arith.addf %get3A_349, %get3A_355 : vector<16xf32>
      %add3A_357 = arith.constant 2 : i32
      %add3A_358 = arith.addi %mul3A_216, %add3A_357 : i32
      %get3A_359 = arith.index_cast %add3A_358 : i32 to index
      %get3A_360 = arith.constant 80 : index
      %get3A_361 = tpu.vector_load %arg4[%get3A_359, %get3A_360] {strides = array<i32>} : memref<256x128xf32, #tpu.memory_space<vmem>>, vector<1x16xf32>,
      %get3A_362 = vector.shape_cast %get3A_361 : vector<1x16xf32> to vector<16xf32>
      %add3A_363 = arith.constant 3 : i32
      %add3A_364 = arith.addi %mul3A_216, %add3A_363 : i32
      %get3A_365 = arith.index_cast %add3A_364 : i32 to index
      %get3A_366 = arith.constant 80 : index
      %get3A_367 = tpu.vector_load %arg4[%get3A_365, %get3A_366] {strides = array<i32>} : memref<256x128xf32, #tpu.memory_space<vmem>>, vector<1x16xf32>,
      %get3A_368 = vector.shape_cast %get3A_367 : vector<1x16xf32> to vector<16xf32>
      %add3A_369 = arith.addf %get3A_362, %get3A_368 : vector<16xf32>
      %add3A_370 = arith.addf %add3A_356, %add3A_369 : vector<16xf32>
      %add3A_371 = arith.addf %scan3A_212, %add3A_370 : vector<16xf32>
      %get3A_372 = arith.index_cast %mul3A_216 : i32 to index
      %get3A_373 = arith.constant 96 : index
      %get3A_374 = tpu.vector_load %arg4[%get3A_372, %get3A_373] {strides = array<i32>} : memref<256x128xf32, #tpu.memory_space<vmem>>, vector<1x16xf32>,
      %get3A_375 = vector.shape_cast %get3A_374 : vector<1x16xf32> to vector<16xf32>
      %add3A_376 = arith.constant 1 : i32
      %add3A_377 = arith.addi %mul3A_216, %add3A_376 : i32
      %get3A_378 = arith.index_cast %add3A_377 : i32 to index
      %get3A_379 = arith.constant 96 : index
      %get3A_380 = tpu.vector_load %arg4[%get3A_378, %get3A_379] {strides = array<i32>} : memref<256x128xf32, #tpu.memory_space<vmem>>, vector<1x16xf32>,
      %get3A_381 = vector.shape_cast %get3A_380 : vector<1x16xf32> to vector<16xf32>
      %add3A_382 = arith.addf %get3A_375, %get3A_381 : vector<16xf32>
      %add3A_383 = arith.constant 2 : i32
      %add3A_384 = arith.addi %mul3A_216, %add3A_383 : i32
      %get3A_385 = arith.index_cast %add3A_384 : i32 to index
      %get3A_386 = arith.constant 96 : index
      %get3A_387 = tpu.vector_load %arg4[%get3A_385, %get3A_386] {strides = array<i32>} : memref<256x128xf32, #tpu.memory_space<vmem>>, vector<1x16xf32>,
      %get3A_388 = vector.shape_cast %get3A_387 : vector<1x16xf32> to vector<16xf32>
      %add3A_389 = arith.constant 3 : i32
      %add3A_390 = arith.addi %mul3A_216, %add3A_389 : i32
      %get3A_391 = arith.index_cast %add3A_390 : i32 to index
      %get3A_392 = arith.constant 96 : index
      %get3A_393 = tpu.vector_load %arg4[%get3A_391, %get3A_392] {strides = array<i32>} : memref<256x128xf32, #tpu.memory_space<vmem>>, vector<1x16xf32>,
      %get3A_394 = vector.shape_cast %get3A_393 : vector<1x16xf32> to vector<16xf32>
      %add3A_395 = arith.addf %get3A_388, %get3A_394 : vector<16xf32>
      %add3A_396 = arith.addf %add3A_382, %add3A_395 : vector<16xf32>
      %add3A_397 = arith.addf %scan3A_213, %add3A_396 : vector<16xf32>
      %get3A_398 = arith.index_cast %mul3A_216 : i32 to index
      %get3A_399 = arith.constant 112 : index
      %get3A_400 = tpu.vector_load %arg4[%get3A_398, %get3A_399] {strides = array<i32>} : memref<256x128xf32, #tpu.memory_space<vmem>>, vector<1x16xf32>,
      %get3A_401 = vector.shape_cast %get3A_400 : vector<1x16xf32> to vector<16xf32>
      %add3A_402 = arith.constant 1 : i32
      %add3A_403 = arith.addi %mul3A_216, %add3A_402 : i32
      %get3A_404 = arith.index_cast %add3A_403 : i32 to index
      %get3A_405 = arith.constant 112 : index
      %get3A_406 = tpu.vector_load %arg4[%get3A_404, %get3A_405] {strides = array<i32>} : memref<256x128xf32, #tpu.memory_space<vmem>>, vector<1x16xf32>,
      %get3A_407 = vector.shape_cast %get3A_406 : vector<1x16xf32> to vector<16xf32>
      %add3A_408 = arith.addf %get3A_401, %get3A_407 : vector<16xf32>
      %add3A_409 = arith.constant 2 : i32
      %add3A_410 = arith.addi %mul3A_216, %add3A_409 : i32
      %get3A_411 = arith.index_cast %add3A_410 : i32 to index
      %get3A_412 = arith.constant 112 : index
      %get3A_413 = tpu.vector_load %arg4[%get3A_411, %get3A_412] {strides = array<i32>} : memref<256x128xf32, #tpu.memory_space<vmem>>, vector<1x16xf32>,
      %get3A_414 = vector.shape_cast %get3A_413 : vector<1x16xf32> to vector<16xf32>
      %add3A_415 = arith.constant 3 : i32
      %add3A_416 = arith.addi %mul3A_216, %add3A_415 : i32
      %get3A_417 = arith.index_cast %add3A_416 : i32 to index
      %get3A_418 = arith.constant 112 : index
      %get3A_419 = tpu.vector_load %arg4[%get3A_417, %get3A_418] {strides = array<i32>} : memref<256x128xf32, #tpu.memory_space<vmem>>, vector<1x16xf32>,
      %get3A_420 = vector.shape_cast %get3A_419 : vector<1x16xf32> to vector<16xf32>
      %add3A_421 = arith.addf %get3A_414, %get3A_420 : vector<16xf32>
      %add3A_422 = arith.addf %add3A_408, %add3A_421 : vector<16xf32>
      %add3A_423 = arith.addf %scan3A_214, %add3A_422 : vector<16xf32>
      scf.yield %add3A_241, %add3A_267, %add3A_293, %add3A_319, %add3A_345, %add3A_371, %add3A_397, %add3A_423 : vector<16xf32>, vector<16xf32>, vector<16xf32>, vector<16xf32>, vector<16xf32>, vector<16xf32>, vector<16xf32>, vector<16xf32>
    }
    %scan3A_132 = arith.constant 64 : i32
    %add3A_133 = arith.constant 2048 : i32
    %add3A_134 = arith.addi %add3A_4, %add3A_133 : i32
    %dma_start3A_135 = arith.constant 0 : i32
    %dma_start3A_136 = tpu.memref_slice %arg2[%add3A_134, %dma_start3A_135] : memref<320000x128xf32, #tpu.memory_space<hbm>> -> memref<256x128xf32, #tpu.memory_space<hbm>>
    %dma_start3A_137 = arith.constant 0 : i32
    %dma_start3A_138 = tpu.memref_slice %arg2[%add3A_134, %dma_start3A_137] : memref<320000x128xf32, #tpu.memory_space<hbm>> -> memref<256x128xf32, #tpu.memory_space<hbm>>
    tpu.enqueue_dma source(%dma_start3A_138 : memref<256x128xf32, #tpu.memory_space<hbm>>) target(%arg4 : memref<256x128xf32, #tpu.memory_space<vmem>>) target_semaphore(%arg7 : memref<!tpu.dma_semaphore, #tpu.memory_space<semaphore_mem>>)
    %dma_wait3A_139 = arith.constant 0 : i32
    %dma_wait3A_140 = tpu.memref_slice %arg2[%add3A_118, %dma_wait3A_139] : memref<320000x128xf32, #tpu.memory_space<hbm>> -> memref<256x128xf32, #tpu.memory_space<hbm>>
    %dma_wait3A_141 = arith.constant 0 : i32
    %dma_wait3A_142 = tpu.memref_slice %arg2[%add3A_118, %dma_wait3A_141] : memref<320000x128xf32, #tpu.memory_space<hbm>> -> memref<256x128xf32, #tpu.memory_space<hbm>>
    tpu.wait_dma2 semaphore(%arg8 : memref<!tpu.dma_semaphore, #tpu.memory_space<semaphore_mem>>) src(%dma_wait3A_142 : memref<256x128xf32, #tpu.memory_space<hbm>>) dst(%arg5 : memref<256x128xf32, #tpu.memory_space<vmem>>)
    %scan3A_143 = arith.constant 0 : i32
    %scan3A_144 = arith.constant 64 : i32
    %scan3A_145 = arith.addi %scan3A_143, %scan3A_144 : i32
    %scan3A_146 = arith.constant 1 : i32
    %scan3A_147:8 = scf.for %scan3A_206 = %scan3A_143 to %scan3A_145 step %scan3A_146 iter_args(%scan3A_207 = %scan3A_131#0, %scan3A_208 = %scan3A_131#1, %scan3A_209 = %scan3A_131#2, %scan3A_210 = %scan3A_131#3, %scan3A_211 = %scan3A_131#4, %scan3A_212 = %scan3A_131#5, %scan3A_213 = %scan3A_131#6, %scan3A_214 = %scan3A_131#7) -> (vector<16xf32>, vector<16xf32>, vector<16xf32>, vector<16xf32>, vector<16xf32>, vector<16xf32>, vector<16xf32>, vector<16xf32>)  : i32 {
      %mul3A_215 = arith.constant 4 : i32
      %mul3A_216 = arith.muli %scan3A_206, %mul3A_215 : i32
      %get3A = arith.index_cast %mul3A_216 : i32 to index
      %get3A_217 = arith.constant 0 : index
      %get3A_218 = tpu.vector_load %arg5[%get3A, %get3A_217] {strides = array<i32>} : memref<256x128xf32, #tpu.memory_space<vmem>>, vector<1x16xf32>,
      %get3A_219 = vector.shape_cast %get3A_218 : vector<1x16xf32> to vector<16xf32>
      %add3A_220 = arith.constant 1 : i32
      %add3A_221 = arith.addi %mul3A_216, %add3A_220 : i32
      %get3A_222 = arith.index_cast %add3A_221 : i32 to index
      %get3A_223 = arith.constant 0 : index
      %get3A_224 = tpu.vector_load %arg5[%get3A_222, %get3A_223] {strides = array<i32>} : memref<256x128xf32, #tpu.memory_space<vmem>>, vector<1x16xf32>,
      %get3A_225 = vector.shape_cast %get3A_224 : vector<1x16xf32> to vector<16xf32>
      %add3A_226 = arith.addf %get3A_219, %get3A_225 : vector<16xf32>
      %add3A_227 = arith.constant 2 : i32
      %add3A_228 = arith.addi %mul3A_216, %add3A_227 : i32
      %get3A_229 = arith.index_cast %add3A_228 : i32 to index
      %get3A_230 = arith.constant 0 : index
      %get3A_231 = tpu.vector_load %arg5[%get3A_229, %get3A_230] {strides = array<i32>} : memref<256x128xf32, #tpu.memory_space<vmem>>, vector<1x16xf32>,
      %get3A_232 = vector.shape_cast %get3A_231 : vector<1x16xf32> to vector<16xf32>
      %add3A_233 = arith.constant 3 : i32
      %add3A_234 = arith.addi %mul3A_216, %add3A_233 : i32
      %get3A_235 = arith.index_cast %add3A_234 : i32 to index
      %get3A_236 = arith.constant 0 : index
      %get3A_237 = tpu.vector_load %arg5[%get3A_235, %get3A_236] {strides = array<i32>} : memref<256x128xf32, #tpu.memory_space<vmem>>, vector<1x16xf32>,
      %get3A_238 = vector.shape_cast %get3A_237 : vector<1x16xf32> to vector<16xf32>
      %add3A_239 = arith.addf %get3A_232, %get3A_238 : vector<16xf32>
      %add3A_240 = arith.addf %add3A_226, %add3A_239 : vector<16xf32>
      %add3A_241 = arith.addf %scan3A_207, %add3A_240 : vector<16xf32>
      %get3A_242 = arith.index_cast %mul3A_216 : i32 to index
      %get3A_243 = arith.constant 16 : index
      %get3A_244 = tpu.vector_load %arg5[%get3A_242, %get3A_243] {strides = array<i32>} : memref<256x128xf32, #tpu.memory_space<vmem>>, vector<1x16xf32>,
      %get3A_245 = vector.shape_cast %get3A_244 : vector<1x16xf32> to vector<16xf32>
      %add3A_246 = arith.constant 1 : i32
      %add3A_247 = arith.addi %mul3A_216, %add3A_246 : i32
      %get3A_248 = arith.index_cast %add3A_247 : i32 to index
      %get3A_249 = arith.constant 16 : index
      %get3A_250 = tpu.vector_load %arg5[%get3A_248, %get3A_249] {strides = array<i32>} : memref<256x128xf32, #tpu.memory_space<vmem>>, vector<1x16xf32>,
      %get3A_251 = vector.shape_cast %get3A_250 : vector<1x16xf32> to vector<16xf32>
      %add3A_252 = arith.addf %get3A_245, %get3A_251 : vector<16xf32>
      %add3A_253 = arith.constant 2 : i32
      %add3A_254 = arith.addi %mul3A_216, %add3A_253 : i32
      %get3A_255 = arith.index_cast %add3A_254 : i32 to index
      %get3A_256 = arith.constant 16 : index
      %get3A_257 = tpu.vector_load %arg5[%get3A_255, %get3A_256] {strides = array<i32>} : memref<256x128xf32, #tpu.memory_space<vmem>>, vector<1x16xf32>,
      %get3A_258 = vector.shape_cast %get3A_257 : vector<1x16xf32> to vector<16xf32>
      %add3A_259 = arith.constant 3 : i32
      %add3A_260 = arith.addi %mul3A_216, %add3A_259 : i32
      %get3A_261 = arith.index_cast %add3A_260 : i32 to index
      %get3A_262 = arith.constant 16 : index
      %get3A_263 = tpu.vector_load %arg5[%get3A_261, %get3A_262] {strides = array<i32>} : memref<256x128xf32, #tpu.memory_space<vmem>>, vector<1x16xf32>,
      %get3A_264 = vector.shape_cast %get3A_263 : vector<1x16xf32> to vector<16xf32>
      %add3A_265 = arith.addf %get3A_258, %get3A_264 : vector<16xf32>
      %add3A_266 = arith.addf %add3A_252, %add3A_265 : vector<16xf32>
      %add3A_267 = arith.addf %scan3A_208, %add3A_266 : vector<16xf32>
      %get3A_268 = arith.index_cast %mul3A_216 : i32 to index
      %get3A_269 = arith.constant 32 : index
      %get3A_270 = tpu.vector_load %arg5[%get3A_268, %get3A_269] {strides = array<i32>} : memref<256x128xf32, #tpu.memory_space<vmem>>, vector<1x16xf32>,
      %get3A_271 = vector.shape_cast %get3A_270 : vector<1x16xf32> to vector<16xf32>
      %add3A_272 = arith.constant 1 : i32
      %add3A_273 = arith.addi %mul3A_216, %add3A_272 : i32
      %get3A_274 = arith.index_cast %add3A_273 : i32 to index
      %get3A_275 = arith.constant 32 : index
      %get3A_276 = tpu.vector_load %arg5[%get3A_274, %get3A_275] {strides = array<i32>} : memref<256x128xf32, #tpu.memory_space<vmem>>, vector<1x16xf32>,
      %get3A_277 = vector.shape_cast %get3A_276 : vector<1x16xf32> to vector<16xf32>
      %add3A_278 = arith.addf %get3A_271, %get3A_277 : vector<16xf32>
      %add3A_279 = arith.constant 2 : i32
      %add3A_280 = arith.addi %mul3A_216, %add3A_279 : i32
      %get3A_281 = arith.index_cast %add3A_280 : i32 to index
      %get3A_282 = arith.constant 32 : index
      %get3A_283 = tpu.vector_load %arg5[%get3A_281, %get3A_282] {strides = array<i32>} : memref<256x128xf32, #tpu.memory_space<vmem>>, vector<1x16xf32>,
      %get3A_284 = vector.shape_cast %get3A_283 : vector<1x16xf32> to vector<16xf32>
      %add3A_285 = arith.constant 3 : i32
      %add3A_286 = arith.addi %mul3A_216, %add3A_285 : i32
      %get3A_287 = arith.index_cast %add3A_286 : i32 to index
      %get3A_288 = arith.constant 32 : index
      %get3A_289 = tpu.vector_load %arg5[%get3A_287, %get3A_288] {strides = array<i32>} : memref<256x128xf32, #tpu.memory_space<vmem>>, vector<1x16xf32>,
      %get3A_290 = vector.shape_cast %get3A_289 : vector<1x16xf32> to vector<16xf32>
      %add3A_291 = arith.addf %get3A_284, %get3A_290 : vector<16xf32>
      %add3A_292 = arith.addf %add3A_278, %add3A_291 : vector<16xf32>
      %add3A_293 = arith.addf %scan3A_209, %add3A_292 : vector<16xf32>
      %get3A_294 = arith.index_cast %mul3A_216 : i32 to index
      %get3A_295 = arith.constant 48 : index
      %get3A_296 = tpu.vector_load %arg5[%get3A_294, %get3A_295] {strides = array<i32>} : memref<256x128xf32, #tpu.memory_space<vmem>>, vector<1x16xf32>,
      %get3A_297 = vector.shape_cast %get3A_296 : vector<1x16xf32> to vector<16xf32>
      %add3A_298 = arith.constant 1 : i32
      %add3A_299 = arith.addi %mul3A_216, %add3A_298 : i32
      %get3A_300 = arith.index_cast %add3A_299 : i32 to index
      %get3A_301 = arith.constant 48 : index
      %get3A_302 = tpu.vector_load %arg5[%get3A_300, %get3A_301] {strides = array<i32>} : memref<256x128xf32, #tpu.memory_space<vmem>>, vector<1x16xf32>,
      %get3A_303 = vector.shape_cast %get3A_302 : vector<1x16xf32> to vector<16xf32>
      %add3A_304 = arith.addf %get3A_297, %get3A_303 : vector<16xf32>
      %add3A_305 = arith.constant 2 : i32
      %add3A_306 = arith.addi %mul3A_216, %add3A_305 : i32
      %get3A_307 = arith.index_cast %add3A_306 : i32 to index
      %get3A_308 = arith.constant 48 : index
      %get3A_309 = tpu.vector_load %arg5[%get3A_307, %get3A_308] {strides = array<i32>} : memref<256x128xf32, #tpu.memory_space<vmem>>, vector<1x16xf32>,
      %get3A_310 = vector.shape_cast %get3A_309 : vector<1x16xf32> to vector<16xf32>
      %add3A_311 = arith.constant 3 : i32
      %add3A_312 = arith.addi %mul3A_216, %add3A_311 : i32
      %get3A_313 = arith.index_cast %add3A_312 : i32 to index
      %get3A_314 = arith.constant 48 : index
      %get3A_315 = tpu.vector_load %arg5[%get3A_313, %get3A_314] {strides = array<i32>} : memref<256x128xf32, #tpu.memory_space<vmem>>, vector<1x16xf32>,
      %get3A_316 = vector.shape_cast %get3A_315 : vector<1x16xf32> to vector<16xf32>
      %add3A_317 = arith.addf %get3A_310, %get3A_316 : vector<16xf32>
      %add3A_318 = arith.addf %add3A_304, %add3A_317 : vector<16xf32>
      %add3A_319 = arith.addf %scan3A_210, %add3A_318 : vector<16xf32>
      %get3A_320 = arith.index_cast %mul3A_216 : i32 to index
      %get3A_321 = arith.constant 64 : index
      %get3A_322 = tpu.vector_load %arg5[%get3A_320, %get3A_321] {strides = array<i32>} : memref<256x128xf32, #tpu.memory_space<vmem>>, vector<1x16xf32>,
      %get3A_323 = vector.shape_cast %get3A_322 : vector<1x16xf32> to vector<16xf32>
      %add3A_324 = arith.constant 1 : i32
      %add3A_325 = arith.addi %mul3A_216, %add3A_324 : i32
      %get3A_326 = arith.index_cast %add3A_325 : i32 to index
      %get3A_327 = arith.constant 64 : index
      %get3A_328 = tpu.vector_load %arg5[%get3A_326, %get3A_327] {strides = array<i32>} : memref<256x128xf32, #tpu.memory_space<vmem>>, vector<1x16xf32>,
      %get3A_329 = vector.shape_cast %get3A_328 : vector<1x16xf32> to vector<16xf32>
      %add3A_330 = arith.addf %get3A_323, %get3A_329 : vector<16xf32>
      %add3A_331 = arith.constant 2 : i32
      %add3A_332 = arith.addi %mul3A_216, %add3A_331 : i32
      %get3A_333 = arith.index_cast %add3A_332 : i32 to index
      %get3A_334 = arith.constant 64 : index
      %get3A_335 = tpu.vector_load %arg5[%get3A_333, %get3A_334] {strides = array<i32>} : memref<256x128xf32, #tpu.memory_space<vmem>>, vector<1x16xf32>,
      %get3A_336 = vector.shape_cast %get3A_335 : vector<1x16xf32> to vector<16xf32>
      %add3A_337 = arith.constant 3 : i32
      %add3A_338 = arith.addi %mul3A_216, %add3A_337 : i32
      %get3A_339 = arith.index_cast %add3A_338 : i32 to index
      %get3A_340 = arith.constant 64 : index
      %get3A_341 = tpu.vector_load %arg5[%get3A_339, %get3A_340] {strides = array<i32>} : memref<256x128xf32, #tpu.memory_space<vmem>>, vector<1x16xf32>,
      %get3A_342 = vector.shape_cast %get3A_341 : vector<1x16xf32> to vector<16xf32>
      %add3A_343 = arith.addf %get3A_336, %get3A_342 : vector<16xf32>
      %add3A_344 = arith.addf %add3A_330, %add3A_343 : vector<16xf32>
      %add3A_345 = arith.addf %scan3A_211, %add3A_344 : vector<16xf32>
      %get3A_346 = arith.index_cast %mul3A_216 : i32 to index
      %get3A_347 = arith.constant 80 : index
      %get3A_348 = tpu.vector_load %arg5[%get3A_346, %get3A_347] {strides = array<i32>} : memref<256x128xf32, #tpu.memory_space<vmem>>, vector<1x16xf32>,
      %get3A_349 = vector.shape_cast %get3A_348 : vector<1x16xf32> to vector<16xf32>
      %add3A_350 = arith.constant 1 : i32
      %add3A_351 = arith.addi %mul3A_216, %add3A_350 : i32
      %get3A_352 = arith.index_cast %add3A_351 : i32 to index
      %get3A_353 = arith.constant 80 : index
      %get3A_354 = tpu.vector_load %arg5[%get3A_352, %get3A_353] {strides = array<i32>} : memref<256x128xf32, #tpu.memory_space<vmem>>, vector<1x16xf32>,
      %get3A_355 = vector.shape_cast %get3A_354 : vector<1x16xf32> to vector<16xf32>
      %add3A_356 = arith.addf %get3A_349, %get3A_355 : vector<16xf32>
      %add3A_357 = arith.constant 2 : i32
      %add3A_358 = arith.addi %mul3A_216, %add3A_357 : i32
      %get3A_359 = arith.index_cast %add3A_358 : i32 to index
      %get3A_360 = arith.constant 80 : index
      %get3A_361 = tpu.vector_load %arg5[%get3A_359, %get3A_360] {strides = array<i32>} : memref<256x128xf32, #tpu.memory_space<vmem>>, vector<1x16xf32>,
      %get3A_362 = vector.shape_cast %get3A_361 : vector<1x16xf32> to vector<16xf32>
      %add3A_363 = arith.constant 3 : i32
      %add3A_364 = arith.addi %mul3A_216, %add3A_363 : i32
      %get3A_365 = arith.index_cast %add3A_364 : i32 to index
      %get3A_366 = arith.constant 80 : index
      %get3A_367 = tpu.vector_load %arg5[%get3A_365, %get3A_366] {strides = array<i32>} : memref<256x128xf32, #tpu.memory_space<vmem>>, vector<1x16xf32>,
      %get3A_368 = vector.shape_cast %get3A_367 : vector<1x16xf32> to vector<16xf32>
      %add3A_369 = arith.addf %get3A_362, %get3A_368 : vector<16xf32>
      %add3A_370 = arith.addf %add3A_356, %add3A_369 : vector<16xf32>
      %add3A_371 = arith.addf %scan3A_212, %add3A_370 : vector<16xf32>
      %get3A_372 = arith.index_cast %mul3A_216 : i32 to index
      %get3A_373 = arith.constant 96 : index
      %get3A_374 = tpu.vector_load %arg5[%get3A_372, %get3A_373] {strides = array<i32>} : memref<256x128xf32, #tpu.memory_space<vmem>>, vector<1x16xf32>,
      %get3A_375 = vector.shape_cast %get3A_374 : vector<1x16xf32> to vector<16xf32>
      %add3A_376 = arith.constant 1 : i32
      %add3A_377 = arith.addi %mul3A_216, %add3A_376 : i32
      %get3A_378 = arith.index_cast %add3A_377 : i32 to index
      %get3A_379 = arith.constant 96 : index
      %get3A_380 = tpu.vector_load %arg5[%get3A_378, %get3A_379] {strides = array<i32>} : memref<256x128xf32, #tpu.memory_space<vmem>>, vector<1x16xf32>,
      %get3A_381 = vector.shape_cast %get3A_380 : vector<1x16xf32> to vector<16xf32>
      %add3A_382 = arith.addf %get3A_375, %get3A_381 : vector<16xf32>
      %add3A_383 = arith.constant 2 : i32
      %add3A_384 = arith.addi %mul3A_216, %add3A_383 : i32
      %get3A_385 = arith.index_cast %add3A_384 : i32 to index
      %get3A_386 = arith.constant 96 : index
      %get3A_387 = tpu.vector_load %arg5[%get3A_385, %get3A_386] {strides = array<i32>} : memref<256x128xf32, #tpu.memory_space<vmem>>, vector<1x16xf32>,
      %get3A_388 = vector.shape_cast %get3A_387 : vector<1x16xf32> to vector<16xf32>
      %add3A_389 = arith.constant 3 : i32
      %add3A_390 = arith.addi %mul3A_216, %add3A_389 : i32
      %get3A_391 = arith.index_cast %add3A_390 : i32 to index
      %get3A_392 = arith.constant 96 : index
      %get3A_393 = tpu.vector_load %arg5[%get3A_391, %get3A_392] {strides = array<i32>} : memref<256x128xf32, #tpu.memory_space<vmem>>, vector<1x16xf32>,
      %get3A_394 = vector.shape_cast %get3A_393 : vector<1x16xf32> to vector<16xf32>
      %add3A_395 = arith.addf %get3A_388, %get3A_394 : vector<16xf32>
      %add3A_396 = arith.addf %add3A_382, %add3A_395 : vector<16xf32>
      %add3A_397 = arith.addf %scan3A_213, %add3A_396 : vector<16xf32>
      %get3A_398 = arith.index_cast %mul3A_216 : i32 to index
      %get3A_399 = arith.constant 112 : index
      %get3A_400 = tpu.vector_load %arg5[%get3A_398, %get3A_399] {strides = array<i32>} : memref<256x128xf32, #tpu.memory_space<vmem>>, vector<1x16xf32>,
      %get3A_401 = vector.shape_cast %get3A_400 : vector<1x16xf32> to vector<16xf32>
      %add3A_402 = arith.constant 1 : i32
      %add3A_403 = arith.addi %mul3A_216, %add3A_402 : i32
      %get3A_404 = arith.index_cast %add3A_403 : i32 to index
      %get3A_405 = arith.constant 112 : index
      %get3A_406 = tpu.vector_load %arg5[%get3A_404, %get3A_405] {strides = array<i32>} : memref<256x128xf32, #tpu.memory_space<vmem>>, vector<1x16xf32>,
      %get3A_407 = vector.shape_cast %get3A_406 : vector<1x16xf32> to vector<16xf32>
      %add3A_408 = arith.addf %get3A_401, %get3A_407 : vector<16xf32>
      %add3A_409 = arith.constant 2 : i32
      %add3A_410 = arith.addi %mul3A_216, %add3A_409 : i32
      %get3A_411 = arith.index_cast %add3A_410 : i32 to index
      %get3A_412 = arith.constant 112 : index
      %get3A_413 = tpu.vector_load %arg5[%get3A_411, %get3A_412] {strides = array<i32>} : memref<256x128xf32, #tpu.memory_space<vmem>>, vector<1x16xf32>,
      %get3A_414 = vector.shape_cast %get3A_413 : vector<1x16xf32> to vector<16xf32>
      %add3A_415 = arith.constant 3 : i32
      %add3A_416 = arith.addi %mul3A_216, %add3A_415 : i32
      %get3A_417 = arith.index_cast %add3A_416 : i32 to index
      %get3A_418 = arith.constant 112 : index
      %get3A_419 = tpu.vector_load %arg5[%get3A_417, %get3A_418] {strides = array<i32>} : memref<256x128xf32, #tpu.memory_space<vmem>>, vector<1x16xf32>,
      %get3A_420 = vector.shape_cast %get3A_419 : vector<1x16xf32> to vector<16xf32>
      %add3A_421 = arith.addf %get3A_414, %get3A_420 : vector<16xf32>
      %add3A_422 = arith.addf %add3A_408, %add3A_421 : vector<16xf32>
      %add3A_423 = arith.addf %scan3A_214, %add3A_422 : vector<16xf32>
      scf.yield %add3A_241, %add3A_267, %add3A_293, %add3A_319, %add3A_345, %add3A_371, %add3A_397, %add3A_423 : vector<16xf32>, vector<16xf32>, vector<16xf32>, vector<16xf32>, vector<16xf32>, vector<16xf32>, vector<16xf32>, vector<16xf32>
    }
    %scan3A_148 = arith.constant 64 : i32
    %add3A_149 = arith.constant 2304 : i32
    %add3A_150 = arith.addi %add3A_4, %add3A_149 : i32
    %dma_start3A_151 = arith.constant 0 : i32
    %dma_start3A_152 = tpu.memref_slice %arg2[%add3A_150, %dma_start3A_151] : memref<320000x128xf32, #tpu.memory_space<hbm>> -> memref<256x128xf32, #tpu.memory_space<hbm>>
    %dma_start3A_153 = arith.constant 0 : i32
    %dma_start3A_154 = tpu.memref_slice %arg2[%add3A_150, %dma_start3A_153] : memref<320000x128xf32, #tpu.memory_space<hbm>> -> memref<256x128xf32, #tpu.memory_space<hbm>>
    tpu.enqueue_dma source(%dma_start3A_154 : memref<256x128xf32, #tpu.memory_space<hbm>>) target(%arg5 : memref<256x128xf32, #tpu.memory_space<vmem>>) target_semaphore(%arg8 : memref<!tpu.dma_semaphore, #tpu.memory_space<semaphore_mem>>)
    %dma_wait3A_155 = arith.constant 0 : i32
    %dma_wait3A_156 = tpu.memref_slice %arg2[%add3A_134, %dma_wait3A_155] : memref<320000x128xf32, #tpu.memory_space<hbm>> -> memref<256x128xf32, #tpu.memory_space<hbm>>
    %dma_wait3A_157 = arith.constant 0 : i32
    %dma_wait3A_158 = tpu.memref_slice %arg2[%add3A_134, %dma_wait3A_157] : memref<320000x128xf32, #tpu.memory_space<hbm>> -> memref<256x128xf32, #tpu.memory_space<hbm>>
    tpu.wait_dma2 semaphore(%arg7 : memref<!tpu.dma_semaphore, #tpu.memory_space<semaphore_mem>>) src(%dma_wait3A_158 : memref<256x128xf32, #tpu.memory_space<hbm>>) dst(%arg4 : memref<256x128xf32, #tpu.memory_space<vmem>>)
    %scan3A_159 = arith.constant 0 : i32
    %scan3A_160 = arith.constant 64 : i32
    %scan3A_161 = arith.addi %scan3A_159, %scan3A_160 : i32
    %scan3A_162 = arith.constant 1 : i32
    %scan3A_163:8 = scf.for %scan3A_206 = %scan3A_159 to %scan3A_161 step %scan3A_162 iter_args(%scan3A_207 = %scan3A_147#0, %scan3A_208 = %scan3A_147#1, %scan3A_209 = %scan3A_147#2, %scan3A_210 = %scan3A_147#3, %scan3A_211 = %scan3A_147#4, %scan3A_212 = %scan3A_147#5, %scan3A_213 = %scan3A_147#6, %scan3A_214 = %scan3A_147#7) -> (vector<16xf32>, vector<16xf32>, vector<16xf32>, vector<16xf32>, vector<16xf32>, vector<16xf32>, vector<16xf32>, vector<16xf32>)  : i32 {
      %mul3A_215 = arith.constant 4 : i32
      %mul3A_216 = arith.muli %scan3A_206, %mul3A_215 : i32
      %get3A = arith.index_cast %mul3A_216 : i32 to index
      %get3A_217 = arith.constant 0 : index
      %get3A_218 = tpu.vector_load %arg4[%get3A, %get3A_217] {strides = array<i32>} : memref<256x128xf32, #tpu.memory_space<vmem>>, vector<1x16xf32>,
      %get3A_219 = vector.shape_cast %get3A_218 : vector<1x16xf32> to vector<16xf32>
      %add3A_220 = arith.constant 1 : i32
      %add3A_221 = arith.addi %mul3A_216, %add3A_220 : i32
      %get3A_222 = arith.index_cast %add3A_221 : i32 to index
      %get3A_223 = arith.constant 0 : index
      %get3A_224 = tpu.vector_load %arg4[%get3A_222, %get3A_223] {strides = array<i32>} : memref<256x128xf32, #tpu.memory_space<vmem>>, vector<1x16xf32>,
      %get3A_225 = vector.shape_cast %get3A_224 : vector<1x16xf32> to vector<16xf32>
      %add3A_226 = arith.addf %get3A_219, %get3A_225 : vector<16xf32>
      %add3A_227 = arith.constant 2 : i32
      %add3A_228 = arith.addi %mul3A_216, %add3A_227 : i32
      %get3A_229 = arith.index_cast %add3A_228 : i32 to index
      %get3A_230 = arith.constant 0 : index
      %get3A_231 = tpu.vector_load %arg4[%get3A_229, %get3A_230] {strides = array<i32>} : memref<256x128xf32, #tpu.memory_space<vmem>>, vector<1x16xf32>,
      %get3A_232 = vector.shape_cast %get3A_231 : vector<1x16xf32> to vector<16xf32>
      %add3A_233 = arith.constant 3 : i32
      %add3A_234 = arith.addi %mul3A_216, %add3A_233 : i32
      %get3A_235 = arith.index_cast %add3A_234 : i32 to index
      %get3A_236 = arith.constant 0 : index
      %get3A_237 = tpu.vector_load %arg4[%get3A_235, %get3A_236] {strides = array<i32>} : memref<256x128xf32, #tpu.memory_space<vmem>>, vector<1x16xf32>,
      %get3A_238 = vector.shape_cast %get3A_237 : vector<1x16xf32> to vector<16xf32>
      %add3A_239 = arith.addf %get3A_232, %get3A_238 : vector<16xf32>
      %add3A_240 = arith.addf %add3A_226, %add3A_239 : vector<16xf32>
      %add3A_241 = arith.addf %scan3A_207, %add3A_240 : vector<16xf32>
      %get3A_242 = arith.index_cast %mul3A_216 : i32 to index
      %get3A_243 = arith.constant 16 : index
      %get3A_244 = tpu.vector_load %arg4[%get3A_242, %get3A_243] {strides = array<i32>} : memref<256x128xf32, #tpu.memory_space<vmem>>, vector<1x16xf32>,
      %get3A_245 = vector.shape_cast %get3A_244 : vector<1x16xf32> to vector<16xf32>
      %add3A_246 = arith.constant 1 : i32
      %add3A_247 = arith.addi %mul3A_216, %add3A_246 : i32
      %get3A_248 = arith.index_cast %add3A_247 : i32 to index
      %get3A_249 = arith.constant 16 : index
      %get3A_250 = tpu.vector_load %arg4[%get3A_248, %get3A_249] {strides = array<i32>} : memref<256x128xf32, #tpu.memory_space<vmem>>, vector<1x16xf32>,
      %get3A_251 = vector.shape_cast %get3A_250 : vector<1x16xf32> to vector<16xf32>
      %add3A_252 = arith.addf %get3A_245, %get3A_251 : vector<16xf32>
      %add3A_253 = arith.constant 2 : i32
      %add3A_254 = arith.addi %mul3A_216, %add3A_253 : i32
      %get3A_255 = arith.index_cast %add3A_254 : i32 to index
      %get3A_256 = arith.constant 16 : index
      %get3A_257 = tpu.vector_load %arg4[%get3A_255, %get3A_256] {strides = array<i32>} : memref<256x128xf32, #tpu.memory_space<vmem>>, vector<1x16xf32>,
      %get3A_258 = vector.shape_cast %get3A_257 : vector<1x16xf32> to vector<16xf32>
      %add3A_259 = arith.constant 3 : i32
      %add3A_260 = arith.addi %mul3A_216, %add3A_259 : i32
      %get3A_261 = arith.index_cast %add3A_260 : i32 to index
      %get3A_262 = arith.constant 16 : index
      %get3A_263 = tpu.vector_load %arg4[%get3A_261, %get3A_262] {strides = array<i32>} : memref<256x128xf32, #tpu.memory_space<vmem>>, vector<1x16xf32>,
      %get3A_264 = vector.shape_cast %get3A_263 : vector<1x16xf32> to vector<16xf32>
      %add3A_265 = arith.addf %get3A_258, %get3A_264 : vector<16xf32>
      %add3A_266 = arith.addf %add3A_252, %add3A_265 : vector<16xf32>
      %add3A_267 = arith.addf %scan3A_208, %add3A_266 : vector<16xf32>
      %get3A_268 = arith.index_cast %mul3A_216 : i32 to index
      %get3A_269 = arith.constant 32 : index
      %get3A_270 = tpu.vector_load %arg4[%get3A_268, %get3A_269] {strides = array<i32>} : memref<256x128xf32, #tpu.memory_space<vmem>>, vector<1x16xf32>,
      %get3A_271 = vector.shape_cast %get3A_270 : vector<1x16xf32> to vector<16xf32>
      %add3A_272 = arith.constant 1 : i32
      %add3A_273 = arith.addi %mul3A_216, %add3A_272 : i32
      %get3A_274 = arith.index_cast %add3A_273 : i32 to index
      %get3A_275 = arith.constant 32 : index
      %get3A_276 = tpu.vector_load %arg4[%get3A_274, %get3A_275] {strides = array<i32>} : memref<256x128xf32, #tpu.memory_space<vmem>>, vector<1x16xf32>,
      %get3A_277 = vector.shape_cast %get3A_276 : vector<1x16xf32> to vector<16xf32>
      %add3A_278 = arith.addf %get3A_271, %get3A_277 : vector<16xf32>
      %add3A_279 = arith.constant 2 : i32
      %add3A_280 = arith.addi %mul3A_216, %add3A_279 : i32
      %get3A_281 = arith.index_cast %add3A_280 : i32 to index
      %get3A_282 = arith.constant 32 : index
      %get3A_283 = tpu.vector_load %arg4[%get3A_281, %get3A_282] {strides = array<i32>} : memref<256x128xf32, #tpu.memory_space<vmem>>, vector<1x16xf32>,
      %get3A_284 = vector.shape_cast %get3A_283 : vector<1x16xf32> to vector<16xf32>
      %add3A_285 = arith.constant 3 : i32
      %add3A_286 = arith.addi %mul3A_216, %add3A_285 : i32
      %get3A_287 = arith.index_cast %add3A_286 : i32 to index
      %get3A_288 = arith.constant 32 : index
      %get3A_289 = tpu.vector_load %arg4[%get3A_287, %get3A_288] {strides = array<i32>} : memref<256x128xf32, #tpu.memory_space<vmem>>, vector<1x16xf32>,
      %get3A_290 = vector.shape_cast %get3A_289 : vector<1x16xf32> to vector<16xf32>
      %add3A_291 = arith.addf %get3A_284, %get3A_290 : vector<16xf32>
      %add3A_292 = arith.addf %add3A_278, %add3A_291 : vector<16xf32>
      %add3A_293 = arith.addf %scan3A_209, %add3A_292 : vector<16xf32>
      %get3A_294 = arith.index_cast %mul3A_216 : i32 to index
      %get3A_295 = arith.constant 48 : index
      %get3A_296 = tpu.vector_load %arg4[%get3A_294, %get3A_295] {strides = array<i32>} : memref<256x128xf32, #tpu.memory_space<vmem>>, vector<1x16xf32>,
      %get3A_297 = vector.shape_cast %get3A_296 : vector<1x16xf32> to vector<16xf32>
      %add3A_298 = arith.constant 1 : i32
      %add3A_299 = arith.addi %mul3A_216, %add3A_298 : i32
      %get3A_300 = arith.index_cast %add3A_299 : i32 to index
      %get3A_301 = arith.constant 48 : index
      %get3A_302 = tpu.vector_load %arg4[%get3A_300, %get3A_301] {strides = array<i32>} : memref<256x128xf32, #tpu.memory_space<vmem>>, vector<1x16xf32>,
      %get3A_303 = vector.shape_cast %get3A_302 : vector<1x16xf32> to vector<16xf32>
      %add3A_304 = arith.addf %get3A_297, %get3A_303 : vector<16xf32>
      %add3A_305 = arith.constant 2 : i32
      %add3A_306 = arith.addi %mul3A_216, %add3A_305 : i32
      %get3A_307 = arith.index_cast %add3A_306 : i32 to index
      %get3A_308 = arith.constant 48 : index
      %get3A_309 = tpu.vector_load %arg4[%get3A_307, %get3A_308] {strides = array<i32>} : memref<256x128xf32, #tpu.memory_space<vmem>>, vector<1x16xf32>,
      %get3A_310 = vector.shape_cast %get3A_309 : vector<1x16xf32> to vector<16xf32>
      %add3A_311 = arith.constant 3 : i32
      %add3A_312 = arith.addi %mul3A_216, %add3A_311 : i32
      %get3A_313 = arith.index_cast %add3A_312 : i32 to index
      %get3A_314 = arith.constant 48 : index
      %get3A_315 = tpu.vector_load %arg4[%get3A_313, %get3A_314] {strides = array<i32>} : memref<256x128xf32, #tpu.memory_space<vmem>>, vector<1x16xf32>,
      %get3A_316 = vector.shape_cast %get3A_315 : vector<1x16xf32> to vector<16xf32>
      %add3A_317 = arith.addf %get3A_310, %get3A_316 : vector<16xf32>
      %add3A_318 = arith.addf %add3A_304, %add3A_317 : vector<16xf32>
      %add3A_319 = arith.addf %scan3A_210, %add3A_318 : vector<16xf32>
      %get3A_320 = arith.index_cast %mul3A_216 : i32 to index
      %get3A_321 = arith.constant 64 : index
      %get3A_322 = tpu.vector_load %arg4[%get3A_320, %get3A_321] {strides = array<i32>} : memref<256x128xf32, #tpu.memory_space<vmem>>, vector<1x16xf32>,
      %get3A_323 = vector.shape_cast %get3A_322 : vector<1x16xf32> to vector<16xf32>
      %add3A_324 = arith.constant 1 : i32
      %add3A_325 = arith.addi %mul3A_216, %add3A_324 : i32
      %get3A_326 = arith.index_cast %add3A_325 : i32 to index
      %get3A_327 = arith.constant 64 : index
      %get3A_328 = tpu.vector_load %arg4[%get3A_326, %get3A_327] {strides = array<i32>} : memref<256x128xf32, #tpu.memory_space<vmem>>, vector<1x16xf32>,
      %get3A_329 = vector.shape_cast %get3A_328 : vector<1x16xf32> to vector<16xf32>
      %add3A_330 = arith.addf %get3A_323, %get3A_329 : vector<16xf32>
      %add3A_331 = arith.constant 2 : i32
      %add3A_332 = arith.addi %mul3A_216, %add3A_331 : i32
      %get3A_333 = arith.index_cast %add3A_332 : i32 to index
      %get3A_334 = arith.constant 64 : index
      %get3A_335 = tpu.vector_load %arg4[%get3A_333, %get3A_334] {strides = array<i32>} : memref<256x128xf32, #tpu.memory_space<vmem>>, vector<1x16xf32>,
      %get3A_336 = vector.shape_cast %get3A_335 : vector<1x16xf32> to vector<16xf32>
      %add3A_337 = arith.constant 3 : i32
      %add3A_338 = arith.addi %mul3A_216, %add3A_337 : i32
      %get3A_339 = arith.index_cast %add3A_338 : i32 to index
      %get3A_340 = arith.constant 64 : index
      %get3A_341 = tpu.vector_load %arg4[%get3A_339, %get3A_340] {strides = array<i32>} : memref<256x128xf32, #tpu.memory_space<vmem>>, vector<1x16xf32>,
      %get3A_342 = vector.shape_cast %get3A_341 : vector<1x16xf32> to vector<16xf32>
      %add3A_343 = arith.addf %get3A_336, %get3A_342 : vector<16xf32>
      %add3A_344 = arith.addf %add3A_330, %add3A_343 : vector<16xf32>
      %add3A_345 = arith.addf %scan3A_211, %add3A_344 : vector<16xf32>
      %get3A_346 = arith.index_cast %mul3A_216 : i32 to index
      %get3A_347 = arith.constant 80 : index
      %get3A_348 = tpu.vector_load %arg4[%get3A_346, %get3A_347] {strides = array<i32>} : memref<256x128xf32, #tpu.memory_space<vmem>>, vector<1x16xf32>,
      %get3A_349 = vector.shape_cast %get3A_348 : vector<1x16xf32> to vector<16xf32>
      %add3A_350 = arith.constant 1 : i32
      %add3A_351 = arith.addi %mul3A_216, %add3A_350 : i32
      %get3A_352 = arith.index_cast %add3A_351 : i32 to index
      %get3A_353 = arith.constant 80 : index
      %get3A_354 = tpu.vector_load %arg4[%get3A_352, %get3A_353] {strides = array<i32>} : memref<256x128xf32, #tpu.memory_space<vmem>>, vector<1x16xf32>,
      %get3A_355 = vector.shape_cast %get3A_354 : vector<1x16xf32> to vector<16xf32>
      %add3A_356 = arith.addf %get3A_349, %get3A_355 : vector<16xf32>
      %add3A_357 = arith.constant 2 : i32
      %add3A_358 = arith.addi %mul3A_216, %add3A_357 : i32
      %get3A_359 = arith.index_cast %add3A_358 : i32 to index
      %get3A_360 = arith.constant 80 : index
      %get3A_361 = tpu.vector_load %arg4[%get3A_359, %get3A_360] {strides = array<i32>} : memref<256x128xf32, #tpu.memory_space<vmem>>, vector<1x16xf32>,
      %get3A_362 = vector.shape_cast %get3A_361 : vector<1x16xf32> to vector<16xf32>
      %add3A_363 = arith.constant 3 : i32
      %add3A_364 = arith.addi %mul3A_216, %add3A_363 : i32
      %get3A_365 = arith.index_cast %add3A_364 : i32 to index
      %get3A_366 = arith.constant 80 : index
      %get3A_367 = tpu.vector_load %arg4[%get3A_365, %get3A_366] {strides = array<i32>} : memref<256x128xf32, #tpu.memory_space<vmem>>, vector<1x16xf32>,
      %get3A_368 = vector.shape_cast %get3A_367 : vector<1x16xf32> to vector<16xf32>
      %add3A_369 = arith.addf %get3A_362, %get3A_368 : vector<16xf32>
      %add3A_370 = arith.addf %add3A_356, %add3A_369 : vector<16xf32>
      %add3A_371 = arith.addf %scan3A_212, %add3A_370 : vector<16xf32>
      %get3A_372 = arith.index_cast %mul3A_216 : i32 to index
      %get3A_373 = arith.constant 96 : index
      %get3A_374 = tpu.vector_load %arg4[%get3A_372, %get3A_373] {strides = array<i32>} : memref<256x128xf32, #tpu.memory_space<vmem>>, vector<1x16xf32>,
      %get3A_375 = vector.shape_cast %get3A_374 : vector<1x16xf32> to vector<16xf32>
      %add3A_376 = arith.constant 1 : i32
      %add3A_377 = arith.addi %mul3A_216, %add3A_376 : i32
      %get3A_378 = arith.index_cast %add3A_377 : i32 to index
      %get3A_379 = arith.constant 96 : index
      %get3A_380 = tpu.vector_load %arg4[%get3A_378, %get3A_379] {strides = array<i32>} : memref<256x128xf32, #tpu.memory_space<vmem>>, vector<1x16xf32>,
      %get3A_381 = vector.shape_cast %get3A_380 : vector<1x16xf32> to vector<16xf32>
      %add3A_382 = arith.addf %get3A_375, %get3A_381 : vector<16xf32>
      %add3A_383 = arith.constant 2 : i32
      %add3A_384 = arith.addi %mul3A_216, %add3A_383 : i32
      %get3A_385 = arith.index_cast %add3A_384 : i32 to index
      %get3A_386 = arith.constant 96 : index
      %get3A_387 = tpu.vector_load %arg4[%get3A_385, %get3A_386] {strides = array<i32>} : memref<256x128xf32, #tpu.memory_space<vmem>>, vector<1x16xf32>,
      %get3A_388 = vector.shape_cast %get3A_387 : vector<1x16xf32> to vector<16xf32>
      %add3A_389 = arith.constant 3 : i32
      %add3A_390 = arith.addi %mul3A_216, %add3A_389 : i32
      %get3A_391 = arith.index_cast %add3A_390 : i32 to index
      %get3A_392 = arith.constant 96 : index
      %get3A_393 = tpu.vector_load %arg4[%get3A_391, %get3A_392] {strides = array<i32>} : memref<256x128xf32, #tpu.memory_space<vmem>>, vector<1x16xf32>,
      %get3A_394 = vector.shape_cast %get3A_393 : vector<1x16xf32> to vector<16xf32>
      %add3A_395 = arith.addf %get3A_388, %get3A_394 : vector<16xf32>
      %add3A_396 = arith.addf %add3A_382, %add3A_395 : vector<16xf32>
      %add3A_397 = arith.addf %scan3A_213, %add3A_396 : vector<16xf32>
      %get3A_398 = arith.index_cast %mul3A_216 : i32 to index
      %get3A_399 = arith.constant 112 : index
      %get3A_400 = tpu.vector_load %arg4[%get3A_398, %get3A_399] {strides = array<i32>} : memref<256x128xf32, #tpu.memory_space<vmem>>, vector<1x16xf32>,
      %get3A_401 = vector.shape_cast %get3A_400 : vector<1x16xf32> to vector<16xf32>
      %add3A_402 = arith.constant 1 : i32
      %add3A_403 = arith.addi %mul3A_216, %add3A_402 : i32
      %get3A_404 = arith.index_cast %add3A_403 : i32 to index
      %get3A_405 = arith.constant 112 : index
      %get3A_406 = tpu.vector_load %arg4[%get3A_404, %get3A_405] {strides = array<i32>} : memref<256x128xf32, #tpu.memory_space<vmem>>, vector<1x16xf32>,
      %get3A_407 = vector.shape_cast %get3A_406 : vector<1x16xf32> to vector<16xf32>
      %add3A_408 = arith.addf %get3A_401, %get3A_407 : vector<16xf32>
      %add3A_409 = arith.constant 2 : i32
      %add3A_410 = arith.addi %mul3A_216, %add3A_409 : i32
      %get3A_411 = arith.index_cast %add3A_410 : i32 to index
      %get3A_412 = arith.constant 112 : index
      %get3A_413 = tpu.vector_load %arg4[%get3A_411, %get3A_412] {strides = array<i32>} : memref<256x128xf32, #tpu.memory_space<vmem>>, vector<1x16xf32>,
      %get3A_414 = vector.shape_cast %get3A_413 : vector<1x16xf32> to vector<16xf32>
      %add3A_415 = arith.constant 3 : i32
      %add3A_416 = arith.addi %mul3A_216, %add3A_415 : i32
      %get3A_417 = arith.index_cast %add3A_416 : i32 to index
      %get3A_418 = arith.constant 112 : index
      %get3A_419 = tpu.vector_load %arg4[%get3A_417, %get3A_418] {strides = array<i32>} : memref<256x128xf32, #tpu.memory_space<vmem>>, vector<1x16xf32>,
      %get3A_420 = vector.shape_cast %get3A_419 : vector<1x16xf32> to vector<16xf32>
      %add3A_421 = arith.addf %get3A_414, %get3A_420 : vector<16xf32>
      %add3A_422 = arith.addf %add3A_408, %add3A_421 : vector<16xf32>
      %add3A_423 = arith.addf %scan3A_214, %add3A_422 : vector<16xf32>
      scf.yield %add3A_241, %add3A_267, %add3A_293, %add3A_319, %add3A_345, %add3A_371, %add3A_397, %add3A_423 : vector<16xf32>, vector<16xf32>, vector<16xf32>, vector<16xf32>, vector<16xf32>, vector<16xf32>, vector<16xf32>, vector<16xf32>
    }
    %scan3A_164 = arith.constant 64 : i32
    %dma_wait3A_165 = arith.constant 0 : i32
    %dma_wait3A_166 = tpu.memref_slice %arg2[%add3A_150, %dma_wait3A_165] : memref<320000x128xf32, #tpu.memory_space<hbm>> -> memref<256x128xf32, #tpu.memory_space<hbm>>
    %dma_wait3A_167 = arith.constant 0 : i32
    %dma_wait3A_168 = tpu.memref_slice %arg2[%add3A_150, %dma_wait3A_167] : memref<320000x128xf32, #tpu.memory_space<hbm>> -> memref<256x128xf32, #tpu.memory_space<hbm>>
    tpu.wait_dma2 semaphore(%arg8 : memref<!tpu.dma_semaphore, #tpu.memory_space<semaphore_mem>>) src(%dma_wait3A_168 : memref<256x128xf32, #tpu.memory_space<hbm>>) dst(%arg5 : memref<256x128xf32, #tpu.memory_space<vmem>>)
    %scan3A_169 = arith.constant 0 : i32
    %scan3A_170 = arith.constant 64 : i32
    %scan3A_171 = arith.addi %scan3A_169, %scan3A_170 : i32
    %scan3A_172 = arith.constant 1 : i32
    %scan3A_173:8 = scf.for %scan3A_206 = %scan3A_169 to %scan3A_171 step %scan3A_172 iter_args(%scan3A_207 = %scan3A_163#0, %scan3A_208 = %scan3A_163#1, %scan3A_209 = %scan3A_163#2, %scan3A_210 = %scan3A_163#3, %scan3A_211 = %scan3A_163#4, %scan3A_212 = %scan3A_163#5, %scan3A_213 = %scan3A_163#6, %scan3A_214 = %scan3A_163#7) -> (vector<16xf32>, vector<16xf32>, vector<16xf32>, vector<16xf32>, vector<16xf32>, vector<16xf32>, vector<16xf32>, vector<16xf32>)  : i32 {
      %mul3A_215 = arith.constant 4 : i32
      %mul3A_216 = arith.muli %scan3A_206, %mul3A_215 : i32
      %get3A = arith.index_cast %mul3A_216 : i32 to index
      %get3A_217 = arith.constant 0 : index
      %get3A_218 = tpu.vector_load %arg5[%get3A, %get3A_217] {strides = array<i32>} : memref<256x128xf32, #tpu.memory_space<vmem>>, vector<1x16xf32>,
      %get3A_219 = vector.shape_cast %get3A_218 : vector<1x16xf32> to vector<16xf32>
      %add3A_220 = arith.constant 1 : i32
      %add3A_221 = arith.addi %mul3A_216, %add3A_220 : i32
      %get3A_222 = arith.index_cast %add3A_221 : i32 to index
      %get3A_223 = arith.constant 0 : index
      %get3A_224 = tpu.vector_load %arg5[%get3A_222, %get3A_223] {strides = array<i32>} : memref<256x128xf32, #tpu.memory_space<vmem>>, vector<1x16xf32>,
      %get3A_225 = vector.shape_cast %get3A_224 : vector<1x16xf32> to vector<16xf32>
      %add3A_226 = arith.addf %get3A_219, %get3A_225 : vector<16xf32>
      %add3A_227 = arith.constant 2 : i32
      %add3A_228 = arith.addi %mul3A_216, %add3A_227 : i32
      %get3A_229 = arith.index_cast %add3A_228 : i32 to index
      %get3A_230 = arith.constant 0 : index
      %get3A_231 = tpu.vector_load %arg5[%get3A_229, %get3A_230] {strides = array<i32>} : memref<256x128xf32, #tpu.memory_space<vmem>>, vector<1x16xf32>,
      %get3A_232 = vector.shape_cast %get3A_231 : vector<1x16xf32> to vector<16xf32>
      %add3A_233 = arith.constant 3 : i32
      %add3A_234 = arith.addi %mul3A_216, %add3A_233 : i32
      %get3A_235 = arith.index_cast %add3A_234 : i32 to index
      %get3A_236 = arith.constant 0 : index
      %get3A_237 = tpu.vector_load %arg5[%get3A_235, %get3A_236] {strides = array<i32>} : memref<256x128xf32, #tpu.memory_space<vmem>>, vector<1x16xf32>,
      %get3A_238 = vector.shape_cast %get3A_237 : vector<1x16xf32> to vector<16xf32>
      %add3A_239 = arith.addf %get3A_232, %get3A_238 : vector<16xf32>
      %add3A_240 = arith.addf %add3A_226, %add3A_239 : vector<16xf32>
      %add3A_241 = arith.addf %scan3A_207, %add3A_240 : vector<16xf32>
      %get3A_242 = arith.index_cast %mul3A_216 : i32 to index
      %get3A_243 = arith.constant 16 : index
      %get3A_244 = tpu.vector_load %arg5[%get3A_242, %get3A_243] {strides = array<i32>} : memref<256x128xf32, #tpu.memory_space<vmem>>, vector<1x16xf32>,
      %get3A_245 = vector.shape_cast %get3A_244 : vector<1x16xf32> to vector<16xf32>
      %add3A_246 = arith.constant 1 : i32
      %add3A_247 = arith.addi %mul3A_216, %add3A_246 : i32
      %get3A_248 = arith.index_cast %add3A_247 : i32 to index
      %get3A_249 = arith.constant 16 : index
      %get3A_250 = tpu.vector_load %arg5[%get3A_248, %get3A_249] {strides = array<i32>} : memref<256x128xf32, #tpu.memory_space<vmem>>, vector<1x16xf32>,
      %get3A_251 = vector.shape_cast %get3A_250 : vector<1x16xf32> to vector<16xf32>
      %add3A_252 = arith.addf %get3A_245, %get3A_251 : vector<16xf32>
      %add3A_253 = arith.constant 2 : i32
      %add3A_254 = arith.addi %mul3A_216, %add3A_253 : i32
      %get3A_255 = arith.index_cast %add3A_254 : i32 to index
      %get3A_256 = arith.constant 16 : index
      %get3A_257 = tpu.vector_load %arg5[%get3A_255, %get3A_256] {strides = array<i32>} : memref<256x128xf32, #tpu.memory_space<vmem>>, vector<1x16xf32>,
      %get3A_258 = vector.shape_cast %get3A_257 : vector<1x16xf32> to vector<16xf32>
      %add3A_259 = arith.constant 3 : i32
      %add3A_260 = arith.addi %mul3A_216, %add3A_259 : i32
      %get3A_261 = arith.index_cast %add3A_260 : i32 to index
      %get3A_262 = arith.constant 16 : index
      %get3A_263 = tpu.vector_load %arg5[%get3A_261, %get3A_262] {strides = array<i32>} : memref<256x128xf32, #tpu.memory_space<vmem>>, vector<1x16xf32>,
      %get3A_264 = vector.shape_cast %get3A_263 : vector<1x16xf32> to vector<16xf32>
      %add3A_265 = arith.addf %get3A_258, %get3A_264 : vector<16xf32>
      %add3A_266 = arith.addf %add3A_252, %add3A_265 : vector<16xf32>
      %add3A_267 = arith.addf %scan3A_208, %add3A_266 : vector<16xf32>
      %get3A_268 = arith.index_cast %mul3A_216 : i32 to index
      %get3A_269 = arith.constant 32 : index
      %get3A_270 = tpu.vector_load %arg5[%get3A_268, %get3A_269] {strides = array<i32>} : memref<256x128xf32, #tpu.memory_space<vmem>>, vector<1x16xf32>,
      %get3A_271 = vector.shape_cast %get3A_270 : vector<1x16xf32> to vector<16xf32>
      %add3A_272 = arith.constant 1 : i32
      %add3A_273 = arith.addi %mul3A_216, %add3A_272 : i32
      %get3A_274 = arith.index_cast %add3A_273 : i32 to index
      %get3A_275 = arith.constant 32 : index
      %get3A_276 = tpu.vector_load %arg5[%get3A_274, %get3A_275] {strides = array<i32>} : memref<256x128xf32, #tpu.memory_space<vmem>>, vector<1x16xf32>,
      %get3A_277 = vector.shape_cast %get3A_276 : vector<1x16xf32> to vector<16xf32>
      %add3A_278 = arith.addf %get3A_271, %get3A_277 : vector<16xf32>
      %add3A_279 = arith.constant 2 : i32
      %add3A_280 = arith.addi %mul3A_216, %add3A_279 : i32
      %get3A_281 = arith.index_cast %add3A_280 : i32 to index
      %get3A_282 = arith.constant 32 : index
      %get3A_283 = tpu.vector_load %arg5[%get3A_281, %get3A_282] {strides = array<i32>} : memref<256x128xf32, #tpu.memory_space<vmem>>, vector<1x16xf32>,
      %get3A_284 = vector.shape_cast %get3A_283 : vector<1x16xf32> to vector<16xf32>
      %add3A_285 = arith.constant 3 : i32
      %add3A_286 = arith.addi %mul3A_216, %add3A_285 : i32
      %get3A_287 = arith.index_cast %add3A_286 : i32 to index
      %get3A_288 = arith.constant 32 : index
      %get3A_289 = tpu.vector_load %arg5[%get3A_287, %get3A_288] {strides = array<i32>} : memref<256x128xf32, #tpu.memory_space<vmem>>, vector<1x16xf32>,
      %get3A_290 = vector.shape_cast %get3A_289 : vector<1x16xf32> to vector<16xf32>
      %add3A_291 = arith.addf %get3A_284, %get3A_290 : vector<16xf32>
      %add3A_292 = arith.addf %add3A_278, %add3A_291 : vector<16xf32>
      %add3A_293 = arith.addf %scan3A_209, %add3A_292 : vector<16xf32>
      %get3A_294 = arith.index_cast %mul3A_216 : i32 to index
      %get3A_295 = arith.constant 48 : index
      %get3A_296 = tpu.vector_load %arg5[%get3A_294, %get3A_295] {strides = array<i32>} : memref<256x128xf32, #tpu.memory_space<vmem>>, vector<1x16xf32>,
      %get3A_297 = vector.shape_cast %get3A_296 : vector<1x16xf32> to vector<16xf32>
      %add3A_298 = arith.constant 1 : i32
      %add3A_299 = arith.addi %mul3A_216, %add3A_298 : i32
      %get3A_300 = arith.index_cast %add3A_299 : i32 to index
      %get3A_301 = arith.constant 48 : index
      %get3A_302 = tpu.vector_load %arg5[%get3A_300, %get3A_301] {strides = array<i32>} : memref<256x128xf32, #tpu.memory_space<vmem>>, vector<1x16xf32>,
      %get3A_303 = vector.shape_cast %get3A_302 : vector<1x16xf32> to vector<16xf32>
      %add3A_304 = arith.addf %get3A_297, %get3A_303 : vector<16xf32>
      %add3A_305 = arith.constant 2 : i32
      %add3A_306 = arith.addi %mul3A_216, %add3A_305 : i32
      %get3A_307 = arith.index_cast %add3A_306 : i32 to index
      %get3A_308 = arith.constant 48 : index
      %get3A_309 = tpu.vector_load %arg5[%get3A_307, %get3A_308] {strides = array<i32>} : memref<256x128xf32, #tpu.memory_space<vmem>>, vector<1x16xf32>,
      %get3A_310 = vector.shape_cast %get3A_309 : vector<1x16xf32> to vector<16xf32>
      %add3A_311 = arith.constant 3 : i32
      %add3A_312 = arith.addi %mul3A_216, %add3A_311 : i32
      %get3A_313 = arith.index_cast %add3A_312 : i32 to index
      %get3A_314 = arith.constant 48 : index
      %get3A_315 = tpu.vector_load %arg5[%get3A_313, %get3A_314] {strides = array<i32>} : memref<256x128xf32, #tpu.memory_space<vmem>>, vector<1x16xf32>,
      %get3A_316 = vector.shape_cast %get3A_315 : vector<1x16xf32> to vector<16xf32>
      %add3A_317 = arith.addf %get3A_310, %get3A_316 : vector<16xf32>
      %add3A_318 = arith.addf %add3A_304, %add3A_317 : vector<16xf32>
      %add3A_319 = arith.addf %scan3A_210, %add3A_318 : vector<16xf32>
      %get3A_320 = arith.index_cast %mul3A_216 : i32 to index
      %get3A_321 = arith.constant 64 : index
      %get3A_322 = tpu.vector_load %arg5[%get3A_320, %get3A_321] {strides = array<i32>} : memref<256x128xf32, #tpu.memory_space<vmem>>, vector<1x16xf32>,
      %get3A_323 = vector.shape_cast %get3A_322 : vector<1x16xf32> to vector<16xf32>
      %add3A_324 = arith.constant 1 : i32
      %add3A_325 = arith.addi %mul3A_216, %add3A_324 : i32
      %get3A_326 = arith.index_cast %add3A_325 : i32 to index
      %get3A_327 = arith.constant 64 : index
      %get3A_328 = tpu.vector_load %arg5[%get3A_326, %get3A_327] {strides = array<i32>} : memref<256x128xf32, #tpu.memory_space<vmem>>, vector<1x16xf32>,
      %get3A_329 = vector.shape_cast %get3A_328 : vector<1x16xf32> to vector<16xf32>
      %add3A_330 = arith.addf %get3A_323, %get3A_329 : vector<16xf32>
      %add3A_331 = arith.constant 2 : i32
      %add3A_332 = arith.addi %mul3A_216, %add3A_331 : i32
      %get3A_333 = arith.index_cast %add3A_332 : i32 to index
      %get3A_334 = arith.constant 64 : index
      %get3A_335 = tpu.vector_load %arg5[%get3A_333, %get3A_334] {strides = array<i32>} : memref<256x128xf32, #tpu.memory_space<vmem>>, vector<1x16xf32>,
      %get3A_336 = vector.shape_cast %get3A_335 : vector<1x16xf32> to vector<16xf32>
      %add3A_337 = arith.constant 3 : i32
      %add3A_338 = arith.addi %mul3A_216, %add3A_337 : i32
      %get3A_339 = arith.index_cast %add3A_338 : i32 to index
      %get3A_340 = arith.constant 64 : index
      %get3A_341 = tpu.vector_load %arg5[%get3A_339, %get3A_340] {strides = array<i32>} : memref<256x128xf32, #tpu.memory_space<vmem>>, vector<1x16xf32>,
      %get3A_342 = vector.shape_cast %get3A_341 : vector<1x16xf32> to vector<16xf32>
      %add3A_343 = arith.addf %get3A_336, %get3A_342 : vector<16xf32>
      %add3A_344 = arith.addf %add3A_330, %add3A_343 : vector<16xf32>
      %add3A_345 = arith.addf %scan3A_211, %add3A_344 : vector<16xf32>
      %get3A_346 = arith.index_cast %mul3A_216 : i32 to index
      %get3A_347 = arith.constant 80 : index
      %get3A_348 = tpu.vector_load %arg5[%get3A_346, %get3A_347] {strides = array<i32>} : memref<256x128xf32, #tpu.memory_space<vmem>>, vector<1x16xf32>,
      %get3A_349 = vector.shape_cast %get3A_348 : vector<1x16xf32> to vector<16xf32>
      %add3A_350 = arith.constant 1 : i32
      %add3A_351 = arith.addi %mul3A_216, %add3A_350 : i32
      %get3A_352 = arith.index_cast %add3A_351 : i32 to index
      %get3A_353 = arith.constant 80 : index
      %get3A_354 = tpu.vector_load %arg5[%get3A_352, %get3A_353] {strides = array<i32>} : memref<256x128xf32, #tpu.memory_space<vmem>>, vector<1x16xf32>,
      %get3A_355 = vector.shape_cast %get3A_354 : vector<1x16xf32> to vector<16xf32>
      %add3A_356 = arith.addf %get3A_349, %get3A_355 : vector<16xf32>
      %add3A_357 = arith.constant 2 : i32
      %add3A_358 = arith.addi %mul3A_216, %add3A_357 : i32
      %get3A_359 = arith.index_cast %add3A_358 : i32 to index
      %get3A_360 = arith.constant 80 : index
      %get3A_361 = tpu.vector_load %arg5[%get3A_359, %get3A_360] {strides = array<i32>} : memref<256x128xf32, #tpu.memory_space<vmem>>, vector<1x16xf32>,
      %get3A_362 = vector.shape_cast %get3A_361 : vector<1x16xf32> to vector<16xf32>
      %add3A_363 = arith.constant 3 : i32
      %add3A_364 = arith.addi %mul3A_216, %add3A_363 : i32
      %get3A_365 = arith.index_cast %add3A_364 : i32 to index
      %get3A_366 = arith.constant 80 : index
      %get3A_367 = tpu.vector_load %arg5[%get3A_365, %get3A_366] {strides = array<i32>} : memref<256x128xf32, #tpu.memory_space<vmem>>, vector<1x16xf32>,
      %get3A_368 = vector.shape_cast %get3A_367 : vector<1x16xf32> to vector<16xf32>
      %add3A_369 = arith.addf %get3A_362, %get3A_368 : vector<16xf32>
      %add3A_370 = arith.addf %add3A_356, %add3A_369 : vector<16xf32>
      %add3A_371 = arith.addf %scan3A_212, %add3A_370 : vector<16xf32>
      %get3A_372 = arith.index_cast %mul3A_216 : i32 to index
      %get3A_373 = arith.constant 96 : index
      %get3A_374 = tpu.vector_load %arg5[%get3A_372, %get3A_373] {strides = array<i32>} : memref<256x128xf32, #tpu.memory_space<vmem>>, vector<1x16xf32>,
      %get3A_375 = vector.shape_cast %get3A_374 : vector<1x16xf32> to vector<16xf32>
      %add3A_376 = arith.constant 1 : i32
      %add3A_377 = arith.addi %mul3A_216, %add3A_376 : i32
      %get3A_378 = arith.index_cast %add3A_377 : i32 to index
      %get3A_379 = arith.constant 96 : index
      %get3A_380 = tpu.vector_load %arg5[%get3A_378, %get3A_379] {strides = array<i32>} : memref<256x128xf32, #tpu.memory_space<vmem>>, vector<1x16xf32>,
      %get3A_381 = vector.shape_cast %get3A_380 : vector<1x16xf32> to vector<16xf32>
      %add3A_382 = arith.addf %get3A_375, %get3A_381 : vector<16xf32>
      %add3A_383 = arith.constant 2 : i32
      %add3A_384 = arith.addi %mul3A_216, %add3A_383 : i32
      %get3A_385 = arith.index_cast %add3A_384 : i32 to index
      %get3A_386 = arith.constant 96 : index
      %get3A_387 = tpu.vector_load %arg5[%get3A_385, %get3A_386] {strides = array<i32>} : memref<256x128xf32, #tpu.memory_space<vmem>>, vector<1x16xf32>,
      %get3A_388 = vector.shape_cast %get3A_387 : vector<1x16xf32> to vector<16xf32>
      %add3A_389 = arith.constant 3 : i32
      %add3A_390 = arith.addi %mul3A_216, %add3A_389 : i32
      %get3A_391 = arith.index_cast %add3A_390 : i32 to index
      %get3A_392 = arith.constant 96 : index
      %get3A_393 = tpu.vector_load %arg5[%get3A_391, %get3A_392] {strides = array<i32>} : memref<256x128xf32, #tpu.memory_space<vmem>>, vector<1x16xf32>,
      %get3A_394 = vector.shape_cast %get3A_393 : vector<1x16xf32> to vector<16xf32>
      %add3A_395 = arith.addf %get3A_388, %get3A_394 : vector<16xf32>
      %add3A_396 = arith.addf %add3A_382, %add3A_395 : vector<16xf32>
      %add3A_397 = arith.addf %scan3A_213, %add3A_396 : vector<16xf32>
      %get3A_398 = arith.index_cast %mul3A_216 : i32 to index
      %get3A_399 = arith.constant 112 : index
      %get3A_400 = tpu.vector_load %arg5[%get3A_398, %get3A_399] {strides = array<i32>} : memref<256x128xf32, #tpu.memory_space<vmem>>, vector<1x16xf32>,
      %get3A_401 = vector.shape_cast %get3A_400 : vector<1x16xf32> to vector<16xf32>
      %add3A_402 = arith.constant 1 : i32
      %add3A_403 = arith.addi %mul3A_216, %add3A_402 : i32
      %get3A_404 = arith.index_cast %add3A_403 : i32 to index
      %get3A_405 = arith.constant 112 : index
      %get3A_406 = tpu.vector_load %arg5[%get3A_404, %get3A_405] {strides = array<i32>} : memref<256x128xf32, #tpu.memory_space<vmem>>, vector<1x16xf32>,
      %get3A_407 = vector.shape_cast %get3A_406 : vector<1x16xf32> to vector<16xf32>
      %add3A_408 = arith.addf %get3A_401, %get3A_407 : vector<16xf32>
      %add3A_409 = arith.constant 2 : i32
      %add3A_410 = arith.addi %mul3A_216, %add3A_409 : i32
      %get3A_411 = arith.index_cast %add3A_410 : i32 to index
      %get3A_412 = arith.constant 112 : index
      %get3A_413 = tpu.vector_load %arg5[%get3A_411, %get3A_412] {strides = array<i32>} : memref<256x128xf32, #tpu.memory_space<vmem>>, vector<1x16xf32>,
      %get3A_414 = vector.shape_cast %get3A_413 : vector<1x16xf32> to vector<16xf32>
      %add3A_415 = arith.constant 3 : i32
      %add3A_416 = arith.addi %mul3A_216, %add3A_415 : i32
      %get3A_417 = arith.index_cast %add3A_416 : i32 to index
      %get3A_418 = arith.constant 112 : index
      %get3A_419 = tpu.vector_load %arg5[%get3A_417, %get3A_418] {strides = array<i32>} : memref<256x128xf32, #tpu.memory_space<vmem>>, vector<1x16xf32>,
      %get3A_420 = vector.shape_cast %get3A_419 : vector<1x16xf32> to vector<16xf32>
      %add3A_421 = arith.addf %get3A_414, %get3A_420 : vector<16xf32>
      %add3A_422 = arith.addf %add3A_408, %add3A_421 : vector<16xf32>
      %add3A_423 = arith.addf %scan3A_214, %add3A_422 : vector<16xf32>
      scf.yield %add3A_241, %add3A_267, %add3A_293, %add3A_319, %add3A_345, %add3A_371, %add3A_397, %add3A_423 : vector<16xf32>, vector<16xf32>, vector<16xf32>, vector<16xf32>, vector<16xf32>, vector<16xf32>, vector<16xf32>, vector<16xf32>
    }
    %scan3A_174 = arith.constant 64 : i32
    %swap3A = arith.constant 0 : index
    %swap3A_175 = tpu.vector_load %arg6[%swap3A] {strides = array<i32>} : memref<128xf32, #tpu.memory_space<vmem>>, vector<16xf32>,
    %swap3A_176 = vector.shape_cast %swap3A_175 : vector<16xf32> to vector<16xf32>
    %swap3A_177 = vector.shape_cast %scan3A_173#0 : vector<16xf32> to vector<16xf32>
    tpu.vector_store %arg6[%swap3A], %swap3A_177 {strides = array<i32>} : memref<128xf32, #tpu.memory_space<vmem>>, vector<16xf32>,
    %swap3A_178 = arith.constant 16 : index
    %swap3A_179 = tpu.vector_load %arg6[%swap3A_178] {strides = array<i32>} : memref<128xf32, #tpu.memory_space<vmem>>, vector<16xf32>,
    %swap3A_180 = vector.shape_cast %swap3A_179 : vector<16xf32> to vector<16xf32>
    %swap3A_181 = vector.shape_cast %scan3A_173#1 : vector<16xf32> to vector<16xf32>
    tpu.vector_store %arg6[%swap3A_178], %swap3A_181 {strides = array<i32>} : memref<128xf32, #tpu.memory_space<vmem>>, vector<16xf32>,
    %swap3A_182 = arith.constant 32 : index
    %swap3A_183 = tpu.vector_load %arg6[%swap3A_182] {strides = array<i32>} : memref<128xf32, #tpu.memory_space<vmem>>, vector<16xf32>,
    %swap3A_184 = vector.shape_cast %swap3A_183 : vector<16xf32> to vector<16xf32>
    %swap3A_185 = vector.shape_cast %scan3A_173#2 : vector<16xf32> to vector<16xf32>
    tpu.vector_store %arg6[%swap3A_182], %swap3A_185 {strides = array<i32>} : memref<128xf32, #tpu.memory_space<vmem>>, vector<16xf32>,
    %swap3A_186 = arith.constant 48 : index
    %swap3A_187 = tpu.vector_load %arg6[%swap3A_186] {strides = array<i32>} : memref<128xf32, #tpu.memory_space<vmem>>, vector<16xf32>,
    %swap3A_188 = vector.shape_cast %swap3A_187 : vector<16xf32> to vector<16xf32>
    %swap3A_189 = vector.shape_cast %scan3A_173#3 : vector<16xf32> to vector<16xf32>
    tpu.vector_store %arg6[%swap3A_186], %swap3A_189 {strides = array<i32>} : memref<128xf32, #tpu.memory_space<vmem>>, vector<16xf32>,
    %swap3A_190 = arith.constant 64 : index
    %swap3A_191 = tpu.vector_load %arg6[%swap3A_190] {strides = array<i32>} : memref<128xf32, #tpu.memory_space<vmem>>, vector<16xf32>,
    %swap3A_192 = vector.shape_cast %swap3A_191 : vector<16xf32> to vector<16xf32>
    %swap3A_193 = vector.shape_cast %scan3A_173#4 : vector<16xf32> to vector<16xf32>
    tpu.vector_store %arg6[%swap3A_190], %swap3A_193 {strides = array<i32>} : memref<128xf32, #tpu.memory_space<vmem>>, vector<16xf32>,
    %swap3A_194 = arith.constant 80 : index
    %swap3A_195 = tpu.vector_load %arg6[%swap3A_194] {strides = array<i32>} : memref<128xf32, #tpu.memory_space<vmem>>, vector<16xf32>,
    %swap3A_196 = vector.shape_cast %swap3A_195 : vector<16xf32> to vector<16xf32>
    %swap3A_197 = vector.shape_cast %scan3A_173#5 : vector<16xf32> to vector<16xf32>
    tpu.vector_store %arg6[%swap3A_194], %swap3A_197 {strides = array<i32>} : memref<128xf32, #tpu.memory_space<vmem>>, vector<16xf32>,
    %swap3A_198 = arith.constant 96 : index
    %swap3A_199 = tpu.vector_load %arg6[%swap3A_198] {strides = array<i32>} : memref<128xf32, #tpu.memory_space<vmem>>, vector<16xf32>,
    %swap3A_200 = vector.shape_cast %swap3A_199 : vector<16xf32> to vector<16xf32>
    %swap3A_201 = vector.shape_cast %scan3A_173#6 : vector<16xf32> to vector<16xf32>
    tpu.vector_store %arg6[%swap3A_198], %swap3A_201 {strides = array<i32>} : memref<128xf32, #tpu.memory_space<vmem>>, vector<16xf32>,
    %swap3A_202 = arith.constant 112 : index
    %swap3A_203 = tpu.vector_load %arg6[%swap3A_202] {strides = array<i32>} : memref<128xf32, #tpu.memory_space<vmem>>, vector<16xf32>,
    %swap3A_204 = vector.shape_cast %swap3A_203 : vector<16xf32> to vector<16xf32>
    %swap3A_205 = vector.shape_cast %scan3A_173#7 : vector<16xf32> to vector<16xf32>
    tpu.vector_store %arg6[%swap3A_202], %swap3A_205 {strides = array<i32>} : memref<128xf32, #tpu.memory_space<vmem>>, vector<16xf32>,
    "tpu.region"() ({
      %run_scoped3A = tpu.sem_alloc : memref<!tpu.dma_semaphore, #tpu.memory_space<semaphore_mem>>
      %dma_start3A_206 = arith.constant 0 : i32
      %dma_start3A_207 = tpu.memref_slice %arg3[%add3A, %dma_start3A_206] : memref<32x128xf32, #tpu.memory_space<hbm>> -> memref<1x128xf32, #tpu.memory_space<hbm>>
      %dma_start3A_208 = tpu.memref_squeeze %dma_start3A_207 : memref<1x128xf32, #tpu.memory_space<hbm>> -> memref<128xf32, #tpu.memory_space<hbm>>
      %dma_start3A_209 = arith.constant 0 : i32
      %dma_start3A_210 = tpu.memref_slice %arg3[%add3A, %dma_start3A_209] : memref<32x128xf32, #tpu.memory_space<hbm>> -> memref<1x128xf32, #tpu.memory_space<hbm>>
      %dma_start3A_211 = tpu.memref_squeeze %dma_start3A_210 : memref<1x128xf32, #tpu.memory_space<hbm>> -> memref<128xf32, #tpu.memory_space<hbm>>
      tpu.enqueue_dma source(%arg6 : memref<128xf32, #tpu.memory_space<vmem>>) target(%dma_start3A_211 : memref<128xf32, #tpu.memory_space<hbm>>) target_semaphore(%run_scoped3A : memref<!tpu.dma_semaphore, #tpu.memory_space<semaphore_mem>>)
      %dma_wait3A_212 = arith.constant 0 : i32
      %dma_wait3A_213 = tpu.memref_slice %arg3[%add3A, %dma_wait3A_212] : memref<32x128xf32, #tpu.memory_space<hbm>> -> memref<1x128xf32, #tpu.memory_space<hbm>>
      %dma_wait3A_214 = tpu.memref_squeeze %dma_wait3A_213 : memref<1x128xf32, #tpu.memory_space<hbm>> -> memref<128xf32, #tpu.memory_space<hbm>>
      %dma_wait3A_215 = arith.constant 0 : i32
      %dma_wait3A_216 = tpu.memref_slice %arg3[%add3A, %dma_wait3A_215] : memref<32x128xf32, #tpu.memory_space<hbm>> -> memref<1x128xf32, #tpu.memory_space<hbm>>
      %dma_wait3A_217 = tpu.memref_squeeze %dma_wait3A_216 : memref<1x128xf32, #tpu.memory_space<hbm>> -> memref<128xf32, #tpu.memory_space<hbm>>
      tpu.wait_dma2 semaphore(%run_scoped3A : memref<!tpu.dma_semaphore, #tpu.memory_space<semaphore_mem>>) src(%arg6 : memref<128xf32, #tpu.memory_space<vmem>>) dst(%dma_wait3A_217 : memref<128xf32, #tpu.memory_space<hbm>>)
      tpu.yield
    }) : () -> ()
    return
  }
}

module attributes {stable_mosaic.version = 14 : i64} {
  func.func @_tc_sum_kernel(%arg0: i32, %arg1: memref<29760x128xf32, #tpu.memory_space<vmem>>, %arg2: memref<1x128xf32, #tpu.memory_space<vmem>>) attributes {dimension_semantics = [#tpu.dimension_semantics<arbitrary>], iteration_bounds = array<i64: 8>, scalar_prefetch = 0 : i64, scratch_operands = 0 : i64, tpu.core_type = #tpu.core_type<tc>, window_params = [{transform_indices = @transform_0, window_bounds = array<i64: 29760, 128>}, {pipeline_mode = #tpu.pipeline_mode<synchronous>, transform_indices = @transform_1, window_bounds = array<i64: 1, 128>}]} {
    %eq3A = arith.constant 0 : i32
    %eq3A_0 = arith.cmpi eq, %arg0, %eq3A : i32
    %convert_element_type3A = arith.extui %eq3A_0 : i1 to i32
    %cond3A = arith.constant 0 : i32
    %cond3A_1 = arith.cmpi ne, %convert_element_type3A, %cond3A : i32
    scf.if %cond3A_1 {
      %broadcast_in_dim3A_10 = arith.constant 0.000000e+00 : f32
      %broadcast_in_dim3A_11 = vector.broadcast %broadcast_in_dim3A_10 : f32 to vector<1x128xf32>
      %swap3A_12 = arith.constant 0 : index
      %swap3A_13 = arith.constant 0 : index
      %swap3A_14 = vector.load %arg2[%swap3A_12, %swap3A_13] : memref<1x128xf32, #tpu.memory_space<vmem>>, vector<1x128xf32>
      tpu.vector_store %arg2[%swap3A_12, %swap3A_13], %broadcast_in_dim3A_11 {strides = array<i32>} : memref<1x128xf32, #tpu.memory_space<vmem>>, vector<1x128xf32>,
    } else {
    }
    %get3A = arith.constant 0 : index
    %get3A_2 = arith.constant 0 : index
    %get3A_3 = vector.load %arg2[%get3A, %get3A_2] : memref<1x128xf32, #tpu.memory_space<vmem>>, vector<1x128xf32>
    %get3A_4 = arith.constant 0 : index
    %get3A_5 = arith.constant 0 : index
    %get3A_6 = vector.load %arg1[%get3A_4, %get3A_5] : memref<29760x128xf32, #tpu.memory_space<vmem>>, vector<29760x128xf32>
    %reduce_sum3A = arith.constant dense<0.000000e+00> : vector<128xf32>
    %reduce_sum3A_7 = vector.multi_reduction <add>, %get3A_6, %reduce_sum3A [0] : vector<29760x128xf32> to vector<128xf32>
    %broadcast_in_dim3A = vector.shape_cast %reduce_sum3A_7 : vector<128xf32> to vector<1x128xf32>
    %add3A = arith.addf %get3A_3, %broadcast_in_dim3A : vector<1x128xf32>
    %swap3A = arith.constant 0 : index
    %swap3A_8 = arith.constant 0 : index
    %swap3A_9 = vector.load %arg2[%swap3A, %swap3A_8] : memref<1x128xf32, #tpu.memory_space<vmem>>, vector<1x128xf32>
    tpu.vector_store %arg2[%swap3A, %swap3A_8], %add3A {strides = array<i32>} : memref<1x128xf32, #tpu.memory_space<vmem>>, vector<1x128xf32>,
    return
  }
  func.func @transform_0(%arg0: i32) -> (i32, i32) {
    %c0_i32 = arith.constant 0 : i32
    %c0_i32_0 = arith.constant 0 : i32
    return %arg0, %c0_i32 : i32, i32
  }
  func.func @transform_1(%arg0: i32) -> (i32, i32) {
    %c0_i32 = arith.constant 0 : i32
    %c0_i32_0 = arith.constant 0 : i32
    %c0_i32_1 = arith.constant 0 : i32
    return %c0_i32, %c0_i32_0 : i32, i32
  }
}

</mosaic_0001>

<sc_bundles>
// kernel: kernel.4.cloned.1.call-start
scs
__scs_entry_jumppad:
0x0: {  	(pc) =	sbr.rel $0x88, $3  }
0x1: {  	(tag) =	ssettag $0x0;
	lr =	simm.s32 $0x1  }
0x2: {  	[smem:$0x3FA0] =	sst lr;
	_ =	strace $0xD0000000  }
0x3: {  	_ = 	snop  }
0x4: {  	_ = 	snop  }
0x5: {  	_ = 	snop  }
0x6: {  	_ = 	snop  }
0x7: {  	_ = 	snop  }
__scs_overlays_trampoline_lowered:
0x8: {  	[smem:$0x3FAF] =	sst s0  }
0x9: {  	[smem:$0x3FB0] =	sst s1  }
0xa: {  	[smem:$0x3FB1] =	sst s2  }
0xb: {  	[smem:$0x3FB2] =	sst s3  }
0xc: {  	[smem:$0x3FB3] =	sst s4  }
0xd: {  	[smem:$0x3FB4] =	sst s5  }
0xe: {  	[smem:$0x3FB5] =	sst s6  }
0xf: {  	[smem:$0x3FB6] =	sst s7  }
0x10: {  	[smem:$0x3FB7] =	sst s8  }
0x11: {  	[smem:$0x3FB8] =	sst s9;
	s0 =	simm.s32 @!p0 $0x0  }
0x12: {  	s1 =	sld [smem:$0x3F9E];
	s0 =	simm.s32 @p0 $0x1  }
0x13: {  	[smem:$0x3FB9] =	sst s0;
	s0 =	simm.s32 @!p1 $0x0  }
0x14: {  	s2 =	sld [smem:$0x3F9D];
	s0 =	simm.s32 @p1 $0x1  }
0x15: {  	[smem:$0x3FBA] =	sst s0;
	s0 =	simm.s32 @!p2 $0x0  }
0x16: {  	s3 =	sld [smem:$0x3FDB];
	s0 =	simm.s32 @p2 $0x1  }
0x17: {  	s4 =	simm.s32 $0x1BF5;
	[smem:$0x3FBC] =	sst s0  }
0x18: {  	s0 =	sld [smem:$0x3F9F];
	_ =	swait.ge [sflag:s4], $0x0  }
0x19: {  	s7 =	sld [smem:$0x3FA0]  }
0x1a: {  	s8 =	sadd.s32 $0xFFFFE003, lr  }
0x1b: {  	s9 =	sadd.s32 $0xFFFFFEF7, lr;
	s5 =	simm.s32 $0xFFFFFFFF;
	p2 =	slt.u32 s8, $0xFFFFF086  }
0x1c: {  	p1 =	slt.u32 s9, $0xF7A;
	s5 =	simm.s32 @!p2 $0x0  }
0x1d: {  	s5 =	simm.s32 @p1 $0x1;
	p0 =	seq.s32 s7, s2  }
0x1e: {  	s7 =	smul.u32 @!p0 $0xF7A, s2;
	p2 =	seq.s32 @!p0 s5, $0x0  }
0x1f: {  	s9 =	smul.u32 $0xF7A, s1;
	s8 =	simm.s32 @!p0 $0x1BF5;
	p2 =	por !p2, p0  }
0x20: {  	[sflag:s8] =	ssyncset.s32 @!p0 $0xFFFFF086;
	s6 =	sadd.s32 @!p0 s3, s7;
	s7 =	simm.s32 @!p0 $0x108  }
0x21: {  	s3 =	sadd.s32 s3, s9;
	s6 =	sadd.s32 @!p0 $0x88, s6;
	s7 =	simm.s32 @p2 $0x1082  }
0x22: {  	[simem:s7], [sflag:s8] =	dma.local @!p0 [hbm:s6], $0xF7A  }
0x23: {  	s9 =	sor.u32 $0xD0000000, s2;
	s6 =	simm.s32 $0x108;
	_ =	swait.ge @!p0 [sflag:s8], $0x0  }
0x24: {  	s3 =	sadd.s32 $0x88, s3;
	s6 =	simm.s32 @!p1 $0x1082;
	[sflag:s4] =	ssyncset.s32 $0xFFFFF086  }
0x25: {  	[simem:s6], [sflag:s4] =	dma.local [hbm:s3], $0xF7A  }
0x26: {  	[smem:$0x3FA0] =	sst s1;
	(tag) =	ssettag s2;
	_ =	strace s9  }
0x27: {  	s1 =	sld [smem:$0x3FB0]  }
0x28: {  	s2 =	sld [smem:$0x3FB1]  }
0x29: {  	s4 =	sld [smem:$0x3FB3]  }
0x2a: {  	p0 =	seq.s32 s5, $0x0;
	s5 =	sld [smem:$0x3FB4]  }
0x2b: {  	s6 =	sld [smem:$0x3FB5]  }
0x2c: {  	s7 =	sld [smem:$0x3FB6]  }
0x2d: {  	s3 =	simm.s32 $0x108;
	s8 =	sld [smem:$0x3FB7]  }
0x2e: {  	s3 =	simm.s32 @!p0 $0x1082;
	s9 =	sld [smem:$0x3FB8]  }
0x2f: {  	lr =	sadd.s32 s0, s3;
	s0 =	sld [smem:$0x3FAF]  }
0x30: {  	s3 =	sld [smem:$0x3FB2]  }
0x31: {  	[smem:$0x3FBB] =	sst s10  }
0x32: {  	s10 =	sld [smem:$0x3FB9];
	_ =	sdelay $0x3  }
0x33: {  	p0 =	seq.s32 s10, $0x1;
	s10 =	sld [smem:$0x3FBB];
	_ =	sdelay $0x3  }
0x34: {  	[smem:$0x3FBB] =	sst s10  }
0x35: {  	s10 =	sld [smem:$0x3FBA];
	_ =	sdelay $0x3  }
0x36: {  	p1 =	seq.s32 s10, $0x1;
	s10 =	sld [smem:$0x3FBB];
	_ =	sdelay $0x3  }
0x37: {  	[smem:$0x3FBB] =	sst s10  }
0x38: {  	s10 =	sld [smem:$0x3FBC]  }
0x39: {  	_ = 	snop;
	(pc) =	sbr.ind lr, $3  }
0x3a: {  	_ = 	snop  }
0x3b: {  	_ = 	snop  }
0x3c: {  	p2 =	seq.s32 s10, $0x1;
	s10 =	sld [smem:$0x3FBB]  }
0x3d: {  	_ =	shalt  }
0x3e: {  	_ =	shalt  }
0x3f: {  	_ =	shalt  }
0x40: {  	_ =	shalt  }
0x41: {  	_ =	shalt  }
0x42: {  	_ =	shalt  }
0x43: {  	_ =	shalt  }
0x44: {  	_ =	shalt  }
0x45: {  	_ =	shalt  }
0x46: {  	_ =	shalt  }
0x47: {  	_ =	shalt  }
0x48: {  	_ =	shalt  }
0x49: {  	_ =	shalt  }
0x4a: {  	_ =	shalt  }
0x4b: {  	_ =	shalt  }
0x4c: {  	_ =	shalt  }
0x4d: {  	_ =	shalt  }
0x4e: {  	_ =	shalt  }
0x4f: {  	_ =	shalt  }
0x50: {  	_ =	shalt  }
0x51: {  	_ =	shalt  }
0x52: {  	_ =	shalt  }
0x53: {  	_ =	shalt  }
0x54: {  	_ =	shalt  }
0x55: {  	_ =	shalt  }
0x56: {  	_ =	shalt  }
0x57: {  	_ =	shalt  }
0x58: {  	_ =	shalt  }
0x59: {  	_ =	shalt  }
0x5a: {  	_ =	shalt  }
0x5b: {  	_ =	shalt  }
0x5c: {  	_ =	shalt  }
0x5d: {  	_ =	shalt  }
0x5e: {  	_ =	shalt  }
0x5f: {  	_ =	shalt  }
0x60: {  	_ =	shalt  }
0x61: {  	_ =	shalt  }
0x62: {  	_ =	shalt  }
0x63: {  	_ =	shalt  }
0x64: {  	_ =	shalt  }
0x65: {  	_ =	shalt  }
0x66: {  	_ =	shalt  }
0x67: {  	_ =	shalt  }
0x68: {  	_ =	shalt  }
0x69: {  	_ =	shalt  }
0x6a: {  	_ =	shalt  }
0x6b: {  	_ =	shalt  }
0x6c: {  	_ =	shalt  }
0x6d: {  	_ =	shalt  }
0x6e: {  	_ =	shalt  }
0x6f: {  	_ =	shalt  }
0x70: {  	_ =	shalt  }
0x71: {  	_ =	shalt  }
0x72: {  	_ =	shalt  }
0x73: {  	_ =	shalt  }
0x74: {  	_ =	shalt  }
0x75: {  	_ =	shalt  }
0x76: {  	_ =	shalt  }
0x77: {  	_ =	shalt  }
0x78: {  	_ =	shalt  }
0x79: {  	_ =	shalt  }
0x7a: {  	_ =	shalt  }
0x7b: {  	_ =	shalt  }
0x7c: {  	_ =	shalt  }
0x7d: {  	_ =	shalt  }
0x7e: {  	_ =	shalt  }
0x7f: {  	_ =	shalt  }
0x80: {  	_ =	shalt  }
0x81: {  	_ =	shalt  }
0x82: {  	_ =	shalt  }
0x83: {  	_ =	shalt  }
0x84: {  	_ =	shalt  }
0x85: {  	_ =	shalt  }
0x86: {  	_ =	shalt  }
0x87: {  	_ =	shalt  }
.Lfunc_end0:
.L_simem_size_0:
called_computation_lowered:
.L_overlay_start_0:
0x88: {  	s2 =	sld [smem:$0x3FD9]  }
0x89: {  	s3 =	sld [smem:$0x3FFE];
	_ =	sdelay $0x1  }
0x8a: {  	s1 =	srdreg.scid  }
0x8b: {  	s0 =	sand.u32 $0x1, s1  }
0x8c: {  	s17 =	sshll.u32 s0, $0xA;
	s2 =	sadd.s32 s3, s2  }
0x8d: {  	s2 =	sadd.s32 s2, s17  }
0x8e: {  	[smem:$0x3FC7] =	sst s2  }
0x8f: {  	_ = 	snop  }
0x90: {  	s2 =	sld [smem:$0x3FC9];
	(tm) =	ssettm $0x1  }
0x91: {  	s18 =	sld [smem:$0x3FFB];
	_ =	sdelay $0x3  }
0x92: {  	_ =	strace s18  }
0x93: {  	s3 =	sld [smem:$0x3FFC];
	_ =	sdelay $0x3  }
0x94: {  	_ =	strace s3  }
0x95: {  	s3 =	sld [smem:$0x3FFD];
	_ =	sdelay $0x3  }
0x96: {  	_ =	strace s3  }
0x97: {  	_ =	strace $0x8FFFFFFF  }
0x98: {  	s19 =	sld [smem:$0x3FDB];
	_ =	sdelay $0x1  }
0x99: {  	s4 =	simm.s32 $_scs_section_size  }
0x9a: {  	s5 =	simm.s32 $_size__tile_overlayer_lowered;
	s6 =	simm.s32 $_tile_overlayer_lowered  }
0x9b: {  	s22 =	simm.s32 $0x1BFF;
	s21 =	sshll.u32 s6, $0x1;
	s3 =	sadd.s32 s4, s19  }
0x9c: {  	s7 =	simm.s32 $0x0;
	s20 =	sshll.u32 s5, $0x1;
	s5 =	sadd.s32 s21, s3  }
0x9d: {  	[timem:s7], [sflag:s22] =	dma.local [hbm:s5], s20  }
0x9e: {  	_ =	swait.ge [sflag:s22], s20  }
0x9f: {  	s4 =	ssub.s32 $0x0, s20;
	[sflag:s22] =	ssyncset.done $0x0  }
0xa0: {  	[sflag:s22] =	ssyncadd.s32 s4;
	_ =	sdelay $0x1  }
0xa1: {  	s23 =	simm.s32 $0x1B8B  }
0xa2: {  	_ =	swait.ge [sflag:s23], $0x1  }
0xa3: {  	[sflag:s23] =	ssyncset.done $0x0  }
0xa4: {  	s25 =	simm.s32 $0x1B8E;
	s24 =	sld [smem:$0x3FFE];
	[sflag:s23] =	ssyncadd.s32 $0xFFFFFFFF  }
0xa5: {  	s26 =	simm.s32 $execute0_lowered;
	[smem:$0x3FD2] =	sst s25  }
0xa6: {  	s5 =	sshll.u32 s26, $0x1;
	_ =	strace $0x80000046;
	[dreg:$0x1] =	wrdreg $0xFFFFFFFF  }
0xa7: {  	s28 =	simm.s32 $_size_execute0_lowered;
	s3 =	sadd.s32 s3, s5;
	[dreg:$0x0] =	wrdreg $0x0  }
0xa8: {  	s5 =	sshll.u32 s28, $0x1;
	[dreg:$0x2] =	wrdreg s3  }
0xa9: {  	[dreg:$0x3] =	wrdreg s5  }
0xaa: {  	[dreg:$0x4] =	wrdreg $0xC0  }
0xab: {  	_ =	task [dreg:s7], $0x5FFFF  }
0xac: {  	[dreg:$0x1] =	wrdreg $0xFFFFFFFF  }
0xad: {  	[dreg:$0x0] =	wrdreg $0x60  }
0xae: {  	[dreg:$0x2] =	wrdreg s2  }
0xaf: {  	[dreg:$0x3] =	wrdreg s24  }
0xb0: {  	[dreg:$0x4] =	wrdreg $0x9  }
0xb1: {  	_ =	task.clear_ibuf [dreg:s7], $0x5FFFF;
	_ =	strace $0x90000046  }
0xb2: {  	s29 =	simm.s32 $0x9;
	_ =	strace $0x80000048  }
0xb3: {  	_ =	swait.ge [sflag:s29], $0x1  }
0xb4: {  	[sflag:s29] =	ssyncadd.s32 $0xFFFFFFFF  }
0xb5: {  	_ =	strace $0x90000048  }
0xb6: {  	_ =	sfence  }
0xb7: {  	s30 =	sld [smem:$0x0];
	_ =	sdelay $0x2  }
0xb8: {  	s31 =	sshll.u32 s1, $0xD;
	s1 =	sshrl.u32 s1, $0x2  }
0xb9: {  	s3 =	sand.u32 $0x4000, s31;
	s1 =	sadd.s32 s1, s30  }
0xba: {  	s0 =	sor.u32 s3, s0;
	s1 =	sshll.u32 s1, $0x11  }
0xbb: {  	s0 =	sor.u32 s1, s0  }
0xbc: {  	s0 =	sadd.s32 $0x8F2B, s0  }
0xbd: {  	[sflag:s0] =	ssyncadd.remote.s32 $0x1  }
0xbe: {  	_ =	sfence.sel $0xFFFF  }
0xbf: {  	[dreg:$0x0] =	wrdreg $0xFFFFFFFF;
	(pc) =	sbr.abs _section_cstart, $3  }
0xc0: {  	[dreg:$0x1] =	wrdreg $0xFFFFFFFF  }
0xc1: {  	_ =	task.clear_ibuf [dreg:s7], $0x2FFFF;
	_ =	strace $0x9FFFFFFF  }
0xc2: {  	(tm) =	ssettm $0x7FFFFFFF  }
0xc3: {  	_ =	shalt  }
tec
execute0_lowered:
.L_overlay_start_1:
0x0: {  	(tag) =	ssettag $0x1  }
0x1: {  	s1 =	srdreg.scid  }
0x2: {  	s0 =	stileid.u32;
	s4 =	rddreg [dreg:$0x0]  }
0x3: {  	s13 =	rddreg [dreg:$0x1];
	s2 =	simm.s32 $0x0;
	s17 =	simm.s32 $0x2  }
0x4: {  	s18 =	simm.s32 $0x10000;
	s3 =	sand.u32 $0x1, s1;
	s31 =	sshll.u32 s0, $0x1  }
0x5: {  	s19 =	simm.s32 $0x3;
	s20 =	simm.s32 $0x0;
	s12 =	sor.u32 s3, s31  }
0x6: {  	[smem:$0x7FF] =	sst s2;
	s3 =	ssub.s32 $0x2, s3;
	s5 =	smul.u32 $0x50000, s12  }
0x7: {  	s1 =	rddreg [dreg:$0x2];
	_ =	strace $0x80000047;
	s6 =	sshrl.u32 s3, $0x1  }
0x8: {  	s16 =	sshll.u32 s12, $0x4;
	s15 =	ssub.s32 s3, s6;
	s5 =	sshrl.u32 s5, $0x3  }
0x9: {  	s13 =	sadd.s32 s13, s16;
	s16 =	simm.s32 $0x1;
	s14 =	sadd.s32 s4, s5  }
0xa: {  	s3 =	sadd.s32 $0x3A2000, s14;
	s4 =	sadd.s32 $0x3A3000, s14;
	s5 =	sadd.s32 $0x3A4000, s14  }
0xb: {  	s6 =	sadd.s32 $0x3A5000, s14;
	s7 =	sadd.s32 $0x3A6000, s14;
	s8 =	sadd.s32 $0x3A7000, s14  }
0xc: {  	s9 =	sadd.s32 $0x3A8000, s14;
	s10 =	sadd.s32 $0x3A9000, s14;
	s11 =	sadd.s32 $0x3AA000, s14  }
0xd: {  	s12 =	sadd.s32 $0x3AB000, s14;
	s14 =	smax.u32 s15, $0x1;
	s15 =	simm.s32 $0x8000  }
.LBB2_1:
0xe: {  	[tilespmem:s2], [sflag:$0x1] =	stream.linear.gather [hbm4b:s3+s2], $0x8000, $0x38;
	[tilespmem:$0x10080] =	vst v63  }
0xf: {  	_ = 	snop  }
0x10: {  	[tilespmem:s15], [sflag:$0x2] =	stream.linear.gather [hbm4b:s4+s2], $0x8000, $0x38;
	[tilespmem:$0x10080] =	vst v63  }
0x11: {  	_ =	swait.ge [sflag:s16], $0x8000  }
0x12: {  	[sflag:s16] =	ssyncset.done $0x0  }
0x13: {  	s22 =	simm.s32 $0x0;
	[sflag:s16] =	ssyncadd.s32 $0xFFFF8000  }
0x14: {  	v0 =	vld [tilespmem:s22+$0x70]  }
0x15: {  	v1 =	vld [tilespmem:s22+$0xF0]  }
0x16: {  	v2 =	vld [tilespmem:s22+$0x170]  }
0x17: {  	v3 =	vld [tilespmem:s22+$0x1F0]  }
0x18: {  	v4 =	vld [tilespmem:s22+$0x0]  }
0x19: {  	v5 =	vld [tilespmem:s22+$0x80]  }
0x1a: {  	v6 =	vld [tilespmem:s22+$0x100]  }
0x1b: {  	v7 =	vld [tilespmem:s22+$0x180]  }
0x1c: {  	v8 =	vld [tilespmem:s22+$0x10]  }
0x1d: {  	v9 =	vld [tilespmem:s22+$0x90]  }
0x1e: {  	v10 =	vld [tilespmem:s22+$0x110]  }
0x1f: {  	v11 =	vld [tilespmem:s22+$0x190]  }
0x20: {  	v12 =	vld [tilespmem:s22+$0x20]  }
0x21: {  	v13 =	vld [tilespmem:s22+$0xA0]  }
0x22: {  	v14 =	vld [tilespmem:s22+$0x120]  }
0x23: {  	v15 =	vld [tilespmem:s22+$0x1A0]  }
0x24: {  	v16 =	vld [tilespmem:s22+$0x30]  }
0x25: {  	v17 =	vld [tilespmem:s22+$0xB0]  }
0x26: {  	v18 =	vld [tilespmem:s22+$0x130]  }
0x27: {  	v19 =	vld [tilespmem:s22+$0x1B0]  }
0x28: {  	v20 =	vld [tilespmem:s22+$0x40]  }
0x29: {  	v63 =	vld [tilespmem:s22+$0xE0]  }
0x2a: {  	v0 =	vadd.f32 v1, v0;
	v1 =	vadd.f32 v3, v2;
	v2 =	vld [tilespmem:s22+$0xC0]  }
0x2b: {  	v3 =	vadd.f32 v5, v4;
	v4 =	vadd.f32 v7, v6;
	v7 =	vld [tilespmem:s22+$0x140]  }
0x2c: {  	v5 =	vadd.f32 v9, v8;
	v6 =	vadd.f32 v11, v10;
	v8 =	vld [tilespmem:s22+$0x1C0]  }
0x2d: {  	v9 =	vadd.f32 v13, v12;
	v10 =	vadd.f32 v15, v14;
	v11 =	vld [tilespmem:s22+$0x50]  }
0x2e: {  	v13 =	vld [tilespmem:s22+$0xD0];
	v0 =	vadd.f32 v1, v0;
	v1 =	vadd.f32 v4, v3  }
0x2f: {  	v14 =	vld [tilespmem:s22+$0x1D0];
	v3 =	vadd.f32 v6, v5;
	v6 =	vimm.f32 $0.0e+00;
	v9 =	vadd.f32 v10, v9  }
0x30: {  	v10 =	vld [tilespmem:s22+$0x150];
	v4 =	vadd.f32 v0, v6;
	v0 =	vadd.f32 v17, v16  }
0x31: {  	v15 =	vld [tilespmem:s22+$0x60];
	v5 =	vadd.f32 v1, v6;
	v1 =	vadd.f32 v19, v18  }
0x32: {  	v12 =	vadd.f32 v2, v20;
	v7 =	vadd.f32 v8, v7  }
0x33: {  	v2 =	vadd.f32 v3, v6;
	v3 =	vadd.f32 v9, v6;
	v9 =	vld [tilespmem:s22+$0x160]  }
0x34: {  	s21 =	simm.s32 $0x200;
	v0 =	vadd.f32 v1, v0;
	v1 =	vadd.f32 v7, v12;
	v12 =	vld [tilespmem:s22+$0x1E0]  }
0x35: {  	v8 =	vld [tilespmem:s21+$0x70];
	v7 =	vadd.f32 v13, v11;
	v13 =	vadd.f32 v14, v10  }
0x36: {  	v10 =	vld [tilespmem:s21+$0xF0];
	v14 =	vadd.f32 v63, v15;
	v0 =	vadd.f32 v0, v6  }
0x37: {  	v11 =	vld [tilespmem:s21+$0x170];
	s22 =	simm.s32 $0x1000;
	v1 =	vadd.f32 v1, v6;
	v13 =	vadd.f32 v13, v7;
	v7 =	vimm.f32 $0.0e+00  }
.LBB2_2:
0x38: {  	p0 =	sne.s32 s22, $0x1F800;
	v15 =	vld [tilespmem:s21+$0x1F0]  }
0x39: {  	v16 =	vld [tilespmem:s21+$0x0];
	v6 =	vadd.f32 v13, v6;
	v9 =	vadd.f32 v12, v9  }
0x3a: {  	v12 =	vld [tilespmem:s21+$0x80]  }
0x3b: {  	v13 =	vld [tilespmem:s21+$0x100];
	v9 =	vadd.f32 v9, v14  }
0x3c: {  	v14 =	vld [tilespmem:s21+$0x180]  }
0x3d: {  	v8 =	vadd.f32 v10, v8;
	v17 =	vld [tilespmem:s21+$0x10];
	v10 =	vadd.f32 v15, v11  }
0x3e: {  	v7 =	vadd.f32 v9, v7;
	v11 =	vld [tilespmem:s21+$0x90]  }
0x3f: {  	v9 =	vadd.f32 v12, v16;
	v12 =	vld [tilespmem:s21+$0x110];
	v8 =	vadd.f32 v10, v8  }
0x40: {  	v10 =	vld [tilespmem:s21+$0x190]  }
0x41: {  	v13 =	vadd.f32 v14, v13;
	v14 =	vld [tilespmem:s21+$0x20];
	v4 =	vadd.f32 v8, v4  }
0x42: {  	v8 =	vld [tilespmem:s21+$0xA0]  }
0x43: {  	v9 =	vadd.f32 v13, v9;
	v11 =	vadd.f32 v11, v17;
	v13 =	vld [tilespmem:s21+$0x120]  }
0x44: {  	v15 =	vld [tilespmem:s21+$0x1A0]  }
0x45: {  	v5 =	vadd.f32 v9, v5;
	v9 =	vadd.f32 v10, v12;
	v10 =	vld [tilespmem:s21+$0x30]  }
0x46: {  	v12 =	vld [tilespmem:s21+$0xB0]  }
0x47: {  	v9 =	vadd.f32 v9, v11;
	v8 =	vadd.f32 v8, v14;
	v11 =	vld [tilespmem:s21+$0x130]  }
0x48: {  	v14 =	vld [tilespmem:s21+$0x1B0]  }
0x49: {  	v2 =	vadd.f32 v9, v2;
	v9 =	vadd.f32 v15, v13;
	v13 =	vld [tilespmem:s21+$0x40]  }
0x4a: {  	v15 =	vld [tilespmem:s21+$0xC0]  }
0x4b: {  	v8 =	vadd.f32 v9, v8;
	v9 =	vadd.f32 v12, v10;
	v10 =	vld [tilespmem:s21+$0x140]  }
0x4c: {  	v12 =	vld [tilespmem:s21+$0x1C0]  }
0x4d: {  	v3 =	vadd.f32 v8, v3;
	v8 =	vadd.f32 v14, v11;
	v11 =	vld [tilespmem:s21+$0x50]  }
0x4e: {  	v14 =	vld [tilespmem:s21+$0xD0]  }
0x4f: {  	v8 =	vadd.f32 v8, v9;
	v9 =	vadd.f32 v15, v13;
	v13 =	vld [tilespmem:s21+$0x150]  }
0x50: {  	v15 =	vld [tilespmem:s21+$0x1D0]  }
0x51: {  	v0 =	vadd.f32 v8, v0;
	v8 =	vadd.f32 v12, v10;
	v16 =	vld [tilespmem:s21+$0x60]  }
0x52: {  	v17 =	vld [tilespmem:s21+$0xE0]  }
.Ltmp0:
0x53: {  	v10 =	vadd.f32 v8, v9;
	v14 =	vadd.f32 v14, v11;
	v9 =	vld [tilespmem:s21+$0x160];
	(pc) =	sbr.rel @p0 .LBB2_2-.Ltmp0, $4  }
0x54: {  	v12 =	vld [tilespmem:s21+$0x1E0];
	s21 =	sshra.s32 s22, $0x2  }
0x55: {  	v8 =	vld [tilespmem:s21+$0x70];
	v1 =	vadd.f32 v10, v1;
	v13 =	vadd.f32 v15, v13  }
0x56: {  	v10 =	vld [tilespmem:s21+$0xF0]  }
0x57: {  	s22 =	sadd.s32 $0x800, s22;
	v11 =	vld [tilespmem:s21+$0x170];
	v13 =	vadd.f32 v13, v14;
	v14 =	vadd.f32 v17, v16  }
0x58: {  	v15 =	vld [tilespmem:s21+$0x1F0]  }
0x59: {  	v16 =	vld [tilespmem:s21+$0x0]  }
0x5a: {  	v17 =	vld [tilespmem:s21+$0x80]  }
0x5b: {  	v18 =	vld [tilespmem:s21+$0x100]  }
0x5c: {  	v19 =	vld [tilespmem:s21+$0x180]  }
0x5d: {  	v20 =	vld [tilespmem:s21+$0x10]  }
0x5e: {  	v21 =	vld [tilespmem:s21+$0x90]  }
0x5f: {  	v22 =	vld [tilespmem:s21+$0x110]  }
0x60: {  	v23 =	vld [tilespmem:s21+$0x190]  }
0x61: {  	v24 =	vld [tilespmem:s21+$0x20]  }
0x62: {  	v25 =	vld [tilespmem:s21+$0xA0]  }
0x63: {  	v26 =	vld [tilespmem:s21+$0x120]  }
0x64: {  	v27 =	vld [tilespmem:s21+$0x1A0]  }
0x65: {  	v28 =	vld [tilespmem:s21+$0x30]  }
0x66: {  	v29 =	vld [tilespmem:s21+$0xB0]  }
0x67: {  	v30 =	vld [tilespmem:s21+$0x130]  }
0x68: {  	v31 =	vld [tilespmem:s21+$0x1B0]  }
0x69: {  	v32 =	vld [tilespmem:s21+$0x40]  }
0x6a: {  	v33 =	vld [tilespmem:s21+$0xC0]  }
0x6b: {  	v34 =	vld [tilespmem:s21+$0x140]  }
0x6c: {  	v35 =	vld [tilespmem:s21+$0x1C0]  }
0x6d: {  	v36 =	vld [tilespmem:s21+$0x50]  }
0x6e: {  	v37 =	vld [tilespmem:s21+$0xD0]  }
0x6f: {  	v38 =	vld [tilespmem:s21+$0x150]  }
0x70: {  	v39 =	vld [tilespmem:s21+$0x1D0]  }
0x71: {  	v40 =	vld [tilespmem:s21+$0x60]  }
0x72: {  	v41 =	vld [tilespmem:s21+$0xE0]  }
0x73: {  	v42 =	vld [tilespmem:s21+$0x160];
	s31 =	simm.s32 $0x0  }
0x74: {  	v43 =	vld [tilespmem:s21+$0x1E0];
	[tilespmem:s31], [sflag:$0x1] =	stream.linear.gather [hbm4b:s5+s31], $0x8000, $0x38  }
0x75: {  	_ =	swait.ge [sflag:s17], $0x8000  }
0x76: {  	[sflag:s17] =	ssyncset.done $0x0  }
0x77: {  	s22 =	simm.s32 $0x0;
	[sflag:s17] =	ssyncadd.s32 $0xFFFF8000  }
0x78: {  	v44 =	vld [tilespmem:s22+$0x8070]  }
0x79: {  	v9 =	vadd.f32 v12, v9;
	v12 =	vld [tilespmem:s22+$0x80F0]  }
0x7a: {  	v45 =	vld [tilespmem:s22+$0x8170]  }
0x7b: {  	v9 =	vadd.f32 v9, v14;
	v14 =	vld [tilespmem:s22+$0x81F0]  }
0x7c: {  	v8 =	vadd.f32 v10, v8;
	v10 =	vadd.f32 v15, v11;
	v11 =	vld [tilespmem:s22+$0x8000]  }
0x7d: {  	v6 =	vadd.f32 v13, v6;
	v15 =	vadd.f32 v17, v16;
	v17 =	vld [tilespmem:s22+$0x8080]  }
0x7e: {  	v54 =	vadd.f32 v19, v18;
	v7 =	vadd.f32 v9, v7;
	v9 =	vld [tilespmem:s22+$0x8100]  }
0x7f: {  	v13 =	vld [tilespmem:s22+$0x8180];
	v55 =	vadd.f32 v23, v22;
	v57 =	vadd.f32 v25, v24  }
0x80: {  	v56 =	vld [tilespmem:s22+$0x8010];
	v58 =	vadd.f32 v27, v26;
	v61 =	vadd.f32 v29, v28  }
0x81: {  	v59 =	vld [tilespmem:s22+$0x8090];
	v62 =	vadd.f32 v31, v30;
	v32 =	vadd.f32 v33, v32  }
0x82: {  	v60 =	vld [tilespmem:s22+$0x8190];
	v33 =	vadd.f32 v35, v34;
	v47 =	vadd.f32 v37, v36  }
0x83: {  	v63 =	vld [tilespmem:s22+$0x8020];
	v48 =	vadd.f32 v39, v38;
	v50 =	vadd.f32 v41, v40  }
0x84: {  	v35 =	vld [tilespmem:s22+$0x8120];
	v8 =	vadd.f32 v10, v8;
	v10 =	vadd.f32 v54, v15  }
0x85: {  	v46 =	vld [tilespmem:s22+$0x81A0];
	v51 =	vadd.f32 v43, v42;
	v15 =	vadd.f32 v21, v20  }
0x86: {  	v34 =	vld [tilespmem:s22+$0x80A0];
	v4 =	vadd.f32 v8, v4;
	v5 =	vadd.f32 v10, v5  }
0x87: {  	v53 =	vld [tilespmem:s22+$0x8130];
	v10 =	vadd.f32 v55, v15;
	v15 =	vadd.f32 v58, v57  }
0x88: {  	v54 =	vld [tilespmem:s22+$0x81B0];
	v12 =	vadd.f32 v12, v44;
	v14 =	vadd.f32 v14, v45  }
0x89: {  	v49 =	vld [tilespmem:s22+$0x8030];
	v11 =	vadd.f32 v17, v11;
	v9 =	vadd.f32 v13, v9  }
0x8a: {  	v8 =	vld [tilespmem:s22+$0x8110];
	v57 =	vadd.f32 v46, v35;
	v10 =	vadd.f32 v10, v2  }
0x8b: {  	v52 =	vld [tilespmem:s22+$0x80B0];
	v15 =	vadd.f32 v15, v3;
	v2 =	vadd.f32 v62, v61  }
0x8c: {  	v55 =	vld [tilespmem:s22+$0x8040];
	v3 =	vadd.f32 v33, v32;
	v9 =	vadd.f32 v9, v11  }
0x8d: {  	v58 =	vld [tilespmem:s22+$0x80D0];
	v61 =	vadd.f32 v54, v53;
	v0 =	vadd.f32 v2, v0  }
0x8e: {  	v13 =	vld [tilespmem:s22+$0x80C0];
	v1 =	vadd.f32 v3, v1;
	v2 =	vadd.f32 v48, v47  }
0x8f: {  	v11 =	vld [tilespmem:s22+$0x81C0];
	v3 =	vadd.f32 v51, v50;
	v8 =	vadd.f32 v60, v8  }
0x90: {  	v5 =	vadd.f32 v9, v5;
	v2 =	vadd.f32 v2, v6;
	v6 =	vld [tilespmem:s22+$0x8140]  }
0x91: {  	v60 =	vld [tilespmem:s22+$0x81D0];
	v3 =	vadd.f32 v3, v7;
	v7 =	vadd.f32 v14, v12  }
0x92: {  	v12 =	vadd.f32 v59, v56;
	v14 =	vld [tilespmem:s22+$0x8050];
	v56 =	vadd.f32 v34, v63  }
0x93: {  	v59 =	vld [tilespmem:s22+$0x8150];
	v13 =	vadd.f32 v13, v55;
	v4 =	vadd.f32 v7, v4  }
0x94: {  	v62 =	vld [tilespmem:s22+$0x8060];
	v7 =	vadd.f32 v8, v12;
	v8 =	vadd.f32 v57, v56  }
0x95: {  	v63 =	vld [tilespmem:s22+$0x80E0];
	v12 =	vadd.f32 v52, v49;
	v11 =	vadd.f32 v11, v6  }
0x96: {  	v9 =	vld [tilespmem:s22+$0x8160];
	v6 =	vadd.f32 v7, v10;
	v7 =	vadd.f32 v8, v15  }
0x97: {  	s21 =	simm.s32 $0x200;
	v10 =	vadd.f32 v61, v12;
	v12 =	vld [tilespmem:s22+$0x81E0];
	v11 =	vadd.f32 v11, v13  }
0x98: {  	v8 =	vld [tilespmem:s21+$0x8070];
	v13 =	vadd.f32 v58, v14;
	v14 =	vadd.f32 v60, v59  }
0x99: {  	v0 =	vadd.f32 v10, v0;
	v10 =	vld [tilespmem:s21+$0x80F0];
	v1 =	vadd.f32 v11, v1  }
0x9a: {  	s22 =	simm.s32 $0x1000;
	v11 =	vld [tilespmem:s21+$0x8170];
	v13 =	vadd.f32 v14, v13;
	v14 =	vadd.f32 v63, v62  }
.LBB2_4:
0x9b: {  	p0 =	sne.s32 s22, $0x1F800;
	v15 =	vld [tilespmem:s21+$0x81F0]  }
0x9c: {  	v16 =	vld [tilespmem:s21+$0x8000];
	v2 =	vadd.f32 v13, v2;
	v9 =	vadd.f32 v12, v9  }
0x9d: {  	v12 =	vld [tilespmem:s21+$0x8080]  }
0x9e: {  	v13 =	vld [tilespmem:s21+$0x8100];
	v9 =	vadd.f32 v9, v14  }
0x9f: {  	v14 =	vld [tilespmem:s21+$0x8180]  }
0xa0: {  	v8 =	vadd.f32 v10, v8;
	v17 =	vld [tilespmem:s21+$0x8010];
	v10 =	vadd.f32 v15, v11  }
0xa1: {  	v3 =	vadd.f32 v9, v3;
	v11 =	vld [tilespmem:s21+$0x8090]  }
0xa2: {  	v9 =	vadd.f32 v12, v16;
	v12 =	vld [tilespmem:s21+$0x8110];
	v8 =	vadd.f32 v10, v8  }
0xa3: {  	v10 =	vld [tilespmem:s21+$0x8190]  }
0xa4: {  	v13 =	vadd.f32 v14, v13;
	v14 =	vld [tilespmem:s21+$0x8020];
	v4 =	vadd.f32 v8, v4  }
0xa5: {  	v8 =	vld [tilespmem:s21+$0x80A0]  }
0xa6: {  	v9 =	vadd.f32 v13, v9;
	v11 =	vadd.f32 v11, v17;
	v13 =	vld [tilespmem:s21+$0x8120]  }
0xa7: {  	v15 =	vld [tilespmem:s21+$0x81A0]  }
0xa8: {  	v5 =	vadd.f32 v9, v5;
	v9 =	vadd.f32 v10, v12;
	v10 =	vld [tilespmem:s21+$0x8030]  }
0xa9: {  	v12 =	vld [tilespmem:s21+$0x80B0]  }
0xaa: {  	v9 =	vadd.f32 v9, v11;
	v8 =	vadd.f32 v8, v14;
	v11 =	vld [tilespmem:s21+$0x8130]  }
0xab: {  	v14 =	vld [tilespmem:s21+$0x81B0]  }
0xac: {  	v6 =	vadd.f32 v9, v6;
	v9 =	vadd.f32 v15, v13;
	v13 =	vld [tilespmem:s21+$0x8040]  }
0xad: {  	v15 =	vld [tilespmem:s21+$0x80C0]  }
0xae: {  	v8 =	vadd.f32 v9, v8;
	v9 =	vadd.f32 v12, v10;
	v10 =	vld [tilespmem:s21+$0x8140]  }
0xaf: {  	v12 =	vld [tilespmem:s21+$0x81C0]  }
0xb0: {  	v7 =	vadd.f32 v8, v7;
	v8 =	vadd.f32 v14, v11;
	v11 =	vld [tilespmem:s21+$0x8050]  }
0xb1: {  	v14 =	vld [tilespmem:s21+$0x80D0]  }
0xb2: {  	v8 =	vadd.f32 v8, v9;
	v9 =	vadd.f32 v15, v13;
	v13 =	vld [tilespmem:s21+$0x8150]  }
0xb3: {  	v15 =	vld [tilespmem:s21+$0x81D0]  }
0xb4: {  	v0 =	vadd.f32 v8, v0;
	v8 =	vadd.f32 v12, v10;
	v16 =	vld [tilespmem:s21+$0x8060]  }
0xb5: {  	v17 =	vld [tilespmem:s21+$0x80E0]  }
.Ltmp1:
0xb6: {  	v10 =	vadd.f32 v8, v9;
	v14 =	vadd.f32 v14, v11;
	v9 =	vld [tilespmem:s21+$0x8160];
	(pc) =	sbr.rel @p0 .LBB2_4-.Ltmp1, $4  }
0xb7: {  	v12 =	vld [tilespmem:s21+$0x81E0];
	s21 =	sshra.s32 s22, $0x2  }
0xb8: {  	v8 =	vld [tilespmem:s21+$0x8070];
	v1 =	vadd.f32 v10, v1;
	v13 =	vadd.f32 v15, v13  }
0xb9: {  	v10 =	vld [tilespmem:s21+$0x80F0]  }
0xba: {  	s22 =	sadd.s32 $0x800, s22;
	v11 =	vld [tilespmem:s21+$0x8170];
	v13 =	vadd.f32 v13, v14;
	v14 =	vadd.f32 v17, v16  }
0xbb: {  	v15 =	vld [tilespmem:s21+$0x81F0]  }
0xbc: {  	v16 =	vld [tilespmem:s21+$0x8000]  }
0xbd: {  	v17 =	vld [tilespmem:s21+$0x8080]  }
0xbe: {  	v18 =	vld [tilespmem:s21+$0x8100]  }
0xbf: {  	v19 =	vld [tilespmem:s21+$0x8180]  }
0xc0: {  	v20 =	vld [tilespmem:s21+$0x8010]  }
0xc1: {  	v21 =	vld [tilespmem:s21+$0x8090]  }
0xc2: {  	v22 =	vld [tilespmem:s21+$0x8110]  }
0xc3: {  	v23 =	vld [tilespmem:s21+$0x8190]  }
0xc4: {  	v24 =	vld [tilespmem:s21+$0x8020]  }
0xc5: {  	v25 =	vld [tilespmem:s21+$0x80A0]  }
0xc6: {  	v26 =	vld [tilespmem:s21+$0x8120]  }
0xc7: {  	v27 =	vld [tilespmem:s21+$0x81A0]  }
0xc8: {  	v28 =	vld [tilespmem:s21+$0x8030]  }
0xc9: {  	v29 =	vld [tilespmem:s21+$0x80B0]  }
0xca: {  	v30 =	vld [tilespmem:s21+$0x8130]  }
0xcb: {  	v31 =	vld [tilespmem:s21+$0x81B0]  }
0xcc: {  	v32 =	vld [tilespmem:s21+$0x8040]  }
0xcd: {  	v33 =	vld [tilespmem:s21+$0x80C0]  }
0xce: {  	v34 =	vld [tilespmem:s21+$0x8140]  }
0xcf: {  	v35 =	vld [tilespmem:s21+$0x81C0]  }
0xd0: {  	v36 =	vld [tilespmem:s21+$0x8050]  }
0xd1: {  	v37 =	vld [tilespmem:s21+$0x80D0]  }
0xd2: {  	v38 =	vld [tilespmem:s21+$0x8150]  }
0xd3: {  	v39 =	vld [tilespmem:s21+$0x81D0]  }
0xd4: {  	v40 =	vld [tilespmem:s21+$0x8060]  }
0xd5: {  	v41 =	vld [tilespmem:s21+$0x80E0]  }
0xd6: {  	v42 =	vld [tilespmem:s21+$0x8160];
	s31 =	simm.s32 $0x0  }
0xd7: {  	v43 =	vld [tilespmem:s21+$0x81E0];
	[tilespmem:s15], [sflag:$0x2] =	stream.linear.gather [hbm4b:s6+s31], $0x8000, $0x38  }
0xd8: {  	_ =	swait.ge [sflag:s16], $0x8000  }
0xd9: {  	[sflag:s16] =	ssyncset.done $0x0  }
0xda: {  	s22 =	simm.s32 $0x0;
	[sflag:s16] =	ssyncadd.s32 $0xFFFF8000  }
0xdb: {  	v44 =	vld [tilespmem:s22+$0x70]  }
0xdc: {  	v9 =	vadd.f32 v12, v9;
	v12 =	vld [tilespmem:s22+$0xF0]  }
0xdd: {  	v45 =	vld [tilespmem:s22+$0x170]  }
0xde: {  	v9 =	vadd.f32 v9, v14;
	v14 =	vld [tilespmem:s22+$0x1F0]  }
0xdf: {  	v8 =	vadd.f32 v10, v8;
	v10 =	vadd.f32 v15, v11;
	v11 =	vld [tilespmem:s22+$0x0]  }
0xe0: {  	v2 =	vadd.f32 v13, v2;
	v15 =	vadd.f32 v17, v16;
	v17 =	vld [tilespmem:s22+$0x80]  }
0xe1: {  	v55 =	vadd.f32 v19, v18;
	v3 =	vadd.f32 v9, v3;
	v9 =	vld [tilespmem:s22+$0x100]  }
0xe2: {  	v13 =	vld [tilespmem:s22+$0x180];
	v56 =	vadd.f32 v23, v22;
	v57 =	vadd.f32 v25, v24  }
0xe3: {  	v18 =	vld [tilespmem:s22+$0x10];
	v58 =	vadd.f32 v27, v26;
	v61 =	vadd.f32 v29, v28  }
0xe4: {  	v59 =	vld [tilespmem:s22+$0x90];
	v62 =	vadd.f32 v31, v30;
	v32 =	vadd.f32 v33, v32  }
0xe5: {  	v60 =	vld [tilespmem:s22+$0x190];
	v33 =	vadd.f32 v35, v34;
	v47 =	vadd.f32 v37, v36  }
0xe6: {  	v63 =	vld [tilespmem:s22+$0x20];
	v48 =	vadd.f32 v39, v38;
	v50 =	vadd.f32 v41, v40  }
0xe7: {  	v34 =	vld [tilespmem:s22+$0xA0];
	v51 =	vadd.f32 v43, v42;
	v8 =	vadd.f32 v10, v8  }
0xe8: {  	v46 =	vld [tilespmem:s22+$0x1A0];
	v10 =	vadd.f32 v55, v15;
	v15 =	vadd.f32 v21, v20  }
0xe9: {  	v49 =	vld [tilespmem:s22+$0x30];
	v35 =	vadd.f32 v33, v32;
	v53 =	vadd.f32 v48, v47  }
0xea: {  	v52 =	vld [tilespmem:s22+$0xB0];
	v54 =	vadd.f32 v51, v50;
	v4 =	vadd.f32 v8, v4  }
0xeb: {  	v55 =	vld [tilespmem:s22+$0x1B0];
	v5 =	vadd.f32 v10, v5;
	v10 =	vadd.f32 v56, v15  }
0xec: {  	v8 =	vld [tilespmem:s22+$0x110];
	v15 =	vadd.f32 v58, v57;
	v1 =	vadd.f32 v35, v1  }
0xed: {  	v56 =	vld [tilespmem:s22+$0x40];
	v2 =	vadd.f32 v53, v2;
	v3 =	vadd.f32 v54, v3  }
0xee: {  	v57 =	vld [tilespmem:s22+$0x140];
	v12 =	vadd.f32 v12, v44;
	v14 =	vadd.f32 v14, v45  }
0xef: {  	v11 =	vadd.f32 v17, v11;
	v6 =	vadd.f32 v10, v6;
	v10 =	vld [tilespmem:s22+$0x120]  }
0xf0: {  	v58 =	vld [tilespmem:s22+$0x50];
	v9 =	vadd.f32 v13, v9;
	v7 =	vadd.f32 v15, v7  }
0xf1: {  	v13 =	vld [tilespmem:s22+$0xC0];
	v15 =	vadd.f32 v62, v61;
	v12 =	vadd.f32 v14, v12  }
0xf2: {  	v9 =	vadd.f32 v9, v11;
	v11 =	vld [tilespmem:s22+$0x1C0];
	v14 =	vadd.f32 v59, v18  }
0xf3: {  	v59 =	vadd.f32 v34, v63;
	v0 =	vadd.f32 v15, v0;
	v15 =	vld [tilespmem:s22+$0x130]  }
0xf4: {  	v61 =	vld [tilespmem:s22+$0x150];
	v8 =	vadd.f32 v60, v8;
	v10 =	vadd.f32 v46, v10  }
0xf5: {  	v60 =	vld [tilespmem:s22+$0xD0];
	v4 =	vadd.f32 v12, v4;
	v5 =	vadd.f32 v9, v5  }
0xf6: {  	v12 =	vadd.f32 v52, v49;
	v9 =	vadd.f32 v10, v59;
	v10 =	vld [tilespmem:s22+$0x1D0]  }
0xf7: {  	v62 =	vld [tilespmem:s22+$0xE0];
	v13 =	vadd.f32 v13, v56;
	v8 =	vadd.f32 v8, v14  }
0xf8: {  	v11 =	vadd.f32 v11, v57;
	v14 =	vadd.f32 v55, v15;
	v15 =	vld [tilespmem:s22+$0x60]  }
0xf9: {  	v6 =	vadd.f32 v8, v6;
	v7 =	vadd.f32 v9, v7;
	v9 =	vld [tilespmem:s22+$0x160]  }
0xfa: {  	s21 =	simm.s32 $0x200;
	v11 =	vadd.f32 v11, v13;
	v14 =	vadd.f32 v14, v12;
	v12 =	vld [tilespmem:s22+$0x1E0]  }
0xfb: {  	v8 =	vld [tilespmem:s21+$0x70];
	v13 =	vadd.f32 v60, v58;
	v63 =	vadd.f32 v10, v61  }
0xfc: {  	v1 =	vadd.f32 v11, v1;
	v11 =	vld [tilespmem:s21+$0x170];
	v0 =	vadd.f32 v14, v0  }
0xfd: {  	s22 =	simm.s32 $0x1000;
	v10 =	vld [tilespmem:s21+$0xF0];
	v14 =	vadd.f32 v62, v15;
	v13 =	vadd.f32 v63, v13  }
.LBB2_6:
0xfe: {  	p0 =	sne.s32 s22, $0x1F800;
	v15 =	vld [tilespmem:s21+$0x1F0]  }
0xff: {  	v16 =	vld [tilespmem:s21+$0x0];
	v2 =	vadd.f32 v13, v2;
	v9 =	vadd.f32 v12, v9  }
0x100: {  	v12 =	vld [tilespmem:s21+$0x80]  }
0x101: {  	v13 =	vld [tilespmem:s21+$0x100];
	v9 =	vadd.f32 v9, v14  }
0x102: {  	v14 =	vld [tilespmem:s21+$0x180]  }
0x103: {  	v8 =	vadd.f32 v10, v8;
	v17 =	vld [tilespmem:s21+$0x10];
	v10 =	vadd.f32 v15, v11  }
0x104: {  	v3 =	vadd.f32 v9, v3;
	v11 =	vld [tilespmem:s21+$0x90]  }
0x105: {  	v9 =	vadd.f32 v12, v16;
	v12 =	vld [tilespmem:s21+$0x110];
	v8 =	vadd.f32 v10, v8  }
0x106: {  	v10 =	vld [tilespmem:s21+$0x190]  }
0x107: {  	v13 =	vadd.f32 v14, v13;
	v14 =	vld [tilespmem:s21+$0x20];
	v4 =	vadd.f32 v8, v4  }
0x108: {  	v8 =	vld [tilespmem:s21+$0xA0]  }
0x109: {  	v9 =	vadd.f32 v13, v9;
	v11 =	vadd.f32 v11, v17;
	v13 =	vld [tilespmem:s21+$0x120]  }
0x10a: {  	v15 =	vld [tilespmem:s21+$0x1A0]  }
0x10b: {  	v5 =	vadd.f32 v9, v5;
	v9 =	vadd.f32 v10, v12;
	v10 =	vld [tilespmem:s21+$0x30]  }
0x10c: {  	v12 =	vld [tilespmem:s21+$0xB0]  }
0x10d: {  	v9 =	vadd.f32 v9, v11;
	v8 =	vadd.f32 v8, v14;
	v11 =	vld [tilespmem:s21+$0x130]  }
0x10e: {  	v14 =	vld [tilespmem:s21+$0x1B0]  }
0x10f: {  	v6 =	vadd.f32 v9, v6;
	v9 =	vadd.f32 v15, v13;
	v13 =	vld [tilespmem:s21+$0x40]  }
0x110: {  	v15 =	vld [tilespmem:s21+$0xC0]  }
0x111: {  	v8 =	vadd.f32 v9, v8;
	v9 =	vadd.f32 v12, v10;
	v10 =	vld [tilespmem:s21+$0x140]  }
0x112: {  	v12 =	vld [tilespmem:s21+$0x1C0]  }
0x113: {  	v7 =	vadd.f32 v8, v7;
	v8 =	vadd.f32 v14, v11;
	v11 =	vld [tilespmem:s21+$0x50]  }
0x114: {  	v14 =	vld [tilespmem:s21+$0xD0]  }
0x115: {  	v8 =	vadd.f32 v8, v9;
	v9 =	vadd.f32 v15, v13;
	v13 =	vld [tilespmem:s21+$0x150]  }
0x116: {  	v15 =	vld [tilespmem:s21+$0x1D0]  }
0x117: {  	v0 =	vadd.f32 v8, v0;
	v8 =	vadd.f32 v12, v10;
	v16 =	vld [tilespmem:s21+$0x60]  }
0x118: {  	v17 =	vld [tilespmem:s21+$0xE0]  }
.Ltmp2:
0x119: {  	v10 =	vadd.f32 v8, v9;
	v14 =	vadd.f32 v14, v11;
	v9 =	vld [tilespmem:s21+$0x160];
	(pc) =	sbr.rel @p0 .LBB2_6-.Ltmp2, $4  }
0x11a: {  	v12 =	vld [tilespmem:s21+$0x1E0];
	s21 =	sshra.s32 s22, $0x2  }
0x11b: {  	v8 =	vld [tilespmem:s21+$0x70];
	v1 =	vadd.f32 v10, v1;
	v13 =	vadd.f32 v15, v13  }
0x11c: {  	v10 =	vld [tilespmem:s21+$0xF0]  }
0x11d: {  	s22 =	sadd.s32 $0x800, s22;
	v11 =	vld [tilespmem:s21+$0x170];
	v13 =	vadd.f32 v13, v14;
	v14 =	vadd.f32 v17, v16  }
0x11e: {  	v15 =	vld [tilespmem:s21+$0x1F0]  }
0x11f: {  	v16 =	vld [tilespmem:s21+$0x0]  }
0x120: {  	v17 =	vld [tilespmem:s21+$0x80]  }
0x121: {  	v18 =	vld [tilespmem:s21+$0x100]  }
0x122: {  	v19 =	vld [tilespmem:s21+$0x180]  }
0x123: {  	v20 =	vld [tilespmem:s21+$0x10]  }
0x124: {  	v21 =	vld [tilespmem:s21+$0x90]  }
0x125: {  	v22 =	vld [tilespmem:s21+$0x110]  }
0x126: {  	v23 =	vld [tilespmem:s21+$0x190]  }
0x127: {  	v24 =	vld [tilespmem:s21+$0x20]  }
0x128: {  	v25 =	vld [tilespmem:s21+$0xA0]  }
0x129: {  	v26 =	vld [tilespmem:s21+$0x120]  }
0x12a: {  	v27 =	vld [tilespmem:s21+$0x1A0]  }
0x12b: {  	v28 =	vld [tilespmem:s21+$0x30]  }
0x12c: {  	v29 =	vld [tilespmem:s21+$0xB0]  }
0x12d: {  	v30 =	vld [tilespmem:s21+$0x130]  }
0x12e: {  	v31 =	vld [tilespmem:s21+$0x1B0]  }
0x12f: {  	v32 =	vld [tilespmem:s21+$0x40]  }
0x130: {  	v33 =	vld [tilespmem:s21+$0xC0]  }
0x131: {  	v34 =	vld [tilespmem:s21+$0x140]  }
0x132: {  	v35 =	vld [tilespmem:s21+$0x1C0]  }
0x133: {  	v36 =	vld [tilespmem:s21+$0x50]  }
0x134: {  	v37 =	vld [tilespmem:s21+$0xD0]  }
0x135: {  	v38 =	vld [tilespmem:s21+$0x150]  }
0x136: {  	v39 =	vld [tilespmem:s21+$0x1D0]  }
0x137: {  	v40 =	vld [tilespmem:s21+$0x60]  }
0x138: {  	v41 =	vld [tilespmem:s21+$0xE0]  }
0x139: {  	v42 =	vld [tilespmem:s21+$0x160];
	s31 =	simm.s32 $0x0  }
0x13a: {  	v43 =	vld [tilespmem:s21+$0x1E0];
	[tilespmem:s31], [sflag:$0x1] =	stream.linear.gather [hbm4b:s7+s31], $0x8000, $0x38  }
0x13b: {  	_ =	swait.ge [sflag:s17], $0x8000  }
0x13c: {  	[sflag:s17] =	ssyncset.done $0x0  }
0x13d: {  	s22 =	simm.s32 $0x0;
	[sflag:s17] =	ssyncadd.s32 $0xFFFF8000  }
0x13e: {  	v44 =	vld [tilespmem:s22+$0x8070]  }
0x13f: {  	v9 =	vadd.f32 v12, v9;
	v12 =	vld [tilespmem:s22+$0x80F0]  }
0x140: {  	v45 =	vld [tilespmem:s22+$0x8170]  }
0x141: {  	v9 =	vadd.f32 v9, v14;
	v14 =	vld [tilespmem:s22+$0x81F0]  }
0x142: {  	v8 =	vadd.f32 v10, v8;
	v10 =	vadd.f32 v15, v11;
	v11 =	vld [tilespmem:s22+$0x8000]  }
0x143: {  	v2 =	vadd.f32 v13, v2;
	v15 =	vadd.f32 v17, v16;
	v17 =	vld [tilespmem:s22+$0x8080]  }
0x144: {  	v55 =	vadd.f32 v19, v18;
	v3 =	vadd.f32 v9, v3;
	v9 =	vld [tilespmem:s22+$0x8100]  }
0x145: {  	v13 =	vld [tilespmem:s22+$0x8180];
	v56 =	vadd.f32 v23, v22;
	v57 =	vadd.f32 v25, v24  }
0x146: {  	v18 =	vld [tilespmem:s22+$0x8010];
	v58 =	vadd.f32 v27, v26;
	v61 =	vadd.f32 v29, v28  }
0x147: {  	v59 =	vld [tilespmem:s22+$0x8090];
	v62 =	vadd.f32 v31, v30;
	v32 =	vadd.f32 v33, v32  }
0x148: {  	v60 =	vld [tilespmem:s22+$0x8190];
	v33 =	vadd.f32 v35, v34;
	v47 =	vadd.f32 v37, v36  }
0x149: {  	v63 =	vld [tilespmem:s22+$0x8020];
	v48 =	vadd.f32 v39, v38;
	v50 =	vadd.f32 v41, v40  }
0x14a: {  	v34 =	vld [tilespmem:s22+$0x80A0];
	v51 =	vadd.f32 v43, v42;
	v8 =	vadd.f32 v10, v8  }
0x14b: {  	v46 =	vld [tilespmem:s22+$0x81A0];
	v10 =	vadd.f32 v55, v15;
	v15 =	vadd.f32 v21, v20  }
0x14c: {  	v49 =	vld [tilespmem:s22+$0x8030];
	v35 =	vadd.f32 v33, v32;
	v53 =	vadd.f32 v48, v47  }
0x14d: {  	v52 =	vld [tilespmem:s22+$0x80B0];
	v54 =	vadd.f32 v51, v50;
	v4 =	vadd.f32 v8, v4  }
0x14e: {  	v55 =	vld [tilespmem:s22+$0x81B0];
	v5 =	vadd.f32 v10, v5;
	v10 =	vadd.f32 v56, v15  }
0x14f: {  	v8 =	vld [tilespmem:s22+$0x8110];
	v15 =	vadd.f32 v58, v57;
	v1 =	vadd.f32 v35, v1  }
0x150: {  	v56 =	vld [tilespmem:s22+$0x8040];
	v2 =	vadd.f32 v53, v2;
	v3 =	vadd.f32 v54, v3  }
0x151: {  	v57 =	vld [tilespmem:s22+$0x8140];
	v12 =	vadd.f32 v12, v44;
	v14 =	vadd.f32 v14, v45  }
0x152: {  	v11 =	vadd.f32 v17, v11;
	v6 =	vadd.f32 v10, v6;
	v10 =	vld [tilespmem:s22+$0x8120]  }
0x153: {  	v58 =	vld [tilespmem:s22+$0x8050];
	v9 =	vadd.f32 v13, v9;
	v7 =	vadd.f32 v15, v7  }
0x154: {  	v13 =	vld [tilespmem:s22+$0x80C0];
	v15 =	vadd.f32 v62, v61;
	v12 =	vadd.f32 v14, v12  }
0x155: {  	v9 =	vadd.f32 v9, v11;
	v11 =	vld [tilespmem:s22+$0x81C0];
	v14 =	vadd.f32 v59, v18  }
0x156: {  	v59 =	vadd.f32 v34, v63;
	v0 =	vadd.f32 v15, v0;
	v15 =	vld [tilespmem:s22+$0x8130]  }
0x157: {  	v61 =	vld [tilespmem:s22+$0x8150];
	v8 =	vadd.f32 v60, v8;
	v10 =	vadd.f32 v46, v10  }
0x158: {  	v60 =	vld [tilespmem:s22+$0x80D0];
	v4 =	vadd.f32 v12, v4;
	v5 =	vadd.f32 v9, v5  }
0x159: {  	v12 =	vadd.f32 v52, v49;
	v9 =	vadd.f32 v10, v59;
	v10 =	vld [tilespmem:s22+$0x81D0]  }
0x15a: {  	v62 =	vld [tilespmem:s22+$0x80E0];
	v13 =	vadd.f32 v13, v56;
	v8 =	vadd.f32 v8, v14  }
0x15b: {  	v11 =	vadd.f32 v11, v57;
	v14 =	vadd.f32 v55, v15;
	v15 =	vld [tilespmem:s22+$0x8060]  }
0x15c: {  	v6 =	vadd.f32 v8, v6;
	v7 =	vadd.f32 v9, v7;
	v9 =	vld [tilespmem:s22+$0x8160]  }
0x15d: {  	s21 =	simm.s32 $0x200;
	v11 =	vadd.f32 v11, v13;
	v14 =	vadd.f32 v14, v12;
	v12 =	vld [tilespmem:s22+$0x81E0]  }
0x15e: {  	v8 =	vld [tilespmem:s21+$0x8070];
	v13 =	vadd.f32 v60, v58;
	v63 =	vadd.f32 v10, v61  }
0x15f: {  	v1 =	vadd.f32 v11, v1;
	v11 =	vld [tilespmem:s21+$0x8170];
	v0 =	vadd.f32 v14, v0  }
0x160: {  	s22 =	simm.s32 $0x1000;
	v10 =	vld [tilespmem:s21+$0x80F0];
	v14 =	vadd.f32 v62, v15;
	v13 =	vadd.f32 v63, v13  }
.LBB2_8:
0x161: {  	p0 =	sne.s32 s22, $0x1F800;
	v15 =	vld [tilespmem:s21+$0x81F0]  }
0x162: {  	v16 =	vld [tilespmem:s21+$0x8000];
	v2 =	vadd.f32 v13, v2;
	v9 =	vadd.f32 v12, v9  }
0x163: {  	v12 =	vld [tilespmem:s21+$0x8080]  }
0x164: {  	v13 =	vld [tilespmem:s21+$0x8100];
	v9 =	vadd.f32 v9, v14  }
0x165: {  	v14 =	vld [tilespmem:s21+$0x8180]  }
0x166: {  	v8 =	vadd.f32 v10, v8;
	v17 =	vld [tilespmem:s21+$0x8010];
	v10 =	vadd.f32 v15, v11  }
0x167: {  	v3 =	vadd.f32 v9, v3;
	v11 =	vld [tilespmem:s21+$0x8090]  }
0x168: {  	v9 =	vadd.f32 v12, v16;
	v12 =	vld [tilespmem:s21+$0x8110];
	v8 =	vadd.f32 v10, v8  }
0x169: {  	v10 =	vld [tilespmem:s21+$0x8190]  }
0x16a: {  	v13 =	vadd.f32 v14, v13;
	v14 =	vld [tilespmem:s21+$0x8020];
	v4 =	vadd.f32 v8, v4  }
0x16b: {  	v8 =	vld [tilespmem:s21+$0x80A0]  }
0x16c: {  	v9 =	vadd.f32 v13, v9;
	v11 =	vadd.f32 v11, v17;
	v13 =	vld [tilespmem:s21+$0x8120]  }
0x16d: {  	v15 =	vld [tilespmem:s21+$0x81A0]  }
0x16e: {  	v5 =	vadd.f32 v9, v5;
	v9 =	vadd.f32 v10, v12;
	v10 =	vld [tilespmem:s21+$0x8030]  }
0x16f: {  	v12 =	vld [tilespmem:s21+$0x80B0]  }
0x170: {  	v9 =	vadd.f32 v9, v11;
	v8 =	vadd.f32 v8, v14;
	v11 =	vld [tilespmem:s21+$0x8130]  }
0x171: {  	v14 =	vld [tilespmem:s21+$0x81B0]  }
0x172: {  	v6 =	vadd.f32 v9, v6;
	v9 =	vadd.f32 v15, v13;
	v13 =	vld [tilespmem:s21+$0x8040]  }
0x173: {  	v15 =	vld [tilespmem:s21+$0x80C0]  }
0x174: {  	v8 =	vadd.f32 v9, v8;
	v9 =	vadd.f32 v12, v10;
	v10 =	vld [tilespmem:s21+$0x8140]  }
0x175: {  	v12 =	vld [tilespmem:s21+$0x81C0]  }
0x176: {  	v7 =	vadd.f32 v8, v7;
	v8 =	vadd.f32 v14, v11;
	v11 =	vld [tilespmem:s21+$0x8050]  }
0x177: {  	v14 =	vld [tilespmem:s21+$0x80D0]  }
0x178: {  	v8 =	vadd.f32 v8, v9;
	v9 =	vadd.f32 v15, v13;
	v13 =	vld [tilespmem:s21+$0x8150]  }
0x179: {  	v15 =	vld [tilespmem:s21+$0x81D0]  }
0x17a: {  	v0 =	vadd.f32 v8, v0;
	v8 =	vadd.f32 v12, v10;
	v16 =	vld [tilespmem:s21+$0x8060]  }
0x17b: {  	v17 =	vld [tilespmem:s21+$0x80E0]  }
.Ltmp3:
0x17c: {  	v10 =	vadd.f32 v8, v9;
	v14 =	vadd.f32 v14, v11;
	v9 =	vld [tilespmem:s21+$0x8160];
	(pc) =	sbr.rel @p0 .LBB2_8-.Ltmp3, $4  }
0x17d: {  	v12 =	vld [tilespmem:s21+$0x81E0];
	s21 =	sshra.s32 s22, $0x2  }
0x17e: {  	v8 =	vld [tilespmem:s21+$0x8070];
	v1 =	vadd.f32 v10, v1;
	v13 =	vadd.f32 v15, v13  }
0x17f: {  	v10 =	vld [tilespmem:s21+$0x80F0]  }
0x180: {  	s22 =	sadd.s32 $0x800, s22;
	v11 =	vld [tilespmem:s21+$0x8170];
	v13 =	vadd.f32 v13, v14;
	v14 =	vadd.f32 v17, v16  }
0x181: {  	v15 =	vld [tilespmem:s21+$0x81F0]  }
0x182: {  	v16 =	vld [tilespmem:s21+$0x8000]  }
0x183: {  	v17 =	vld [tilespmem:s21+$0x8080]  }
0x184: {  	v18 =	vld [tilespmem:s21+$0x8100]  }
0x185: {  	v19 =	vld [tilespmem:s21+$0x8180]  }
0x186: {  	v20 =	vld [tilespmem:s21+$0x8010]  }
0x187: {  	v21 =	vld [tilespmem:s21+$0x8090]  }
0x188: {  	v22 =	vld [tilespmem:s21+$0x8110]  }
0x189: {  	v23 =	vld [tilespmem:s21+$0x8190]  }
0x18a: {  	v24 =	vld [tilespmem:s21+$0x8020]  }
0x18b: {  	v25 =	vld [tilespmem:s21+$0x80A0]  }
0x18c: {  	v26 =	vld [tilespmem:s21+$0x8120]  }
0x18d: {  	v27 =	vld [tilespmem:s21+$0x81A0]  }
0x18e: {  	v28 =	vld [tilespmem:s21+$0x8030]  }
0x18f: {  	v29 =	vld [tilespmem:s21+$0x80B0]  }
0x190: {  	v30 =	vld [tilespmem:s21+$0x8130]  }
0x191: {  	v31 =	vld [tilespmem:s21+$0x81B0]  }
0x192: {  	v32 =	vld [tilespmem:s21+$0x8040]  }
0x193: {  	v33 =	vld [tilespmem:s21+$0x80C0]  }
0x194: {  	v34 =	vld [tilespmem:s21+$0x8140]  }
0x195: {  	v35 =	vld [tilespmem:s21+$0x81C0]  }
0x196: {  	v36 =	vld [tilespmem:s21+$0x8050]  }
0x197: {  	v37 =	vld [tilespmem:s21+$0x80D0]  }
0x198: {  	v38 =	vld [tilespmem:s21+$0x8150]  }
0x199: {  	v39 =	vld [tilespmem:s21+$0x81D0]  }
0x19a: {  	v40 =	vld [tilespmem:s21+$0x8060]  }
0x19b: {  	v41 =	vld [tilespmem:s21+$0x80E0]  }
0x19c: {  	v42 =	vld [tilespmem:s21+$0x8160];
	s31 =	simm.s32 $0x0  }
0x19d: {  	v43 =	vld [tilespmem:s21+$0x81E0];
	[tilespmem:s15], [sflag:$0x2] =	stream.linear.gather [hbm4b:s8+s31], $0x8000, $0x38  }
0x19e: {  	_ =	swait.ge [sflag:s16], $0x8000  }
0x19f: {  	[sflag:s16] =	ssyncset.done $0x0  }
0x1a0: {  	s22 =	simm.s32 $0x0;
	[sflag:s16] =	ssyncadd.s32 $0xFFFF8000  }
0x1a1: {  	v44 =	vld [tilespmem:s22+$0x70]  }
0x1a2: {  	v9 =	vadd.f32 v12, v9;
	v12 =	vld [tilespmem:s22+$0xF0]  }
0x1a3: {  	v45 =	vld [tilespmem:s22+$0x170]  }
0x1a4: {  	v9 =	vadd.f32 v9, v14;
	v14 =	vld [tilespmem:s22+$0x1F0]  }
0x1a5: {  	v8 =	vadd.f32 v10, v8;
	v10 =	vadd.f32 v15, v11;
	v11 =	vld [tilespmem:s22+$0x0]  }
0x1a6: {  	v2 =	vadd.f32 v13, v2;
	v15 =	vadd.f32 v17, v16;
	v17 =	vld [tilespmem:s22+$0x80]  }
0x1a7: {  	v55 =	vadd.f32 v19, v18;
	v3 =	vadd.f32 v9, v3;
	v9 =	vld [tilespmem:s22+$0x100]  }
0x1a8: {  	v13 =	vld [tilespmem:s22+$0x180];
	v56 =	vadd.f32 v23, v22;
	v57 =	vadd.f32 v25, v24  }
0x1a9: {  	v18 =	vld [tilespmem:s22+$0x10];
	v58 =	vadd.f32 v27, v26;
	v61 =	vadd.f32 v29, v28  }
0x1aa: {  	v59 =	vld [tilespmem:s22+$0x90];
	v62 =	vadd.f32 v31, v30;
	v32 =	vadd.f32 v33, v32  }
0x1ab: {  	v60 =	vld [tilespmem:s22+$0x190];
	v33 =	vadd.f32 v35, v34;
	v47 =	vadd.f32 v37, v36  }
0x1ac: {  	v63 =	vld [tilespmem:s22+$0x20];
	v48 =	vadd.f32 v39, v38;
	v50 =	vadd.f32 v41, v40  }
0x1ad: {  	v34 =	vld [tilespmem:s22+$0xA0];
	v51 =	vadd.f32 v43, v42;
	v8 =	vadd.f32 v10, v8  }
0x1ae: {  	v46 =	vld [tilespmem:s22+$0x1A0];
	v10 =	vadd.f32 v55, v15;
	v15 =	vadd.f32 v21, v20  }
0x1af: {  	v49 =	vld [tilespmem:s22+$0x30];
	v35 =	vadd.f32 v33, v32;
	v53 =	vadd.f32 v48, v47  }
0x1b0: {  	v52 =	vld [tilespmem:s22+$0xB0];
	v54 =	vadd.f32 v51, v50;
	v4 =	vadd.f32 v8, v4  }
0x1b1: {  	v55 =	vld [tilespmem:s22+$0x1B0];
	v5 =	vadd.f32 v10, v5;
	v10 =	vadd.f32 v56, v15  }
0x1b2: {  	v8 =	vld [tilespmem:s22+$0x110];
	v15 =	vadd.f32 v58, v57;
	v1 =	vadd.f32 v35, v1  }
0x1b3: {  	v56 =	vld [tilespmem:s22+$0x40];
	v2 =	vadd.f32 v53, v2;
	v3 =	vadd.f32 v54, v3  }
0x1b4: {  	v57 =	vld [tilespmem:s22+$0x140];
	v12 =	vadd.f32 v12, v44;
	v14 =	vadd.f32 v14, v45  }
0x1b5: {  	v11 =	vadd.f32 v17, v11;
	v6 =	vadd.f32 v10, v6;
	v10 =	vld [tilespmem:s22+$0x120]  }
0x1b6: {  	v58 =	vld [tilespmem:s22+$0x50];
	v9 =	vadd.f32 v13, v9;
	v7 =	vadd.f32 v15, v7  }
0x1b7: {  	v13 =	vld [tilespmem:s22+$0xC0];
	v15 =	vadd.f32 v62, v61;
	v12 =	vadd.f32 v14, v12  }
0x1b8: {  	v9 =	vadd.f32 v9, v11;
	v11 =	vld [tilespmem:s22+$0x1C0];
	v14 =	vadd.f32 v59, v18  }
0x1b9: {  	v59 =	vadd.f32 v34, v63;
	v0 =	vadd.f32 v15, v0;
	v15 =	vld [tilespmem:s22+$0x130]  }
0x1ba: {  	v61 =	vld [tilespmem:s22+$0x150];
	v8 =	vadd.f32 v60, v8;
	v10 =	vadd.f32 v46, v10  }
0x1bb: {  	v60 =	vld [tilespmem:s22+$0xD0];
	v4 =	vadd.f32 v12, v4;
	v5 =	vadd.f32 v9, v5  }
0x1bc: {  	v12 =	vadd.f32 v52, v49;
	v9 =	vadd.f32 v10, v59;
	v10 =	vld [tilespmem:s22+$0x1D0]  }
0x1bd: {  	v62 =	vld [tilespmem:s22+$0xE0];
	v13 =	vadd.f32 v13, v56;
	v8 =	vadd.f32 v8, v14  }
0x1be: {  	v11 =	vadd.f32 v11, v57;
	v14 =	vadd.f32 v55, v15;
	v15 =	vld [tilespmem:s22+$0x60]  }
0x1bf: {  	v6 =	vadd.f32 v8, v6;
	v7 =	vadd.f32 v9, v7;
	v9 =	vld [tilespmem:s22+$0x160]  }
0x1c0: {  	s21 =	simm.s32 $0x200;
	v11 =	vadd.f32 v11, v13;
	v14 =	vadd.f32 v14, v12;
	v12 =	vld [tilespmem:s22+$0x1E0]  }
0x1c1: {  	v8 =	vld [tilespmem:s21+$0x70];
	v13 =	vadd.f32 v60, v58;
	v63 =	vadd.f32 v10, v61  }
0x1c2: {  	v1 =	vadd.f32 v11, v1;
	v11 =	vld [tilespmem:s21+$0x170];
	v0 =	vadd.f32 v14, v0  }
0x1c3: {  	s22 =	simm.s32 $0x1000;
	v10 =	vld [tilespmem:s21+$0xF0];
	v14 =	vadd.f32 v62, v15;
	v13 =	vadd.f32 v63, v13  }
.LBB2_10:
0x1c4: {  	p0 =	sne.s32 s22, $0x1F800;
	v15 =	vld [tilespmem:s21+$0x1F0]  }
0x1c5: {  	v16 =	vld [tilespmem:s21+$0x0];
	v2 =	vadd.f32 v13, v2;
	v9 =	vadd.f32 v12, v9  }
0x1c6: {  	v12 =	vld [tilespmem:s21+$0x80]  }
0x1c7: {  	v13 =	vld [tilespmem:s21+$0x100];
	v9 =	vadd.f32 v9, v14  }
0x1c8: {  	v14 =	vld [tilespmem:s21+$0x180]  }
0x1c9: {  	v8 =	vadd.f32 v10, v8;
	v17 =	vld [tilespmem:s21+$0x10];
	v10 =	vadd.f32 v15, v11  }
0x1ca: {  	v3 =	vadd.f32 v9, v3;
	v11 =	vld [tilespmem:s21+$0x90]  }
0x1cb: {  	v9 =	vadd.f32 v12, v16;
	v12 =	vld [tilespmem:s21+$0x110];
	v8 =	vadd.f32 v10, v8  }
0x1cc: {  	v10 =	vld [tilespmem:s21+$0x190]  }
0x1cd: {  	v13 =	vadd.f32 v14, v13;
	v14 =	vld [tilespmem:s21+$0x20];
	v4 =	vadd.f32 v8, v4  }
0x1ce: {  	v8 =	vld [tilespmem:s21+$0xA0]  }
0x1cf: {  	v9 =	vadd.f32 v13, v9;
	v11 =	vadd.f32 v11, v17;
	v13 =	vld [tilespmem:s21+$0x120]  }
0x1d0: {  	v15 =	vld [tilespmem:s21+$0x1A0]  }
0x1d1: {  	v5 =	vadd.f32 v9, v5;
	v9 =	vadd.f32 v10, v12;
	v10 =	vld [tilespmem:s21+$0x30]  }
0x1d2: {  	v12 =	vld [tilespmem:s21+$0xB0]  }
0x1d3: {  	v9 =	vadd.f32 v9, v11;
	v8 =	vadd.f32 v8, v14;
	v11 =	vld [tilespmem:s21+$0x130]  }
0x1d4: {  	v14 =	vld [tilespmem:s21+$0x1B0]  }
0x1d5: {  	v6 =	vadd.f32 v9, v6;
	v9 =	vadd.f32 v15, v13;
	v13 =	vld [tilespmem:s21+$0x40]  }
0x1d6: {  	v15 =	vld [tilespmem:s21+$0xC0]  }
0x1d7: {  	v8 =	vadd.f32 v9, v8;
	v9 =	vadd.f32 v12, v10;
	v10 =	vld [tilespmem:s21+$0x140]  }
0x1d8: {  	v12 =	vld [tilespmem:s21+$0x1C0]  }
0x1d9: {  	v7 =	vadd.f32 v8, v7;
	v8 =	vadd.f32 v14, v11;
	v11 =	vld [tilespmem:s21+$0x50]  }
0x1da: {  	v14 =	vld [tilespmem:s21+$0xD0]  }
0x1db: {  	v8 =	vadd.f32 v8, v9;
	v9 =	vadd.f32 v15, v13;
	v13 =	vld [tilespmem:s21+$0x150]  }
0x1dc: {  	v15 =	vld [tilespmem:s21+$0x1D0]  }
0x1dd: {  	v0 =	vadd.f32 v8, v0;
	v8 =	vadd.f32 v12, v10;
	v16 =	vld [tilespmem:s21+$0x60]  }
0x1de: {  	v17 =	vld [tilespmem:s21+$0xE0]  }
.Ltmp4:
0x1df: {  	v10 =	vadd.f32 v8, v9;
	v14 =	vadd.f32 v14, v11;
	v9 =	vld [tilespmem:s21+$0x160];
	(pc) =	sbr.rel @p0 .LBB2_10-.Ltmp4, $4  }
0x1e0: {  	v12 =	vld [tilespmem:s21+$0x1E0];
	s21 =	sshra.s32 s22, $0x2  }
0x1e1: {  	v8 =	vld [tilespmem:s21+$0x70];
	v1 =	vadd.f32 v10, v1;
	v13 =	vadd.f32 v15, v13  }
0x1e2: {  	v10 =	vld [tilespmem:s21+$0xF0]  }
0x1e3: {  	s22 =	sadd.s32 $0x800, s22;
	v11 =	vld [tilespmem:s21+$0x170];
	v13 =	vadd.f32 v13, v14;
	v14 =	vadd.f32 v17, v16  }
0x1e4: {  	v15 =	vld [tilespmem:s21+$0x1F0]  }
0x1e5: {  	v16 =	vld [tilespmem:s21+$0x0]  }
0x1e6: {  	v17 =	vld [tilespmem:s21+$0x80]  }
0x1e7: {  	v18 =	vld [tilespmem:s21+$0x100]  }
0x1e8: {  	v19 =	vld [tilespmem:s21+$0x180]  }
0x1e9: {  	v20 =	vld [tilespmem:s21+$0x10]  }
0x1ea: {  	v21 =	vld [tilespmem:s21+$0x90]  }
0x1eb: {  	v22 =	vld [tilespmem:s21+$0x110]  }
0x1ec: {  	v23 =	vld [tilespmem:s21+$0x190]  }
0x1ed: {  	v24 =	vld [tilespmem:s21+$0x20]  }
0x1ee: {  	v25 =	vld [tilespmem:s21+$0xA0]  }
0x1ef: {  	v26 =	vld [tilespmem:s21+$0x120]  }
0x1f0: {  	v27 =	vld [tilespmem:s21+$0x1A0]  }
0x1f1: {  	v28 =	vld [tilespmem:s21+$0x30]  }
0x1f2: {  	v29 =	vld [tilespmem:s21+$0xB0]  }
0x1f3: {  	v30 =	vld [tilespmem:s21+$0x130]  }
0x1f4: {  	v31 =	vld [tilespmem:s21+$0x1B0]  }
0x1f5: {  	v32 =	vld [tilespmem:s21+$0x40]  }
0x1f6: {  	v33 =	vld [tilespmem:s21+$0xC0]  }
0x1f7: {  	v34 =	vld [tilespmem:s21+$0x140]  }
0x1f8: {  	v35 =	vld [tilespmem:s21+$0x1C0]  }
0x1f9: {  	v36 =	vld [tilespmem:s21+$0x50]  }
0x1fa: {  	v37 =	vld [tilespmem:s21+$0xD0]  }
0x1fb: {  	v38 =	vld [tilespmem:s21+$0x150]  }
0x1fc: {  	v39 =	vld [tilespmem:s21+$0x1D0]  }
0x1fd: {  	v40 =	vld [tilespmem:s21+$0x60]  }
0x1fe: {  	v41 =	vld [tilespmem:s21+$0xE0]  }
0x1ff: {  	v42 =	vld [tilespmem:s21+$0x160];
	s31 =	simm.s32 $0x0  }
0x200: {  	v43 =	vld [tilespmem:s21+$0x1E0];
	[tilespmem:s31], [sflag:$0x1] =	stream.linear.gather [hbm4b:s9+s31], $0x8000, $0x38  }
0x201: {  	_ =	swait.ge [sflag:s17], $0x8000  }
0x202: {  	[sflag:s17] =	ssyncset.done $0x0  }
0x203: {  	s22 =	simm.s32 $0x0;
	[sflag:s17] =	ssyncadd.s32 $0xFFFF8000  }
0x204: {  	v44 =	vld [tilespmem:s22+$0x8070]  }
0x205: {  	v9 =	vadd.f32 v12, v9;
	v12 =	vld [tilespmem:s22+$0x80F0]  }
0x206: {  	v45 =	vld [tilespmem:s22+$0x8170]  }
0x207: {  	v9 =	vadd.f32 v9, v14;
	v14 =	vld [tilespmem:s22+$0x81F0]  }
0x208: {  	v8 =	vadd.f32 v10, v8;
	v10 =	vadd.f32 v15, v11;
	v11 =	vld [tilespmem:s22+$0x8000]  }
0x209: {  	v2 =	vadd.f32 v13, v2;
	v15 =	vadd.f32 v17, v16;
	v17 =	vld [tilespmem:s22+$0x8080]  }
0x20a: {  	v55 =	vadd.f32 v19, v18;
	v3 =	vadd.f32 v9, v3;
	v9 =	vld [tilespmem:s22+$0x8100]  }
0x20b: {  	v13 =	vld [tilespmem:s22+$0x8180];
	v56 =	vadd.f32 v23, v22;
	v57 =	vadd.f32 v25, v24  }
0x20c: {  	v18 =	vld [tilespmem:s22+$0x8010];
	v58 =	vadd.f32 v27, v26;
	v61 =	vadd.f32 v29, v28  }
0x20d: {  	v59 =	vld [tilespmem:s22+$0x8090];
	v62 =	vadd.f32 v31, v30;
	v32 =	vadd.f32 v33, v32  }
0x20e: {  	v60 =	vld [tilespmem:s22+$0x8190];
	v33 =	vadd.f32 v35, v34;
	v47 =	vadd.f32 v37, v36  }
0x20f: {  	v63 =	vld [tilespmem:s22+$0x8020];
	v48 =	vadd.f32 v39, v38;
	v50 =	vadd.f32 v41, v40  }
0x210: {  	v34 =	vld [tilespmem:s22+$0x80A0];
	v51 =	vadd.f32 v43, v42;
	v8 =	vadd.f32 v10, v8  }
0x211: {  	v46 =	vld [tilespmem:s22+$0x81A0];
	v10 =	vadd.f32 v55, v15;
	v15 =	vadd.f32 v21, v20  }
0x212: {  	v49 =	vld [tilespmem:s22+$0x8030];
	v35 =	vadd.f32 v33, v32;
	v53 =	vadd.f32 v48, v47  }
0x213: {  	v52 =	vld [tilespmem:s22+$0x80B0];
	v54 =	vadd.f32 v51, v50;
	v4 =	vadd.f32 v8, v4  }
0x214: {  	v55 =	vld [tilespmem:s22+$0x81B0];
	v5 =	vadd.f32 v10, v5;
	v10 =	vadd.f32 v56, v15  }
0x215: {  	v8 =	vld [tilespmem:s22+$0x8110];
	v15 =	vadd.f32 v58, v57;
	v1 =	vadd.f32 v35, v1  }
0x216: {  	v56 =	vld [tilespmem:s22+$0x8040];
	v2 =	vadd.f32 v53, v2;
	v3 =	vadd.f32 v54, v3  }
0x217: {  	v57 =	vld [tilespmem:s22+$0x8140];
	v12 =	vadd.f32 v12, v44;
	v14 =	vadd.f32 v14, v45  }
0x218: {  	v11 =	vadd.f32 v17, v11;
	v6 =	vadd.f32 v10, v6;
	v10 =	vld [tilespmem:s22+$0x8120]  }
0x219: {  	v58 =	vld [tilespmem:s22+$0x8050];
	v9 =	vadd.f32 v13, v9;
	v7 =	vadd.f32 v15, v7  }
0x21a: {  	v13 =	vld [tilespmem:s22+$0x80C0];
	v15 =	vadd.f32 v62, v61;
	v12 =	vadd.f32 v14, v12  }
0x21b: {  	v9 =	vadd.f32 v9, v11;
	v11 =	vld [tilespmem:s22+$0x81C0];
	v14 =	vadd.f32 v59, v18  }
0x21c: {  	v59 =	vadd.f32 v34, v63;
	v0 =	vadd.f32 v15, v0;
	v15 =	vld [tilespmem:s22+$0x8130]  }
0x21d: {  	v61 =	vld [tilespmem:s22+$0x8150];
	v8 =	vadd.f32 v60, v8;
	v10 =	vadd.f32 v46, v10  }
0x21e: {  	v60 =	vld [tilespmem:s22+$0x80D0];
	v4 =	vadd.f32 v12, v4;
	v5 =	vadd.f32 v9, v5  }
0x21f: {  	v12 =	vadd.f32 v52, v49;
	v9 =	vadd.f32 v10, v59;
	v10 =	vld [tilespmem:s22+$0x81D0]  }
0x220: {  	v62 =	vld [tilespmem:s22+$0x80E0];
	v13 =	vadd.f32 v13, v56;
	v8 =	vadd.f32 v8, v14  }
0x221: {  	v11 =	vadd.f32 v11, v57;
	v14 =	vadd.f32 v55, v15;
	v15 =	vld [tilespmem:s22+$0x8060]  }
0x222: {  	v6 =	vadd.f32 v8, v6;
	v7 =	vadd.f32 v9, v7;
	v9 =	vld [tilespmem:s22+$0x8160]  }
0x223: {  	s21 =	simm.s32 $0x200;
	v11 =	vadd.f32 v11, v13;
	v14 =	vadd.f32 v14, v12;
	v12 =	vld [tilespmem:s22+$0x81E0]  }
0x224: {  	v8 =	vld [tilespmem:s21+$0x8070];
	v13 =	vadd.f32 v60, v58;
	v63 =	vadd.f32 v10, v61  }
0x225: {  	v1 =	vadd.f32 v11, v1;
	v11 =	vld [tilespmem:s21+$0x8170];
	v0 =	vadd.f32 v14, v0  }
0x226: {  	s22 =	simm.s32 $0x1000;
	v10 =	vld [tilespmem:s21+$0x80F0];
	v14 =	vadd.f32 v62, v15;
	v13 =	vadd.f32 v63, v13  }
.LBB2_12:
0x227: {  	p0 =	sne.s32 s22, $0x1F800;
	v15 =	vld [tilespmem:s21+$0x81F0]  }
0x228: {  	v16 =	vld [tilespmem:s21+$0x8000];
	v2 =	vadd.f32 v13, v2;
	v9 =	vadd.f32 v12, v9  }
0x229: {  	v12 =	vld [tilespmem:s21+$0x8080]  }
0x22a: {  	v13 =	vld [tilespmem:s21+$0x8100];
	v9 =	vadd.f32 v9, v14  }
0x22b: {  	v14 =	vld [tilespmem:s21+$0x8180]  }
0x22c: {  	v8 =	vadd.f32 v10, v8;
	v17 =	vld [tilespmem:s21+$0x8010];
	v10 =	vadd.f32 v15, v11  }
0x22d: {  	v3 =	vadd.f32 v9, v3;
	v11 =	vld [tilespmem:s21+$0x8090]  }
0x22e: {  	v9 =	vadd.f32 v12, v16;
	v12 =	vld [tilespmem:s21+$0x8110];
	v8 =	vadd.f32 v10, v8  }
0x22f: {  	v10 =	vld [tilespmem:s21+$0x8190]  }
0x230: {  	v13 =	vadd.f32 v14, v13;
	v14 =	vld [tilespmem:s21+$0x8020];
	v4 =	vadd.f32 v8, v4  }
0x231: {  	v8 =	vld [tilespmem:s21+$0x80A0]  }
0x232: {  	v9 =	vadd.f32 v13, v9;
	v11 =	vadd.f32 v11, v17;
	v13 =	vld [tilespmem:s21+$0x8120]  }
0x233: {  	v15 =	vld [tilespmem:s21+$0x81A0]  }
0x234: {  	v5 =	vadd.f32 v9, v5;
	v9 =	vadd.f32 v10, v12;
	v10 =	vld [tilespmem:s21+$0x8030]  }
0x235: {  	v12 =	vld [tilespmem:s21+$0x80B0]  }
0x236: {  	v9 =	vadd.f32 v9, v11;
	v8 =	vadd.f32 v8, v14;
	v11 =	vld [tilespmem:s21+$0x8130]  }
0x237: {  	v14 =	vld [tilespmem:s21+$0x81B0]  }
0x238: {  	v6 =	vadd.f32 v9, v6;
	v9 =	vadd.f32 v15, v13;
	v13 =	vld [tilespmem:s21+$0x8040]  }
0x239: {  	v15 =	vld [tilespmem:s21+$0x80C0]  }
0x23a: {  	v8 =	vadd.f32 v9, v8;
	v9 =	vadd.f32 v12, v10;
	v10 =	vld [tilespmem:s21+$0x8140]  }
0x23b: {  	v12 =	vld [tilespmem:s21+$0x81C0]  }
0x23c: {  	v7 =	vadd.f32 v8, v7;
	v8 =	vadd.f32 v14, v11;
	v11 =	vld [tilespmem:s21+$0x8050]  }
0x23d: {  	v14 =	vld [tilespmem:s21+$0x80D0]  }
0x23e: {  	v8 =	vadd.f32 v8, v9;
	v9 =	vadd.f32 v15, v13;
	v13 =	vld [tilespmem:s21+$0x8150]  }
0x23f: {  	v15 =	vld [tilespmem:s21+$0x81D0]  }
0x240: {  	v0 =	vadd.f32 v8, v0;
	v8 =	vadd.f32 v12, v10;
	v16 =	vld [tilespmem:s21+$0x8060]  }
0x241: {  	v17 =	vld [tilespmem:s21+$0x80E0]  }
.Ltmp5:
0x242: {  	v10 =	vadd.f32 v8, v9;
	v14 =	vadd.f32 v14, v11;
	v9 =	vld [tilespmem:s21+$0x8160];
	(pc) =	sbr.rel @p0 .LBB2_12-.Ltmp5, $4  }
0x243: {  	v12 =	vld [tilespmem:s21+$0x81E0];
	s21 =	sshra.s32 s22, $0x2  }
0x244: {  	v8 =	vld [tilespmem:s21+$0x8070];
	v1 =	vadd.f32 v10, v1;
	v13 =	vadd.f32 v15, v13  }
0x245: {  	v10 =	vld [tilespmem:s21+$0x80F0]  }
0x246: {  	s22 =	sadd.s32 $0x800, s22;
	v11 =	vld [tilespmem:s21+$0x8170];
	v13 =	vadd.f32 v13, v14;
	v14 =	vadd.f32 v17, v16  }
0x247: {  	v15 =	vld [tilespmem:s21+$0x81F0]  }
0x248: {  	v16 =	vld [tilespmem:s21+$0x8000]  }
0x249: {  	v17 =	vld [tilespmem:s21+$0x8080]  }
0x24a: {  	v18 =	vld [tilespmem:s21+$0x8100]  }
0x24b: {  	v19 =	vld [tilespmem:s21+$0x8180]  }
0x24c: {  	v20 =	vld [tilespmem:s21+$0x8010]  }
0x24d: {  	v21 =	vld [tilespmem:s21+$0x8090]  }
0x24e: {  	v22 =	vld [tilespmem:s21+$0x8110]  }
0x24f: {  	v23 =	vld [tilespmem:s21+$0x8190]  }
0x250: {  	v24 =	vld [tilespmem:s21+$0x8020]  }
0x251: {  	v25 =	vld [tilespmem:s21+$0x80A0]  }
0x252: {  	v26 =	vld [tilespmem:s21+$0x8120]  }
0x253: {  	v27 =	vld [tilespmem:s21+$0x81A0]  }
0x254: {  	v28 =	vld [tilespmem:s21+$0x8030]  }
0x255: {  	v29 =	vld [tilespmem:s21+$0x80B0]  }
0x256: {  	v30 =	vld [tilespmem:s21+$0x8130]  }
0x257: {  	v31 =	vld [tilespmem:s21+$0x81B0]  }
0x258: {  	v32 =	vld [tilespmem:s21+$0x8040]  }
0x259: {  	v33 =	vld [tilespmem:s21+$0x80C0]  }
0x25a: {  	v34 =	vld [tilespmem:s21+$0x8140]  }
0x25b: {  	v35 =	vld [tilespmem:s21+$0x81C0]  }
0x25c: {  	v36 =	vld [tilespmem:s21+$0x8050]  }
0x25d: {  	v37 =	vld [tilespmem:s21+$0x80D0]  }
0x25e: {  	v38 =	vld [tilespmem:s21+$0x8150]  }
0x25f: {  	v39 =	vld [tilespmem:s21+$0x81D0]  }
0x260: {  	v40 =	vld [tilespmem:s21+$0x8060]  }
0x261: {  	v41 =	vld [tilespmem:s21+$0x80E0]  }
0x262: {  	v42 =	vld [tilespmem:s21+$0x8160];
	s31 =	simm.s32 $0x0  }
0x263: {  	v43 =	vld [tilespmem:s21+$0x81E0];
	[tilespmem:s15], [sflag:$0x2] =	stream.linear.gather [hbm4b:s10+s31], $0x8000, $0x38  }
0x264: {  	_ =	swait.ge [sflag:s16], $0x8000  }
0x265: {  	[sflag:s16] =	ssyncset.done $0x0  }
0x266: {  	s22 =	simm.s32 $0x0;
	[sflag:s16] =	ssyncadd.s32 $0xFFFF8000  }
0x267: {  	v44 =	vld [tilespmem:s22+$0x70]  }
0x268: {  	v9 =	vadd.f32 v12, v9;
	v12 =	vld [tilespmem:s22+$0xF0]  }
0x269: {  	v45 =	vld [tilespmem:s22+$0x170]  }
0x26a: {  	v9 =	vadd.f32 v9, v14;
	v14 =	vld [tilespmem:s22+$0x1F0]  }
0x26b: {  	v8 =	vadd.f32 v10, v8;
	v10 =	vadd.f32 v15, v11;
	v11 =	vld [tilespmem:s22+$0x0]  }
0x26c: {  	v2 =	vadd.f32 v13, v2;
	v15 =	vadd.f32 v17, v16;
	v17 =	vld [tilespmem:s22+$0x80]  }
0x26d: {  	v55 =	vadd.f32 v19, v18;
	v3 =	vadd.f32 v9, v3;
	v9 =	vld [tilespmem:s22+$0x100]  }
0x26e: {  	v13 =	vld [tilespmem:s22+$0x180];
	v56 =	vadd.f32 v23, v22;
	v57 =	vadd.f32 v25, v24  }
0x26f: {  	v18 =	vld [tilespmem:s22+$0x10];
	v58 =	vadd.f32 v27, v26;
	v61 =	vadd.f32 v29, v28  }
0x270: {  	v59 =	vld [tilespmem:s22+$0x90];
	v62 =	vadd.f32 v31, v30;
	v32 =	vadd.f32 v33, v32  }
0x271: {  	v60 =	vld [tilespmem:s22+$0x190];
	v33 =	vadd.f32 v35, v34;
	v47 =	vadd.f32 v37, v36  }
0x272: {  	v63 =	vld [tilespmem:s22+$0x20];
	v48 =	vadd.f32 v39, v38;
	v50 =	vadd.f32 v41, v40  }
0x273: {  	v34 =	vld [tilespmem:s22+$0xA0];
	v51 =	vadd.f32 v43, v42;
	v8 =	vadd.f32 v10, v8  }
0x274: {  	v46 =	vld [tilespmem:s22+$0x1A0];
	v10 =	vadd.f32 v55, v15;
	v15 =	vadd.f32 v21, v20  }
0x275: {  	v49 =	vld [tilespmem:s22+$0x30];
	v35 =	vadd.f32 v33, v32;
	v53 =	vadd.f32 v48, v47  }
0x276: {  	v52 =	vld [tilespmem:s22+$0xB0];
	v54 =	vadd.f32 v51, v50;
	v4 =	vadd.f32 v8, v4  }
0x277: {  	v55 =	vld [tilespmem:s22+$0x1B0];
	v5 =	vadd.f32 v10, v5;
	v10 =	vadd.f32 v56, v15  }
0x278: {  	v8 =	vld [tilespmem:s22+$0x110];
	v15 =	vadd.f32 v58, v57;
	v1 =	vadd.f32 v35, v1  }
0x279: {  	v56 =	vld [tilespmem:s22+$0x40];
	v2 =	vadd.f32 v53, v2;
	v3 =	vadd.f32 v54, v3  }
0x27a: {  	v57 =	vld [tilespmem:s22+$0x140];
	v12 =	vadd.f32 v12, v44;
	v14 =	vadd.f32 v14, v45  }
0x27b: {  	v11 =	vadd.f32 v17, v11;
	v6 =	vadd.f32 v10, v6;
	v10 =	vld [tilespmem:s22+$0x120]  }
0x27c: {  	v58 =	vld [tilespmem:s22+$0x50];
	v9 =	vadd.f32 v13, v9;
	v7 =	vadd.f32 v15, v7  }
0x27d: {  	v13 =	vld [tilespmem:s22+$0xC0];
	v15 =	vadd.f32 v62, v61;
	v12 =	vadd.f32 v14, v12  }
0x27e: {  	v9 =	vadd.f32 v9, v11;
	v11 =	vld [tilespmem:s22+$0x1C0];
	v14 =	vadd.f32 v59, v18  }
0x27f: {  	v59 =	vadd.f32 v34, v63;
	v0 =	vadd.f32 v15, v0;
	v15 =	vld [tilespmem:s22+$0x130]  }
0x280: {  	v61 =	vld [tilespmem:s22+$0x150];
	v8 =	vadd.f32 v60, v8;
	v10 =	vadd.f32 v46, v10  }
0x281: {  	v60 =	vld [tilespmem:s22+$0xD0];
	v4 =	vadd.f32 v12, v4;
	v5 =	vadd.f32 v9, v5  }
0x282: {  	v12 =	vadd.f32 v52, v49;
	v9 =	vadd.f32 v10, v59;
	v10 =	vld [tilespmem:s22+$0x1D0]  }
0x283: {  	v62 =	vld [tilespmem:s22+$0xE0];
	v13 =	vadd.f32 v13, v56;
	v8 =	vadd.f32 v8, v14  }
0x284: {  	v11 =	vadd.f32 v11, v57;
	v14 =	vadd.f32 v55, v15;
	v15 =	vld [tilespmem:s22+$0x60]  }
0x285: {  	v6 =	vadd.f32 v8, v6;
	v7 =	vadd.f32 v9, v7;
	v9 =	vld [tilespmem:s22+$0x160]  }
0x286: {  	s21 =	simm.s32 $0x200;
	v11 =	vadd.f32 v11, v13;
	v14 =	vadd.f32 v14, v12;
	v12 =	vld [tilespmem:s22+$0x1E0]  }
0x287: {  	v8 =	vld [tilespmem:s21+$0x70];
	v13 =	vadd.f32 v60, v58;
	v63 =	vadd.f32 v10, v61  }
0x288: {  	v1 =	vadd.f32 v11, v1;
	v11 =	vld [tilespmem:s21+$0x170];
	v0 =	vadd.f32 v14, v0  }
0x289: {  	s22 =	simm.s32 $0x1000;
	v10 =	vld [tilespmem:s21+$0xF0];
	v14 =	vadd.f32 v62, v15;
	v13 =	vadd.f32 v63, v13  }
.LBB2_14:
0x28a: {  	p0 =	sne.s32 s22, $0x1F800;
	v15 =	vld [tilespmem:s21+$0x1F0]  }
0x28b: {  	v16 =	vld [tilespmem:s21+$0x0];
	v2 =	vadd.f32 v13, v2;
	v9 =	vadd.f32 v12, v9  }
0x28c: {  	v12 =	vld [tilespmem:s21+$0x80]  }
0x28d: {  	v13 =	vld [tilespmem:s21+$0x100];
	v9 =	vadd.f32 v9, v14  }
0x28e: {  	v14 =	vld [tilespmem:s21+$0x180]  }
0x28f: {  	v8 =	vadd.f32 v10, v8;
	v17 =	vld [tilespmem:s21+$0x10];
	v10 =	vadd.f32 v15, v11  }
0x290: {  	v3 =	vadd.f32 v9, v3;
	v11 =	vld [tilespmem:s21+$0x90]  }
0x291: {  	v9 =	vadd.f32 v12, v16;
	v12 =	vld [tilespmem:s21+$0x110];
	v8 =	vadd.f32 v10, v8  }
0x292: {  	v10 =	vld [tilespmem:s21+$0x190]  }
0x293: {  	v13 =	vadd.f32 v14, v13;
	v14 =	vld [tilespmem:s21+$0x20];
	v4 =	vadd.f32 v8, v4  }
0x294: {  	v8 =	vld [tilespmem:s21+$0xA0]  }
0x295: {  	v9 =	vadd.f32 v13, v9;
	v11 =	vadd.f32 v11, v17;
	v13 =	vld [tilespmem:s21+$0x120]  }
0x296: {  	v15 =	vld [tilespmem:s21+$0x1A0]  }
0x297: {  	v5 =	vadd.f32 v9, v5;
	v9 =	vadd.f32 v10, v12;
	v10 =	vld [tilespmem:s21+$0x30]  }
0x298: {  	v12 =	vld [tilespmem:s21+$0xB0]  }
0x299: {  	v9 =	vadd.f32 v9, v11;
	v8 =	vadd.f32 v8, v14;
	v11 =	vld [tilespmem:s21+$0x130]  }
0x29a: {  	v14 =	vld [tilespmem:s21+$0x1B0]  }
0x29b: {  	v6 =	vadd.f32 v9, v6;
	v9 =	vadd.f32 v15, v13;
	v13 =	vld [tilespmem:s21+$0x40]  }
0x29c: {  	v15 =	vld [tilespmem:s21+$0xC0]  }
0x29d: {  	v8 =	vadd.f32 v9, v8;
	v9 =	vadd.f32 v12, v10;
	v10 =	vld [tilespmem:s21+$0x140]  }
0x29e: {  	v12 =	vld [tilespmem:s21+$0x1C0]  }
0x29f: {  	v7 =	vadd.f32 v8, v7;
	v8 =	vadd.f32 v14, v11;
	v11 =	vld [tilespmem:s21+$0x50]  }
0x2a0: {  	v14 =	vld [tilespmem:s21+$0xD0]  }
0x2a1: {  	v8 =	vadd.f32 v8, v9;
	v9 =	vadd.f32 v15, v13;
	v13 =	vld [tilespmem:s21+$0x150]  }
0x2a2: {  	v15 =	vld [tilespmem:s21+$0x1D0]  }
0x2a3: {  	v0 =	vadd.f32 v8, v0;
	v8 =	vadd.f32 v12, v10;
	v16 =	vld [tilespmem:s21+$0x60]  }
0x2a4: {  	v17 =	vld [tilespmem:s21+$0xE0]  }
.Ltmp6:
0x2a5: {  	v10 =	vadd.f32 v8, v9;
	v14 =	vadd.f32 v14, v11;
	v9 =	vld [tilespmem:s21+$0x160];
	(pc) =	sbr.rel @p0 .LBB2_14-.Ltmp6, $4  }
0x2a6: {  	v12 =	vld [tilespmem:s21+$0x1E0];
	s21 =	sshra.s32 s22, $0x2  }
0x2a7: {  	v8 =	vld [tilespmem:s21+$0x70];
	v1 =	vadd.f32 v10, v1;
	v13 =	vadd.f32 v15, v13  }
0x2a8: {  	v10 =	vld [tilespmem:s21+$0xF0]  }
0x2a9: {  	s22 =	sadd.s32 $0x800, s22;
	v11 =	vld [tilespmem:s21+$0x170];
	v13 =	vadd.f32 v13, v14;
	v14 =	vadd.f32 v17, v16  }
0x2aa: {  	v15 =	vld [tilespmem:s21+$0x1F0]  }
0x2ab: {  	v16 =	vld [tilespmem:s21+$0x0]  }
0x2ac: {  	v17 =	vld [tilespmem:s21+$0x80]  }
0x2ad: {  	v18 =	vld [tilespmem:s21+$0x100]  }
0x2ae: {  	v19 =	vld [tilespmem:s21+$0x180]  }
0x2af: {  	v20 =	vld [tilespmem:s21+$0x10]  }
0x2b0: {  	v21 =	vld [tilespmem:s21+$0x90]  }
0x2b1: {  	v22 =	vld [tilespmem:s21+$0x110]  }
0x2b2: {  	v23 =	vld [tilespmem:s21+$0x190]  }
0x2b3: {  	v24 =	vld [tilespmem:s21+$0x20]  }
0x2b4: {  	v25 =	vld [tilespmem:s21+$0xA0]  }
0x2b5: {  	v26 =	vld [tilespmem:s21+$0x120]  }
0x2b6: {  	v27 =	vld [tilespmem:s21+$0x1A0]  }
0x2b7: {  	v28 =	vld [tilespmem:s21+$0x30]  }
0x2b8: {  	v29 =	vld [tilespmem:s21+$0xB0]  }
0x2b9: {  	v30 =	vld [tilespmem:s21+$0x130]  }
0x2ba: {  	v31 =	vld [tilespmem:s21+$0x1B0]  }
0x2bb: {  	v32 =	vld [tilespmem:s21+$0x40]  }
0x2bc: {  	v33 =	vld [tilespmem:s21+$0xC0]  }
0x2bd: {  	v34 =	vld [tilespmem:s21+$0x140]  }
0x2be: {  	v35 =	vld [tilespmem:s21+$0x1C0]  }
0x2bf: {  	v36 =	vld [tilespmem:s21+$0x50]  }
0x2c0: {  	v37 =	vld [tilespmem:s21+$0xD0]  }
0x2c1: {  	v38 =	vld [tilespmem:s21+$0x150]  }
0x2c2: {  	v39 =	vld [tilespmem:s21+$0x1D0]  }
0x2c3: {  	v40 =	vld [tilespmem:s21+$0x60]  }
0x2c4: {  	v41 =	vld [tilespmem:s21+$0xE0]  }
0x2c5: {  	v42 =	vld [tilespmem:s21+$0x160];
	s31 =	simm.s32 $0x0  }
0x2c6: {  	v43 =	vld [tilespmem:s21+$0x1E0];
	[tilespmem:s31], [sflag:$0x1] =	stream.linear.gather [hbm4b:s11+s31], $0x8000, $0x38  }
0x2c7: {  	_ =	swait.ge [sflag:s17], $0x8000  }
0x2c8: {  	[sflag:s17] =	ssyncset.done $0x0  }
0x2c9: {  	s22 =	simm.s32 $0x0;
	[sflag:s17] =	ssyncadd.s32 $0xFFFF8000  }
0x2ca: {  	v44 =	vld [tilespmem:s22+$0x8070]  }
0x2cb: {  	v9 =	vadd.f32 v12, v9;
	v12 =	vld [tilespmem:s22+$0x80F0]  }
0x2cc: {  	v45 =	vld [tilespmem:s22+$0x8170]  }
0x2cd: {  	v9 =	vadd.f32 v9, v14;
	v14 =	vld [tilespmem:s22+$0x81F0]  }
0x2ce: {  	v8 =	vadd.f32 v10, v8;
	v10 =	vadd.f32 v15, v11;
	v11 =	vld [tilespmem:s22+$0x8000]  }
0x2cf: {  	v2 =	vadd.f32 v13, v2;
	v15 =	vadd.f32 v17, v16;
	v17 =	vld [tilespmem:s22+$0x8080]  }
0x2d0: {  	v55 =	vadd.f32 v19, v18;
	v3 =	vadd.f32 v9, v3;
	v9 =	vld [tilespmem:s22+$0x8100]  }
0x2d1: {  	v13 =	vld [tilespmem:s22+$0x8180];
	v56 =	vadd.f32 v23, v22;
	v57 =	vadd.f32 v25, v24  }
0x2d2: {  	v18 =	vld [tilespmem:s22+$0x8010];
	v58 =	vadd.f32 v27, v26;
	v61 =	vadd.f32 v29, v28  }
0x2d3: {  	v59 =	vld [tilespmem:s22+$0x8090];
	v62 =	vadd.f32 v31, v30;
	v32 =	vadd.f32 v33, v32  }
0x2d4: {  	v60 =	vld [tilespmem:s22+$0x8190];
	v33 =	vadd.f32 v35, v34;
	v47 =	vadd.f32 v37, v36  }
0x2d5: {  	v63 =	vld [tilespmem:s22+$0x8020];
	v48 =	vadd.f32 v39, v38;
	v50 =	vadd.f32 v41, v40  }
0x2d6: {  	v34 =	vld [tilespmem:s22+$0x80A0];
	v51 =	vadd.f32 v43, v42;
	v8 =	vadd.f32 v10, v8  }
0x2d7: {  	v46 =	vld [tilespmem:s22+$0x81A0];
	v10 =	vadd.f32 v55, v15;
	v15 =	vadd.f32 v21, v20  }
0x2d8: {  	v49 =	vld [tilespmem:s22+$0x8030];
	v35 =	vadd.f32 v33, v32;
	v53 =	vadd.f32 v48, v47  }
0x2d9: {  	v52 =	vld [tilespmem:s22+$0x80B0];
	v54 =	vadd.f32 v51, v50;
	v4 =	vadd.f32 v8, v4  }
0x2da: {  	v55 =	vld [tilespmem:s22+$0x81B0];
	v5 =	vadd.f32 v10, v5;
	v10 =	vadd.f32 v56, v15  }
0x2db: {  	v8 =	vld [tilespmem:s22+$0x8110];
	v15 =	vadd.f32 v58, v57;
	v1 =	vadd.f32 v35, v1  }
0x2dc: {  	v56 =	vld [tilespmem:s22+$0x8040];
	v2 =	vadd.f32 v53, v2;
	v3 =	vadd.f32 v54, v3  }
0x2dd: {  	v57 =	vld [tilespmem:s22+$0x8140];
	v12 =	vadd.f32 v12, v44;
	v14 =	vadd.f32 v14, v45  }
0x2de: {  	v11 =	vadd.f32 v17, v11;
	v6 =	vadd.f32 v10, v6;
	v10 =	vld [tilespmem:s22+$0x8120]  }
0x2df: {  	v58 =	vld [tilespmem:s22+$0x8050];
	v9 =	vadd.f32 v13, v9;
	v7 =	vadd.f32 v15, v7  }
0x2e0: {  	v13 =	vld [tilespmem:s22+$0x80C0];
	v15 =	vadd.f32 v62, v61;
	v12 =	vadd.f32 v14, v12  }
0x2e1: {  	v9 =	vadd.f32 v9, v11;
	v11 =	vld [tilespmem:s22+$0x81C0];
	v14 =	vadd.f32 v59, v18  }
0x2e2: {  	v59 =	vadd.f32 v34, v63;
	v0 =	vadd.f32 v15, v0;
	v15 =	vld [tilespmem:s22+$0x8130]  }
0x2e3: {  	v61 =	vld [tilespmem:s22+$0x8150];
	v8 =	vadd.f32 v60, v8;
	v10 =	vadd.f32 v46, v10  }
0x2e4: {  	v60 =	vld [tilespmem:s22+$0x80D0];
	v4 =	vadd.f32 v12, v4;
	v5 =	vadd.f32 v9, v5  }
0x2e5: {  	v12 =	vadd.f32 v52, v49;
	v9 =	vadd.f32 v10, v59;
	v10 =	vld [tilespmem:s22+$0x81D0]  }
0x2e6: {  	v62 =	vld [tilespmem:s22+$0x80E0];
	v13 =	vadd.f32 v13, v56;
	v8 =	vadd.f32 v8, v14  }
0x2e7: {  	v11 =	vadd.f32 v11, v57;
	v14 =	vadd.f32 v55, v15;
	v15 =	vld [tilespmem:s22+$0x8060]  }
0x2e8: {  	v6 =	vadd.f32 v8, v6;
	v7 =	vadd.f32 v9, v7;
	v9 =	vld [tilespmem:s22+$0x8160]  }
0x2e9: {  	s21 =	simm.s32 $0x200;
	v11 =	vadd.f32 v11, v13;
	v14 =	vadd.f32 v14, v12;
	v12 =	vld [tilespmem:s22+$0x81E0]  }
0x2ea: {  	v8 =	vld [tilespmem:s21+$0x8070];
	v13 =	vadd.f32 v60, v58;
	v63 =	vadd.f32 v10, v61  }
0x2eb: {  	v1 =	vadd.f32 v11, v1;
	v11 =	vld [tilespmem:s21+$0x8170];
	v0 =	vadd.f32 v14, v0  }
0x2ec: {  	s22 =	simm.s32 $0x1000;
	v10 =	vld [tilespmem:s21+$0x80F0];
	v14 =	vadd.f32 v62, v15;
	v13 =	vadd.f32 v63, v13  }
.LBB2_16:
0x2ed: {  	p0 =	sne.s32 s22, $0x1F800;
	v15 =	vld [tilespmem:s21+$0x81F0]  }
0x2ee: {  	v16 =	vld [tilespmem:s21+$0x8000];
	v2 =	vadd.f32 v13, v2;
	v9 =	vadd.f32 v12, v9  }
0x2ef: {  	v12 =	vld [tilespmem:s21+$0x8080]  }
0x2f0: {  	v13 =	vld [tilespmem:s21+$0x8100];
	v9 =	vadd.f32 v9, v14  }
0x2f1: {  	v14 =	vld [tilespmem:s21+$0x8180]  }
0x2f2: {  	v8 =	vadd.f32 v10, v8;
	v17 =	vld [tilespmem:s21+$0x8010];
	v10 =	vadd.f32 v15, v11  }
0x2f3: {  	v3 =	vadd.f32 v9, v3;
	v11 =	vld [tilespmem:s21+$0x8090]  }
0x2f4: {  	v9 =	vadd.f32 v12, v16;
	v12 =	vld [tilespmem:s21+$0x8110];
	v8 =	vadd.f32 v10, v8  }
0x2f5: {  	v10 =	vld [tilespmem:s21+$0x8190]  }
0x2f6: {  	v13 =	vadd.f32 v14, v13;
	v14 =	vld [tilespmem:s21+$0x8020];
	v4 =	vadd.f32 v8, v4  }
0x2f7: {  	v8 =	vld [tilespmem:s21+$0x80A0]  }
0x2f8: {  	v9 =	vadd.f32 v13, v9;
	v11 =	vadd.f32 v11, v17;
	v13 =	vld [tilespmem:s21+$0x8120]  }
0x2f9: {  	v15 =	vld [tilespmem:s21+$0x81A0]  }
0x2fa: {  	v5 =	vadd.f32 v9, v5;
	v9 =	vadd.f32 v10, v12;
	v10 =	vld [tilespmem:s21+$0x8030]  }
0x2fb: {  	v12 =	vld [tilespmem:s21+$0x80B0]  }
0x2fc: {  	v9 =	vadd.f32 v9, v11;
	v8 =	vadd.f32 v8, v14;
	v11 =	vld [tilespmem:s21+$0x8130]  }
0x2fd: {  	v14 =	vld [tilespmem:s21+$0x81B0]  }
0x2fe: {  	v6 =	vadd.f32 v9, v6;
	v9 =	vadd.f32 v15, v13;
	v13 =	vld [tilespmem:s21+$0x8040]  }
0x2ff: {  	v15 =	vld [tilespmem:s21+$0x80C0]  }
0x300: {  	v8 =	vadd.f32 v9, v8;
	v9 =	vadd.f32 v12, v10;
	v10 =	vld [tilespmem:s21+$0x8140]  }
0x301: {  	v12 =	vld [tilespmem:s21+$0x81C0]  }
0x302: {  	v7 =	vadd.f32 v8, v7;
	v8 =	vadd.f32 v14, v11;
	v11 =	vld [tilespmem:s21+$0x8050]  }
0x303: {  	v14 =	vld [tilespmem:s21+$0x80D0]  }
0x304: {  	v8 =	vadd.f32 v8, v9;
	v9 =	vadd.f32 v15, v13;
	v13 =	vld [tilespmem:s21+$0x8150]  }
0x305: {  	v15 =	vld [tilespmem:s21+$0x81D0]  }
0x306: {  	v0 =	vadd.f32 v8, v0;
	v8 =	vadd.f32 v12, v10;
	v16 =	vld [tilespmem:s21+$0x8060]  }
0x307: {  	v17 =	vld [tilespmem:s21+$0x80E0]  }
.Ltmp7:
0x308: {  	v10 =	vadd.f32 v8, v9;
	v14 =	vadd.f32 v14, v11;
	v9 =	vld [tilespmem:s21+$0x8160];
	(pc) =	sbr.rel @p0 .LBB2_16-.Ltmp7, $4  }
0x309: {  	v12 =	vld [tilespmem:s21+$0x81E0];
	s21 =	sshra.s32 s22, $0x2  }
0x30a: {  	v8 =	vld [tilespmem:s21+$0x8070];
	v1 =	vadd.f32 v10, v1;
	v13 =	vadd.f32 v15, v13  }
0x30b: {  	v10 =	vld [tilespmem:s21+$0x80F0]  }
0x30c: {  	s22 =	sadd.s32 $0x800, s22;
	v11 =	vld [tilespmem:s21+$0x8170];
	v13 =	vadd.f32 v13, v14;
	v14 =	vadd.f32 v17, v16  }
0x30d: {  	v15 =	vld [tilespmem:s21+$0x81F0]  }
0x30e: {  	v16 =	vld [tilespmem:s21+$0x8000]  }
0x30f: {  	v17 =	vld [tilespmem:s21+$0x8080]  }
0x310: {  	v18 =	vld [tilespmem:s21+$0x8100]  }
0x311: {  	v19 =	vld [tilespmem:s21+$0x8180]  }
0x312: {  	v20 =	vld [tilespmem:s21+$0x8010]  }
0x313: {  	v21 =	vld [tilespmem:s21+$0x8090]  }
0x314: {  	v22 =	vld [tilespmem:s21+$0x8110]  }
0x315: {  	v23 =	vld [tilespmem:s21+$0x8190]  }
0x316: {  	v24 =	vld [tilespmem:s21+$0x8020]  }
0x317: {  	v25 =	vld [tilespmem:s21+$0x80A0]  }
0x318: {  	v26 =	vld [tilespmem:s21+$0x8120]  }
0x319: {  	v27 =	vld [tilespmem:s21+$0x81A0]  }
0x31a: {  	v28 =	vld [tilespmem:s21+$0x8030]  }
0x31b: {  	v29 =	vld [tilespmem:s21+$0x80B0]  }
0x31c: {  	v30 =	vld [tilespmem:s21+$0x8130]  }
0x31d: {  	v31 =	vld [tilespmem:s21+$0x81B0]  }
0x31e: {  	v32 =	vld [tilespmem:s21+$0x8040]  }
0x31f: {  	v33 =	vld [tilespmem:s21+$0x80C0]  }
0x320: {  	v34 =	vld [tilespmem:s21+$0x8140]  }
0x321: {  	v35 =	vld [tilespmem:s21+$0x81C0]  }
0x322: {  	v36 =	vld [tilespmem:s21+$0x8050]  }
0x323: {  	v37 =	vld [tilespmem:s21+$0x80D0]  }
0x324: {  	v38 =	vld [tilespmem:s21+$0x8150]  }
0x325: {  	v39 =	vld [tilespmem:s21+$0x81D0]  }
0x326: {  	v40 =	vld [tilespmem:s21+$0x8060]  }
0x327: {  	v41 =	vld [tilespmem:s21+$0x80E0]  }
0x328: {  	v42 =	vld [tilespmem:s21+$0x8160];
	s31 =	simm.s32 $0x0  }
0x329: {  	v43 =	vld [tilespmem:s21+$0x81E0];
	[tilespmem:s15], [sflag:$0x2] =	stream.linear.gather [hbm4b:s12+s31], $0x8000, $0x38  }
0x32a: {  	_ =	swait.ge [sflag:s16], $0x8000  }
0x32b: {  	[sflag:s16] =	ssyncset.done $0x0  }
0x32c: {  	s22 =	simm.s32 $0x0;
	[sflag:s16] =	ssyncadd.s32 $0xFFFF8000  }
0x32d: {  	v44 =	vld [tilespmem:s22+$0x70]  }
0x32e: {  	v9 =	vadd.f32 v12, v9;
	v12 =	vld [tilespmem:s22+$0xF0]  }
0x32f: {  	v45 =	vld [tilespmem:s22+$0x170]  }
0x330: {  	v9 =	vadd.f32 v9, v14;
	v14 =	vld [tilespmem:s22+$0x1F0]  }
0x331: {  	v8 =	vadd.f32 v10, v8;
	v10 =	vadd.f32 v15, v11;
	v11 =	vld [tilespmem:s22+$0x0]  }
0x332: {  	v2 =	vadd.f32 v13, v2;
	v15 =	vadd.f32 v17, v16;
	v17 =	vld [tilespmem:s22+$0x80]  }
0x333: {  	v55 =	vadd.f32 v19, v18;
	v3 =	vadd.f32 v9, v3;
	v9 =	vld [tilespmem:s22+$0x100]  }
0x334: {  	v13 =	vld [tilespmem:s22+$0x180];
	v56 =	vadd.f32 v23, v22;
	v57 =	vadd.f32 v25, v24  }
0x335: {  	v18 =	vld [tilespmem:s22+$0x10];
	v58 =	vadd.f32 v27, v26;
	v61 =	vadd.f32 v29, v28  }
0x336: {  	v59 =	vld [tilespmem:s22+$0x90];
	v62 =	vadd.f32 v31, v30;
	v32 =	vadd.f32 v33, v32  }
0x337: {  	v60 =	vld [tilespmem:s22+$0x190];
	v33 =	vadd.f32 v35, v34;
	v47 =	vadd.f32 v37, v36  }
0x338: {  	v63 =	vld [tilespmem:s22+$0x20];
	v48 =	vadd.f32 v39, v38;
	v50 =	vadd.f32 v41, v40  }
0x339: {  	v34 =	vld [tilespmem:s22+$0xA0];
	v51 =	vadd.f32 v43, v42;
	v8 =	vadd.f32 v10, v8  }
0x33a: {  	v46 =	vld [tilespmem:s22+$0x1A0];
	v10 =	vadd.f32 v55, v15;
	v15 =	vadd.f32 v21, v20  }
0x33b: {  	v49 =	vld [tilespmem:s22+$0x30];
	v35 =	vadd.f32 v33, v32;
	v53 =	vadd.f32 v48, v47  }
0x33c: {  	v52 =	vld [tilespmem:s22+$0xB0];
	v54 =	vadd.f32 v51, v50;
	v4 =	vadd.f32 v8, v4  }
0x33d: {  	v55 =	vld [tilespmem:s22+$0x1B0];
	v5 =	vadd.f32 v10, v5;
	v10 =	vadd.f32 v56, v15  }
0x33e: {  	v8 =	vld [tilespmem:s22+$0x110];
	v15 =	vadd.f32 v58, v57;
	v1 =	vadd.f32 v35, v1  }
0x33f: {  	v56 =	vld [tilespmem:s22+$0x40];
	v2 =	vadd.f32 v53, v2;
	v3 =	vadd.f32 v54, v3  }
0x340: {  	v57 =	vld [tilespmem:s22+$0x140];
	v12 =	vadd.f32 v12, v44;
	v14 =	vadd.f32 v14, v45  }
0x341: {  	v11 =	vadd.f32 v17, v11;
	v6 =	vadd.f32 v10, v6;
	v10 =	vld [tilespmem:s22+$0x120]  }
0x342: {  	v58 =	vld [tilespmem:s22+$0x50];
	v9 =	vadd.f32 v13, v9;
	v7 =	vadd.f32 v15, v7  }
0x343: {  	v13 =	vld [tilespmem:s22+$0xC0];
	v15 =	vadd.f32 v62, v61;
	v12 =	vadd.f32 v14, v12  }
0x344: {  	v9 =	vadd.f32 v9, v11;
	v11 =	vld [tilespmem:s22+$0x1C0];
	v14 =	vadd.f32 v59, v18  }
0x345: {  	v59 =	vadd.f32 v34, v63;
	v0 =	vadd.f32 v15, v0;
	v15 =	vld [tilespmem:s22+$0x130]  }
0x346: {  	v61 =	vld [tilespmem:s22+$0x150];
	v8 =	vadd.f32 v60, v8;
	v10 =	vadd.f32 v46, v10  }
0x347: {  	v60 =	vld [tilespmem:s22+$0xD0];
	v4 =	vadd.f32 v12, v4;
	v5 =	vadd.f32 v9, v5  }
0x348: {  	v12 =	vadd.f32 v52, v49;
	v9 =	vadd.f32 v10, v59;
	v10 =	vld [tilespmem:s22+$0x1D0]  }
0x349: {  	v62 =	vld [tilespmem:s22+$0xE0];
	v13 =	vadd.f32 v13, v56;
	v8 =	vadd.f32 v8, v14  }
0x34a: {  	v11 =	vadd.f32 v11, v57;
	v14 =	vadd.f32 v55, v15;
	v15 =	vld [tilespmem:s22+$0x60]  }
0x34b: {  	v6 =	vadd.f32 v8, v6;
	v7 =	vadd.f32 v9, v7;
	v9 =	vld [tilespmem:s22+$0x160]  }
0x34c: {  	s21 =	simm.s32 $0x200;
	v11 =	vadd.f32 v11, v13;
	v14 =	vadd.f32 v14, v12;
	v12 =	vld [tilespmem:s22+$0x1E0]  }
0x34d: {  	v8 =	vld [tilespmem:s21+$0x70];
	v13 =	vadd.f32 v60, v58;
	v63 =	vadd.f32 v10, v61  }
0x34e: {  	v1 =	vadd.f32 v11, v1;
	v11 =	vld [tilespmem:s21+$0x170];
	v0 =	vadd.f32 v14, v0  }
0x34f: {  	s22 =	simm.s32 $0x1000;
	v10 =	vld [tilespmem:s21+$0xF0];
	v14 =	vadd.f32 v62, v15;
	v13 =	vadd.f32 v63, v13  }
.LBB2_18:
0x350: {  	p0 =	sne.s32 s22, $0x1F800;
	v15 =	vld [tilespmem:s21+$0x1F0]  }
0x351: {  	v16 =	vld [tilespmem:s21+$0x0];
	v2 =	vadd.f32 v13, v2;
	v9 =	vadd.f32 v12, v9  }
0x352: {  	v12 =	vld [tilespmem:s21+$0x80]  }
0x353: {  	v13 =	vld [tilespmem:s21+$0x100];
	v9 =	vadd.f32 v9, v14  }
0x354: {  	v14 =	vld [tilespmem:s21+$0x180]  }
0x355: {  	v8 =	vadd.f32 v10, v8;
	v17 =	vld [tilespmem:s21+$0x10];
	v10 =	vadd.f32 v15, v11  }
0x356: {  	v3 =	vadd.f32 v9, v3;
	v11 =	vld [tilespmem:s21+$0x90]  }
0x357: {  	v9 =	vadd.f32 v12, v16;
	v12 =	vld [tilespmem:s21+$0x110];
	v8 =	vadd.f32 v10, v8  }
0x358: {  	v10 =	vld [tilespmem:s21+$0x190]  }
0x359: {  	v13 =	vadd.f32 v14, v13;
	v14 =	vld [tilespmem:s21+$0x20];
	v4 =	vadd.f32 v8, v4  }
0x35a: {  	v8 =	vld [tilespmem:s21+$0xA0]  }
0x35b: {  	v9 =	vadd.f32 v13, v9;
	v11 =	vadd.f32 v11, v17;
	v13 =	vld [tilespmem:s21+$0x120]  }
0x35c: {  	v15 =	vld [tilespmem:s21+$0x1A0]  }
0x35d: {  	v5 =	vadd.f32 v9, v5;
	v9 =	vadd.f32 v10, v12;
	v10 =	vld [tilespmem:s21+$0x30]  }
0x35e: {  	v12 =	vld [tilespmem:s21+$0xB0]  }
0x35f: {  	v9 =	vadd.f32 v9, v11;
	v8 =	vadd.f32 v8, v14;
	v11 =	vld [tilespmem:s21+$0x130]  }
0x360: {  	v14 =	vld [tilespmem:s21+$0x1B0]  }
0x361: {  	v6 =	vadd.f32 v9, v6;
	v9 =	vadd.f32 v15, v13;
	v13 =	vld [tilespmem:s21+$0x40]  }
0x362: {  	v15 =	vld [tilespmem:s21+$0xC0]  }
0x363: {  	v8 =	vadd.f32 v9, v8;
	v9 =	vadd.f32 v12, v10;
	v10 =	vld [tilespmem:s21+$0x140]  }
0x364: {  	v12 =	vld [tilespmem:s21+$0x1C0]  }
0x365: {  	v7 =	vadd.f32 v8, v7;
	v8 =	vadd.f32 v14, v11;
	v11 =	vld [tilespmem:s21+$0x50]  }
0x366: {  	v14 =	vld [tilespmem:s21+$0xD0]  }
0x367: {  	v8 =	vadd.f32 v8, v9;
	v9 =	vadd.f32 v15, v13;
	v13 =	vld [tilespmem:s21+$0x150]  }
0x368: {  	v15 =	vld [tilespmem:s21+$0x1D0]  }
0x369: {  	v0 =	vadd.f32 v8, v0;
	v8 =	vadd.f32 v12, v10;
	v16 =	vld [tilespmem:s21+$0x60]  }
0x36a: {  	v17 =	vld [tilespmem:s21+$0xE0]  }
.Ltmp8:
0x36b: {  	v10 =	vadd.f32 v8, v9;
	v14 =	vadd.f32 v14, v11;
	v9 =	vld [tilespmem:s21+$0x160];
	(pc) =	sbr.rel @p0 .LBB2_18-.Ltmp8, $4  }
0x36c: {  	v12 =	vld [tilespmem:s21+$0x1E0];
	s21 =	sshra.s32 s22, $0x2  }
0x36d: {  	v8 =	vld [tilespmem:s21+$0x70];
	v1 =	vadd.f32 v10, v1;
	v13 =	vadd.f32 v15, v13  }
0x36e: {  	v10 =	vld [tilespmem:s21+$0xF0]  }
0x36f: {  	s22 =	sadd.s32 $0x800, s22;
	v11 =	vld [tilespmem:s21+$0x170];
	v13 =	vadd.f32 v13, v14;
	v14 =	vadd.f32 v17, v16  }
0x370: {  	v15 =	vld [tilespmem:s21+$0x1F0]  }
0x371: {  	v16 =	vld [tilespmem:s21+$0x0]  }
0x372: {  	v17 =	vld [tilespmem:s21+$0x80]  }
0x373: {  	v18 =	vld [tilespmem:s21+$0x100]  }
0x374: {  	v19 =	vld [tilespmem:s21+$0x180]  }
0x375: {  	v20 =	vld [tilespmem:s21+$0x10]  }
0x376: {  	v21 =	vld [tilespmem:s21+$0x90]  }
0x377: {  	v22 =	vld [tilespmem:s21+$0x110]  }
0x378: {  	v23 =	vld [tilespmem:s21+$0x190]  }
0x379: {  	v24 =	vld [tilespmem:s21+$0x20]  }
0x37a: {  	v25 =	vld [tilespmem:s21+$0xA0]  }
0x37b: {  	v26 =	vld [tilespmem:s21+$0x120]  }
0x37c: {  	v27 =	vld [tilespmem:s21+$0x1A0]  }
0x37d: {  	v28 =	vld [tilespmem:s21+$0x30]  }
0x37e: {  	v29 =	vld [tilespmem:s21+$0xB0]  }
0x37f: {  	v30 =	vld [tilespmem:s21+$0x130]  }
0x380: {  	v31 =	vld [tilespmem:s21+$0x1B0]  }
0x381: {  	v32 =	vld [tilespmem:s21+$0x40]  }
0x382: {  	v33 =	vld [tilespmem:s21+$0xC0]  }
0x383: {  	v34 =	vld [tilespmem:s21+$0x140]  }
0x384: {  	v35 =	vld [tilespmem:s21+$0x1C0]  }
0x385: {  	v36 =	vld [tilespmem:s21+$0x50]  }
0x386: {  	v37 =	vld [tilespmem:s21+$0xD0]  }
0x387: {  	v38 =	vld [tilespmem:s21+$0x150]  }
0x388: {  	v39 =	vld [tilespmem:s21+$0x1D0]  }
0x389: {  	v40 =	vld [tilespmem:s21+$0x60]  }
0x38a: {  	v41 =	vld [tilespmem:s21+$0xE0]  }
0x38b: {  	v42 =	vld [tilespmem:s21+$0x160]  }
0x38c: {  	v43 =	vld [tilespmem:s21+$0x1E0];
	_ =	swait.ge [sflag:s17], $0x8000  }
0x38d: {  	[sflag:s17] =	ssyncset.done $0x0  }
0x38e: {  	s22 =	simm.s32 $0x0;
	[sflag:s17] =	ssyncadd.s32 $0xFFFF8000  }
0x38f: {  	v44 =	vld [tilespmem:s22+$0x8070]  }
0x390: {  	v9 =	vadd.f32 v12, v9;
	v12 =	vld [tilespmem:s22+$0x80F0]  }
0x391: {  	v45 =	vld [tilespmem:s22+$0x8170]  }
0x392: {  	v9 =	vadd.f32 v9, v14;
	v14 =	vld [tilespmem:s22+$0x81F0]  }
0x393: {  	v2 =	vadd.f32 v13, v2;
	v8 =	vadd.f32 v10, v8;
	v13 =	vld [tilespmem:s22+$0x8180]  }
0x394: {  	v63 =	vld [tilespmem:s22+$0x8020];
	v10 =	vadd.f32 v15, v11;
	v15 =	vadd.f32 v17, v16  }
0x395: {  	v48 =	vld [tilespmem:s22+$0x80A0];
	v57 =	vadd.f32 v19, v18;
	v3 =	vadd.f32 v9, v3  }
0x396: {  	v50 =	vld [tilespmem:s22+$0x81A0];
	v58 =	vadd.f32 v23, v22;
	v59 =	vadd.f32 v25, v24  }
0x397: {  	v53 =	vld [tilespmem:s22+$0x8030];
	v60 =	vadd.f32 v27, v26;
	v61 =	vadd.f32 v29, v28  }
0x398: {  	v56 =	vld [tilespmem:s22+$0x80B0];
	v62 =	vadd.f32 v31, v30;
	v46 =	vadd.f32 v33, v32  }
0x399: {  	v11 =	vld [tilespmem:s22+$0x8000];
	v47 =	vadd.f32 v35, v34;
	v51 =	vadd.f32 v37, v36  }
0x39a: {  	v17 =	vld [tilespmem:s22+$0x8080];
	v52 =	vadd.f32 v39, v38;
	v54 =	vadd.f32 v41, v40  }
0x39b: {  	v9 =	vld [tilespmem:s22+$0x8100];
	v55 =	vadd.f32 v43, v42;
	v8 =	vadd.f32 v10, v8  }
0x39c: {  	v18 =	vld [tilespmem:s22+$0x8010];
	v10 =	vadd.f32 v57, v15;
	v15 =	vadd.f32 v21, v20  }
0x39d: {  	v16 =	vld [tilespmem:s22+$0x8190];
	v49 =	vadd.f32 v47, v46;
	v12 =	vadd.f32 v12, v44  }
0x39e: {  	v21 =	vld [tilespmem:s22+$0x8090];
	v14 =	vadd.f32 v14, v45;
	v4 =	vadd.f32 v8, v4  }
0x39f: {  	v5 =	vadd.f32 v10, v5;
	v8 =	vld [tilespmem:s22+$0x8110];
	v10 =	vadd.f32 v58, v15  }
0x3a0: {  	v15 =	vadd.f32 v60, v59;
	v19 =	vadd.f32 v49, v1;
	v58 =	vld [tilespmem:s22+$0x8130]  }
0x3a1: {  	v1 =	vadd.f32 v55, v54;
	v59 =	vld [tilespmem:s22+$0x81B0];
	v6 =	vadd.f32 v10, v6  }
0x3a2: {  	v60 =	vld [tilespmem:s22+$0x8040];
	v10 =	vadd.f32 v15, v7;
	v7 =	vadd.f32 v62, v61  }
0x3a3: {  	v11 =	vadd.f32 v17, v11;
	v9 =	vadd.f32 v13, v9;
	v13 =	vld [tilespmem:s22+$0x80C0]  }
0x3a4: {  	v15 =	vld [tilespmem:s22+$0x8120];
	v57 =	vadd.f32 v7, v0;
	v0 =	vadd.f32 v52, v51  }
0x3a5: {  	v1 =	vadd.f32 v1, v3;
	v3 =	vld [tilespmem:s22+$0x8140];
	v8 =	vadd.f32 v16, v8  }
0x3a6: {  	v61 =	vld [tilespmem:s22+$0x80D0];
	v7 =	vadd.f32 v0, v2;
	v0 =	vadd.f32 v14, v12  }
0x3a7: {  	v2 =	vadd.f32 v9, v11;
	v9 =	vld [tilespmem:s22+$0x81C0];
	v11 =	vadd.f32 v21, v18  }
0x3a8: {  	v62 =	vld [tilespmem:s22+$0x8150];
	v12 =	vadd.f32 v48, v63;
	v13 =	vadd.f32 v13, v60  }
0x3a9: {  	v14 =	vld [tilespmem:s22+$0x8050];
	v15 =	vadd.f32 v50, v15;
	v0 =	vadd.f32 v0, v4  }
0x3aa: {  	v2 =	vadd.f32 v2, v5;
	v4 =	vadd.f32 v8, v11;
	v11 =	vld [tilespmem:s22+$0x81D0]  }
0x3ab: {  	v63 =	vld [tilespmem:s22+$0x80E0];
	v8 =	vadd.f32 v56, v53;
	v5 =	vadd.f32 v15, v12  }
0x3ac: {  	v12 =	vadd.f32 v59, v58;
	v15 =	vld [tilespmem:s22+$0x8060];
	v3 =	vadd.f32 v9, v3  }
0x3ad: {  	v4 =	vadd.f32 v4, v6;
	v5 =	vadd.f32 v5, v10;
	v9 =	vld [tilespmem:s22+$0x8160]  }
0x3ae: {  	s21 =	simm.s32 $0x200;
	v6 =	vadd.f32 v12, v8;
	v12 =	vld [tilespmem:s22+$0x81E0];
	v3 =	vadd.f32 v3, v13  }
0x3af: {  	v8 =	vld [tilespmem:s21+$0x8070];
	v13 =	vadd.f32 v61, v14;
	v14 =	vadd.f32 v11, v62  }
0x3b0: {  	v10 =	vld [tilespmem:s21+$0x80F0];
	v6 =	vadd.f32 v6, v57;
	v3 =	vadd.f32 v3, v19  }
0x3b1: {  	s22 =	simm.s32 $0x1000;
	v11 =	vld [tilespmem:s21+$0x8170];
	v14 =	vadd.f32 v14, v13;
	v13 =	vadd.f32 v63, v15  }
.LBB2_20:
0x3b2: {  	p0 =	sne.s32 s22, $0x1F800;
	v15 =	vld [tilespmem:s21+$0x81F0]  }
0x3b3: {  	v16 =	vld [tilespmem:s21+$0x8000];
	v7 =	vadd.f32 v14, v7;
	v9 =	vadd.f32 v12, v9  }
0x3b4: {  	v12 =	vld [tilespmem:s21+$0x8080]  }
0x3b5: {  	v14 =	vld [tilespmem:s21+$0x8100];
	v9 =	vadd.f32 v9, v13  }
0x3b6: {  	v13 =	vld [tilespmem:s21+$0x8180]  }
0x3b7: {  	v8 =	vadd.f32 v10, v8;
	v17 =	vld [tilespmem:s21+$0x8010];
	v10 =	vadd.f32 v15, v11  }
0x3b8: {  	v1 =	vadd.f32 v9, v1;
	v11 =	vld [tilespmem:s21+$0x8090]  }
0x3b9: {  	v9 =	vadd.f32 v12, v16;
	v12 =	vld [tilespmem:s21+$0x8110];
	v8 =	vadd.f32 v10, v8  }
0x3ba: {  	v10 =	vld [tilespmem:s21+$0x8190]  }
0x3bb: {  	v13 =	vadd.f32 v13, v14;
	v14 =	vld [tilespmem:s21+$0x8020];
	v0 =	vadd.f32 v8, v0  }
0x3bc: {  	v8 =	vld [tilespmem:s21+$0x80A0]  }
0x3bd: {  	v9 =	vadd.f32 v13, v9;
	v11 =	vadd.f32 v11, v17;
	v13 =	vld [tilespmem:s21+$0x8120]  }
0x3be: {  	v15 =	vld [tilespmem:s21+$0x81A0]  }
0x3bf: {  	v2 =	vadd.f32 v9, v2;
	v9 =	vadd.f32 v10, v12;
	v10 =	vld [tilespmem:s21+$0x8030]  }
0x3c0: {  	v12 =	vld [tilespmem:s21+$0x80B0]  }
0x3c1: {  	v9 =	vadd.f32 v9, v11;
	v8 =	vadd.f32 v8, v14;
	v11 =	vld [tilespmem:s21+$0x8130]  }
0x3c2: {  	v14 =	vld [tilespmem:s21+$0x81B0]  }
0x3c3: {  	v4 =	vadd.f32 v9, v4;
	v9 =	vadd.f32 v15, v13;
	v13 =	vld [tilespmem:s21+$0x8040]  }
0x3c4: {  	v15 =	vld [tilespmem:s21+$0x80C0]  }
0x3c5: {  	v8 =	vadd.f32 v9, v8;
	v9 =	vadd.f32 v12, v10;
	v10 =	vld [tilespmem:s21+$0x8140]  }
0x3c6: {  	v12 =	vld [tilespmem:s21+$0x81C0]  }
0x3c7: {  	v5 =	vadd.f32 v8, v5;
	v8 =	vadd.f32 v14, v11;
	v11 =	vld [tilespmem:s21+$0x8050]  }
0x3c8: {  	v14 =	vld [tilespmem:s21+$0x80D0]  }
0x3c9: {  	v8 =	vadd.f32 v8, v9;
	v9 =	vadd.f32 v15, v13;
	v13 =	vld [tilespmem:s21+$0x8150]  }
0x3ca: {  	v15 =	vld [tilespmem:s21+$0x81D0]  }
0x3cb: {  	v6 =	vadd.f32 v8, v6;
	v8 =	vadd.f32 v12, v10;
	v16 =	vld [tilespmem:s21+$0x8060]  }
0x3cc: {  	v17 =	vld [tilespmem:s21+$0x80E0]  }
.Ltmp9:
0x3cd: {  	v10 =	vadd.f32 v8, v9;
	v14 =	vadd.f32 v14, v11;
	v9 =	vld [tilespmem:s21+$0x8160];
	(pc) =	sbr.rel @p0 .LBB2_20-.Ltmp9, $4  }
0x3ce: {  	v12 =	vld [tilespmem:s21+$0x81E0];
	s21 =	sshra.s32 s22, $0x2  }
0x3cf: {  	v8 =	vld [tilespmem:s21+$0x8070];
	v3 =	vadd.f32 v10, v3;
	v13 =	vadd.f32 v15, v13  }
0x3d0: {  	v10 =	vld [tilespmem:s21+$0x80F0]  }
0x3d1: {  	s22 =	sadd.s32 $0x800, s22;
	v11 =	vld [tilespmem:s21+$0x8170];
	v14 =	vadd.f32 v13, v14;
	v13 =	vadd.f32 v17, v16  }
0x3d2: {  	v15 =	vld [tilespmem:s21+$0x81F0]  }
0x3d3: {  	v16 =	vld [tilespmem:s21+$0x8000]  }
0x3d4: {  	v17 =	vld [tilespmem:s21+$0x8080]  }
0x3d5: {  	v18 =	vld [tilespmem:s21+$0x8100]  }
0x3d6: {  	v19 =	vld [tilespmem:s21+$0x8180]  }
0x3d7: {  	v20 =	vld [tilespmem:s21+$0x8010]  }
0x3d8: {  	v21 =	vld [tilespmem:s21+$0x8090]  }
0x3d9: {  	v22 =	vld [tilespmem:s21+$0x8110]  }
0x3da: {  	v23 =	vld [tilespmem:s21+$0x8190]  }
0x3db: {  	v24 =	vld [tilespmem:s21+$0x8020]  }
0x3dc: {  	v25 =	vld [tilespmem:s21+$0x80A0]  }
0x3dd: {  	v26 =	vld [tilespmem:s21+$0x8120]  }
0x3de: {  	v27 =	vld [tilespmem:s21+$0x81A0]  }
0x3df: {  	v28 =	vld [tilespmem:s21+$0x8030]  }
0x3e0: {  	v29 =	vld [tilespmem:s21+$0x80B0]  }
0x3e1: {  	v30 =	vld [tilespmem:s21+$0x8130]  }
0x3e2: {  	v31 =	vld [tilespmem:s21+$0x81B0]  }
0x3e3: {  	v32 =	vld [tilespmem:s21+$0x8040]  }
0x3e4: {  	v33 =	vld [tilespmem:s21+$0x80C0]  }
0x3e5: {  	v34 =	vld [tilespmem:s21+$0x8140]  }
0x3e6: {  	v37 =	vld [tilespmem:s21+$0x81C0]  }
0x3e7: {  	v40 =	vld [tilespmem:s21+$0x8050]  }
0x3e8: {  	v41 =	vld [tilespmem:s21+$0x80D0];
	v9 =	vadd.f32 v12, v9  }
0x3e9: {  	v43 =	vld [tilespmem:s21+$0x8150];
	v7 =	vadd.f32 v14, v7  }
0x3ea: {  	v46 =	vld [tilespmem:s21+$0x81D0];
	v9 =	vadd.f32 v9, v13;
	v8 =	vadd.f32 v10, v8  }
0x3eb: {  	v49 =	vld [tilespmem:s21+$0x8060];
	v38 =	vadd.f32 v17, v16;
	v39 =	vadd.f32 v19, v18  }
0x3ec: {  	v50 =	vld [tilespmem:s21+$0x80E0];
	v11 =	vadd.f32 v15, v11;
	v44 =	vadd.f32 v21, v20  }
0x3ed: {  	v53 =	vld [tilespmem:s21+$0x8160];
	v45 =	vadd.f32 v23, v22;
	v47 =	vadd.f32 v25, v24  }
0x3ee: {  	v56 =	vld [tilespmem:s21+$0x81E0];
	v48 =	vadd.f32 v27, v26;
	v1 =	vadd.f32 v9, v1  }
0x3ef: {  	v54 =	vadd.f32 v29, v28;
	v55 =	vadd.f32 v31, v30  }
0x3f0: {  	v57 =	vadd.f32 v33, v32;
	v12 =	vadd.f32 v37, v34  }
0x3f1: {  	v10 =	vadd.f32 v41, v40;
	v14 =	vadd.f32 v46, v43  }
0x3f2: {  	v9 =	vadd.f32 v50, v49;
	v42 =	vadd.f32 v39, v38  }
0x3f3: {  	v59 =	vadd.f32 v56, v53;
	v51 =	vadd.f32 v45, v44  }
0x3f4: {  	v52 =	vadd.f32 v48, v47;
	v2 =	vadd.f32 v42, v2  }
0x3f5: {  	v58 =	vadd.f32 v55, v54;
	v4 =	vadd.f32 v51, v4  }
0x3f6: {  	v12 =	vadd.f32 v12, v57;
	v5 =	vadd.f32 v52, v5;
	[tilespmem:$0x10000] =	vst v2  }
0x3f7: {  	v61 =	vadd.f32 v14, v10;
	v60 =	vadd.f32 v58, v6;
	[tilespmem:$0x10010] =	vst v4  }
0x3f8: {  	v62 =	vadd.f32 v59, v9;
	v3 =	vadd.f32 v12, v3;
	[tilespmem:$0x10020] =	vst v5  }
0x3f9: {  	v63 =	vadd.f32 v11, v8;
	v6 =	vadd.f32 v61, v7;
	[tilespmem:$0x10030] =	vst v60  }
0x3fa: {  	v1 =	vadd.f32 v62, v1;
	[tilespmem:$0x10040] =	vst v3  }
0x3fb: {  	s20 =	sadd.s32 $0x1, s20;
	v0 =	vadd.f32 v63, v0;
	[tilespmem:$0x10050] =	vst v6  }
0x3fc: {  	p0 =	sne.s32 s20, s14;
	[tilespmem:$0x10060] =	vst v1  }
.Ltmp10:
0x3fd: {  	[tilespmem:$0x10070] =	vst v0;
	(pc) =	sbr.rel @p0 .LBB2_1-.Ltmp10, $4  }
0x3fe: {  	[hbm4b:s13+s2] =	stream.linear.scatter [tilespmem:s18], [sflag:$0x3], $0x80, $0x38;
	[tilespmem:$0x10080] =	vst v63  }
0x3ff: {  	_ =	swait.ge [sflag:s19], $0x80  }
0x400: {  	[sflag:s19] =	ssyncset.done $0x0  }
0x401: {  	[sflag:s19] =	ssyncadd.s32 $0xFFFFFF80  }
0x402: {  	_ =	sfence.sel $0x180000  }
0x403: {  	[bflag:$0x0] =	sbarrier.arrive $0xFFFF  }
0x404: {  	p0 =	sne.s32 s0, $0x0;
	_ =	strace $0x90000047  }
0x405: {  	s0 =	sadd.s32 @!p0 $0x100000, s1;
	[bflag:$0x2] =	sbarrier.arrive $0xFFFF  }
0x406: {  	[sflag:s0] =	ssyncadd.tile.s32 @!p0 $0x1;
	_ =	shalt  }
.Lfunc_end2:
_tile_overlayer_lowered:
.L_overlay_start_2:
0x407: {  	(tag) =	ssettag $0x2  }
0x408: {  	s0 =	rddreg [dreg:$0x0];
	s2 =	stileid.u32  }
0x409: {  	s1 =	rddreg [dreg:$0x1];
	p0 =	sne.s32 s2, $0x0  }
0x40a: {  	s3 =	rddreg [dreg:$0x2];
	[bflag:$0x3] =	sbarrier.arrive $0xFFFF;
	s2 =	simm.s32 @!p0 $0x1C03  }
0x40b: {  	[timem:s3], [sflag:s2] =	dma.local @!p0 [hbm:s0], s1  }
0x40c: {  	s0 =	simm.s32 @!p0 $0x3  }
0x40d: {  	_ =	swait.ge @!p0 [sflag:s0], s1  }
0x40e: {  	s1 =	ssub.s32 @!p0 $0x0, s1;
	[sflag:s0] =	ssyncset.done @!p0 $0x0  }
0x40f: {  	[sflag:s0] =	ssyncadd.s32 @!p0 s1  }
0x410: {  	[bflag:$0x3] =	sbarrier.arrive $0xFFFF  }
0x411: {  	_ =	shalt  }

</sc_bundles>
